<compile_context>
chip_gen: v7x
topology: tpu7x:2x2x1
jax: 0.10.2.dev20260603
libtpu: 0.0.44.dev20260713+nightly
codegen_flags: <defaults>
</compile_context>

<pallas_src>
import jax
import jax.numpy as jnp
from jax import lax
from jax.experimental import pallas as pl
from jax.experimental.pallas import tpu as pltpu
from jax.experimental.pallas import tpu_sc as plsc

N_NODES = 10000
IN_DIM = 256
HID_DIM = 128
OUT_DIM = 64
N_EDGES = 160000

NC = 2
NS = 16
EDGE_BLK = 128
NBUF = 2
EDGES_PER_TILE = -(-N_EDGES // NS)
IBLOCKS = -(-EDGES_PER_TILE // EDGE_BLK)
IBLOCKS = -(-IBLOCKS // NBUF) * NBUF
EDGES_PAD = NS * IBLOCKS * EDGE_BLK
NGROUPS = IBLOCKS // NBUF
ACC_ROWS = 10240
ROWS_PER_TILE = ACC_ROWS // NS
ZCHUNK = 128
CNT_W = 16
H1 = HID_DIM // 2
H2 = OUT_DIM // 2

_mesh = plsc.VectorSubcoreMesh(core_axis_name="c", subcore_axis_name="s",
                               num_cores=NC, num_subcores=NS)


def _seg_body(width, with_counts, finish, bf, y_hbm, src_hbm, dst_hbm,
              zacc_hbm, *rest):
  nblk = IBLOCKS // bf
  ngroups = nblk // NBUF
  if with_counts:
    (zcnt_hbm, ones_hbm, out_hbm, cnt_hbm, src_v, dst_v, gb0, gb1, acc,
     gsem0, gsem1, ssem0, ssem1, ones_v, cacc, csem) = rest
  elif finish:
    (hr_hbm, rcp_hbm, out_hbm, src_v, dst_v, gb0, gb1, rbuf, acc,
     gsem0, gsem1, ssem0, ssem1) = rest
  gbuf = (gb0, gb1)
  gsem = (gsem0, gsem1)
  ssem = (ssem0, ssem1)
  c = lax.axis_index("c")
  s = lax.axis_index("s")
  base = s * ROWS_PER_TILE

  pltpu.sync_copy(src_hbm.at[c, s], src_v)
  pltpu.sync_copy(dst_hbm.at[s], dst_v)
  for k in range(ROWS_PER_TILE // ZCHUNK):
    pltpu.sync_copy(zacc_hbm, acc.at[pl.ds(base + k * ZCHUNK, ZCHUNK)])
  if with_counts:
    @pl.when(c == 0)
    def _():
      pltpu.sync_copy(ones_hbm, ones_v)
      for k in range(ROWS_PER_TILE // ZCHUNK):
        pltpu.sync_copy(zcnt_hbm, cacc.at[pl.ds(base + k * ZCHUNK, ZCHUNK)])
  plsc.subcore_barrier()

  def src_at(j):
    return src_v.at[j] if bf == 1 else src_v.at[pl.ds(j * bf, bf)]

  def dst_at(j):
    return dst_v.at[j] if bf == 1 else dst_v.at[pl.ds(j * bf, bf)]

  for b in range(NBUF):
    pltpu.async_copy(y_hbm.at[src_at(b)], gbuf[b], gsem[b])

  def group(g, _):
    for b in range(NBUF):
      j = g * NBUF + b
      pltpu.make_async_copy(y_hbm.at[src_at(j)], gbuf[b], gsem[b]).wait()
      pltpu.async_copy(gbuf[b], acc.at[dst_at(j)], ssem[b], add=True)
      if with_counts:
        @pl.when(c == 0)
        def _():
          pltpu.async_copy(ones_v, cacc.at[dst_v.at[j]], csem, add=True)
    for b in range(NBUF):
      jn = (g + 1) * NBUF + b

      @pl.when(jn < nblk)
      def _():
        pltpu.make_async_copy(gbuf[b], acc.at[dst_at(jn)], ssem[b]).wait()
        pltpu.async_copy(y_hbm.at[src_at(jn)], gbuf[b], gsem[b])
    return 0

  lax.fori_loop(0, ngroups, group, 0)

  for b in range(NBUF):
    pltpu.make_async_copy(gbuf[b], acc.at[dst_at(0)], ssem[b]).wait()
  if with_counts:
    @pl.when(c == 0)
    def _():
      def drain(j, _):
        pltpu.make_async_copy(ones_v, cacc.at[dst_v.at[0]], csem).wait()
        return 0
      lax.fori_loop(0, IBLOCKS, drain, 0)
  plsc.subcore_barrier()

  if not finish:
    pltpu.sync_copy(acc.at[pl.ds(base, ROWS_PER_TILE)],
                    out_hbm.at[c, pl.ds(base, ROWS_PER_TILE)])
    if with_counts:
      @pl.when(c == 0)
      def _():
        pltpu.sync_copy(cacc.at[pl.ds(base, ROWS_PER_TILE)],
                        cnt_hbm.at[pl.ds(base, ROWS_PER_TILE)])
    return

  for k in range(ROWS_PER_TILE // ZCHUNK):
    r0 = base + k * ZCHUNK
    pltpu.sync_copy(acc.at[pl.ds(r0, ZCHUNK)], gb0.at[pl.ds(0, ZCHUNK)])
    pltpu.sync_copy(hr_hbm.at[pl.ds(r0, ZCHUNK), pl.ds(c * width, width)],
                    gb1.at[pl.ds(0, ZCHUNK)])
    pltpu.sync_copy(rcp_hbm.at[pl.ds(r0, ZCHUNK)], rbuf)

    def row(r, _):
      rcp = rbuf[r, :][0]
      for kk in range(width // 16):
        sl = pl.ds(16 * kk, 16)
        gb1[r, sl] = gb0[r, sl] * rcp + gb1[r, sl]
      return 0

    lax.fori_loop(0, ZCHUNK, row, 0)
    pltpu.sync_copy(gb1.at[pl.ds(0, ZCHUNK)],
                    out_hbm.at[pl.ds(r0, ZCHUNK), pl.ds(c * width, width)])


def _make_seg_sum(width: int, with_counts: bool, finish: bool, bf: int = 1):
  if finish:
    out_types = [jax.ShapeDtypeStruct((ACC_ROWS, NC * width), jnp.float32)]
  else:
    out_types = [jax.ShapeDtypeStruct((NC, ACC_ROWS, width), jnp.float32)]
  scratch = [
      pltpu.VMEM((IBLOCKS, EDGE_BLK), jnp.int32),
      pltpu.VMEM((IBLOCKS, EDGE_BLK), jnp.int32),
      pltpu.VMEM((bf * EDGE_BLK, width), jnp.float32),
      pltpu.VMEM((bf * EDGE_BLK, width), jnp.float32),
  ]
  if finish:
    scratch.append(pltpu.VMEM((ZCHUNK, CNT_W), jnp.float32))
  scratch.append(pltpu.VMEM_SHARED((ACC_ROWS, width), jnp.float32))
  scratch += [pltpu.SemaphoreType.DMA] * 4
  if with_counts:
    out_types.append(jax.ShapeDtypeStruct((ACC_ROWS, CNT_W), jnp.float32))
    scratch += [
        pltpu.VMEM((EDGE_BLK, CNT_W), jnp.float32),
        pltpu.VMEM_SHARED((ACC_ROWS, CNT_W), jnp.float32),
        pltpu.SemaphoreType.DMA,
    ]

  def body(*args):
    return _seg_body(width, with_counts, finish, bf, *args)

  return pl.kernel(
      body,
      out_type=out_types,
      mesh=_mesh,
      scratch_types=scratch,
      compiler_params=pltpu.CompilerParams(use_tc_tiling_on_sc=False),
  )


_seg_sum_l1 = _make_seg_sum(H1, with_counts=True, finish=False)
_seg_sum_l2 = _make_seg_sum(H2, with_counts=False, finish=True)

ROW_BLK = 1000
GRID = N_NODES // ROW_BLK


def _dot(a, b):
  return lax.dot_general(a, b, (((1,), (0,)), ((), ())),
                         precision=lax.Precision.DEFAULT,
                         preferred_element_type=jnp.float32)


def _stage_a_body(x_ref, wl_ref, wr_ref, y_ref, xr_ref):
  xb = x_ref[...]
  y = _dot(xb, wl_ref[...])
  y_ref[0] = y[:, :H1]
  y_ref[1] = y[:, H1:]
  xr_ref[...] = _dot(xb, wr_ref[...])


def _stage_a(x, w1l, w1r):
  return pl.pallas_call(
      _stage_a_body,
      grid=(GRID,),
      in_specs=[
          pl.BlockSpec((ROW_BLK, IN_DIM), lambda i: (i, 0)),
          pl.BlockSpec((IN_DIM, HID_DIM), lambda i: (0, 0)),
          pl.BlockSpec((IN_DIM, HID_DIM), lambda i: (0, 0)),
      ],
      out_specs=[
          pl.BlockSpec((NC, ROW_BLK, H1), lambda i: (0, i, 0)),
          pl.BlockSpec((ROW_BLK, HID_DIM), lambda i: (i, 0)),
      ],
      out_shape=[
          jax.ShapeDtypeStruct((NC, N_NODES, H1), jnp.float32),
          jax.ShapeDtypeStruct((N_NODES, HID_DIM), jnp.float32),
      ],
  )(x, w1l, w1r)


def _stage_c_body(p_ref, c_ref, xr_ref, b1_ref, b2_ref, w2l_ref, w2r_ref,
                  y2_ref, hr_ref, rcp_ref):
  cnt = c_ref[:, 0:1]
  rcp = 1.0 / jnp.maximum(cnt, 1.0)
  mean = jnp.concatenate([p_ref[0], p_ref[1]], axis=1) * rcp
  h = mean + xr_ref[...] + b1_ref[...]
  h = jnp.maximum(h, 0.0)
  y2 = _dot(h, w2l_ref[...])
  y2_ref[0] = y2[:, :H2]
  y2_ref[1] = y2[:, H2:]
  hr_ref[...] = _dot(h, w2r_ref[...]) + b2_ref[...]
  rcp_ref[...] = jnp.broadcast_to(rcp, (ROW_BLK, CNT_W))


def _stage_c(p, cnt, xr, b1, b2, w2l, w2r):
  return pl.pallas_call(
      _stage_c_body,
      grid=(GRID,),
      in_specs=[
          pl.BlockSpec((NC, ROW_BLK, H1), lambda i: (0, i, 0)),
          pl.BlockSpec((ROW_BLK, CNT_W), lambda i: (i, 0)),
          pl.BlockSpec((ROW_BLK, HID_DIM), lambda i: (i, 0)),
          pl.BlockSpec((1, HID_DIM), lambda i: (0, 0)),
          pl.BlockSpec((1, OUT_DIM), lambda i: (0, 0)),
          pl.BlockSpec((HID_DIM, OUT_DIM), lambda i: (0, 0)),
          pl.BlockSpec((HID_DIM, OUT_DIM), lambda i: (0, 0)),
      ],
      out_specs=[
          pl.BlockSpec((NC, ROW_BLK, H2), lambda i: (0, i, 0)),
          pl.BlockSpec((ROW_BLK, OUT_DIM), lambda i: (i, 0)),
          pl.BlockSpec((ROW_BLK, CNT_W), lambda i: (i, 0)),
      ],
      out_shape=[
          jax.ShapeDtypeStruct((NC, N_NODES, H2), jnp.float32),
          jax.ShapeDtypeStruct((ACC_ROWS, OUT_DIM), jnp.float32),
          jax.ShapeDtypeStruct((ACC_ROWS, CNT_W), jnp.float32),
      ],
  )(p, cnt, xr, b1, b2, w2l, w2r)


@jax.jit
def kernel(x, edge_index, W1_l, W1_r, b1, W2_l, W2_r, b2):
  src = edge_index[0].astype(jnp.int32)
  dst = edge_index[1].astype(jnp.int32)
  pad = EDGES_PAD - N_EDGES
  src_p = jnp.concatenate([src, jnp.zeros((pad,), jnp.int32)])
  src3 = jnp.stack([src_p, src_p + N_NODES]).reshape(NC, NS, IBLOCKS, EDGE_BLK)
  dst3 = jnp.concatenate([dst, jnp.full((pad,), N_NODES, jnp.int32)])
  dst3 = dst3.reshape(NS, IBLOCKS, EDGE_BLK)

  z1 = jnp.zeros((ZCHUNK, H1), jnp.float32)
  z2 = jnp.zeros((ZCHUNK, H2), jnp.float32)
  zc = jnp.zeros((ZCHUNK, CNT_W), jnp.float32)
  ones = jnp.ones((EDGE_BLK, CNT_W), jnp.float32)

  y1, xr = _stage_a(x, W1_l, W1_r)
  p1, c1 = _seg_sum_l1(y1.reshape(NC * N_NODES, H1), src3, dst3, z1, zc, ones)
  y2, hr2, rcp16 = _stage_c(p1, c1, xr, b1.reshape(1, HID_DIM),
                            b2.reshape(1, OUT_DIM), W2_l, W2_r)
  (out,) = _seg_sum_l2(y2.reshape(NC * N_NODES, H2), src3, dst3, z2,
                       hr2, rcp16)
  return out[:N_NODES]

# --- scband reference (transcript-rebuilt; emitter-appended) ---
"""Pipeline reference for scband-graph-sage-37684043055560 (READ-ONLY COPY).

The authoritative reference and input builder live on the scoring server;
editing this copy changes nothing except your own understanding.
"""

import jax, jax.numpy as jnp
import numpy as np

N_NODES = 10000
N_EDGES = 160000
IN_DIM = 256
HID_DIM = 128
OUT_DIM = 64


def setup_inputs(seed: int = 0) -> dict:
    key = jax.random.key(seed)
    k1, k2, k3, k4, k5, k6 = jax.random.split(key, 6)
    x = jax.random.normal(k1, (N_NODES, IN_DIM), dtype=jnp.float32)
    edge_index = jax.random.randint(k2, (2, N_EDGES), 0, N_NODES, dtype=jnp.int64)
    s1 = 1.0 / np.sqrt(IN_DIM)
    s2 = 1.0 / np.sqrt(HID_DIM)
    W1_l = jax.random.uniform(k3, (IN_DIM, HID_DIM), jnp.float32, -s1, s1)
    W1_r = jax.random.uniform(k4, (IN_DIM, HID_DIM), jnp.float32, -s1, s1)
    b1 = jnp.zeros((HID_DIM,), jnp.float32)
    W2_l = jax.random.uniform(k5, (HID_DIM, OUT_DIM), jnp.float32, -s2, s2)
    W2_r = jax.random.uniform(k6, (HID_DIM, OUT_DIM), jnp.float32, -s2, s2)
    b2 = jnp.zeros((OUT_DIM,), jnp.float32)
    return {"x": x, "edge_index": edge_index, "W1_l": W1_l, "W1_r": W1_r, "b1": b1, "W2_l": W2_l, "W2_r": W2_r, "b2": b2}


def _sage_conv(x, edge_index, W_l, W_r, b):
    # PyG SAGEConv with mean aggregation:
    # out = lin_l(mean_{j in N(i)} x_j) + lin_r(x_i)
    src = edge_index[0]
    dst = edge_index[1]
    n = x.shape[0]
    msgs = jnp.take(x, src, axis=0)                       # gather  [E, d]
    summed = jax.ops.segment_sum(msgs, dst, num_segments=n)  # scatter-add [N, d]
    cnt = jax.ops.segment_sum(jnp.ones((edge_index.shape[1],), x.dtype), dst, num_segments=n)
    mean = summed / jnp.clip(cnt, 1.0, None)[:, None]
    return mean @ W_l + x @ W_r + b


def reference(x, edge_index, W1_l, W1_r, b1, W2_l, W2_r, b2):
    h = _sage_conv(x, edge_index, W1_l, W1_r, b1)
    h = jax.nn.relu(h)
    # dropout is identity in eval mode
    out = _sage_conv(h, edge_index, W2_l, W2_r, b2)
    return out

if __name__ == "__main__":
    import jax
    _d = setup_inputs()
    print(jax.jit(kernel)(*tuple(_d.values())))

</pallas_src>

<mosaic_0001>
#map = affine_map<(d0, d1) -> (0, 0)>
#map1 = affine_map<(d0, d1) -> (0, 0, 0, 0)>
#map2 = affine_map<(d0, d1) -> (0, 0, 0)>
module attributes {stable_mosaic.version = 14 : i64} {
  func.func @body(%arg0: i32, %arg1: i32, %arg2: memref<20000x64xf32, #tpu.memory_space<hbm>>, %arg3: memref<2x16x80x128xi32, #tpu.memory_space<hbm>>, %arg4: memref<16x80x128xi32, #tpu.memory_space<hbm>>, %arg5: memref<128x64xf32, #tpu.memory_space<hbm>>, %arg6: memref<128x16xf32, #tpu.memory_space<hbm>>, %arg7: memref<128x16xf32, #tpu.memory_space<hbm>>, %arg8: memref<2x10240x64xf32, #tpu.memory_space<hbm>>, %arg9: memref<10240x16xf32, #tpu.memory_space<hbm>>, %arg10: memref<80x128xi32, #tpu.memory_space<vmem>>, %arg11: memref<80x128xi32, #tpu.memory_space<vmem>>, %arg12: memref<128x64xf32, #tpu.memory_space<vmem>>, %arg13: memref<128x64xf32, #tpu.memory_space<vmem>>, %arg14: memref<10240x64xf32, #tpu.memory_space<vmem_shared>>, %arg15: memref<!tpu.dma_semaphore, #tpu.memory_space<semaphore_mem>>, %arg16: memref<!tpu.dma_semaphore, #tpu.memory_space<semaphore_mem>>, %arg17: memref<!tpu.dma_semaphore, #tpu.memory_space<semaphore_mem>>, %arg18: memref<!tpu.dma_semaphore, #tpu.memory_space<semaphore_mem>>, %arg19: memref<128x16xf32, #tpu.memory_space<vmem>>, %arg20: memref<10240x16xf32, #tpu.memory_space<vmem_shared>>, %arg21: memref<!tpu.dma_semaphore, #tpu.memory_space<semaphore_mem>>) attributes {dimension_semantics = [#tpu.dimension_semantics<core_parallel>, #tpu.dimension_semantics<subcore_parallel>], iteration_bounds = array<i64: 2, 16>, scalar_prefetch = 0 : i64, scratch_operands = 12 : i64, tpu.core_type = #tpu.core_type<sc_vector_subcore>, window_params = [{transform_indices = #map}, {transform_indices = #map1}, {transform_indices = #map2}, {transform_indices = #map}, {transform_indices = #map}, {transform_indices = #map}, {transform_indices = #map2}, {transform_indices = #map}]} {
    %mul3A = arith.constant 640 : i32
    %mul3A_0 = arith.muli %arg1, %mul3A : i32
    "tpu.region"() ({
      %run_scoped3A = tpu.sem_alloc : memref<!tpu.dma_semaphore, #tpu.memory_space<semaphore_mem>>
      %dma_start3A_55 = arith.constant 0 : i32
      %dma_start3A_56 = arith.constant 0 : i32
      %dma_start3A_57 = tpu.memref_slice %arg3[%arg0, %arg1, %dma_start3A_55, %dma_start3A_56] : memref<2x16x80x128xi32, #tpu.memory_space<hbm>> -> memref<1x1x80x128xi32, #tpu.memory_space<hbm>>
      %dma_start3A_58 = tpu.memref_squeeze %dma_start3A_57 : memref<1x1x80x128xi32, #tpu.memory_space<hbm>> -> memref<80x128xi32, #tpu.memory_space<hbm>>
      %dma_start3A_59 = arith.constant 0 : i32
      %dma_start3A_60 = arith.constant 0 : i32
      %dma_start3A_61 = tpu.memref_slice %arg3[%arg0, %arg1, %dma_start3A_59, %dma_start3A_60] : memref<2x16x80x128xi32, #tpu.memory_space<hbm>> -> memref<1x1x80x128xi32, #tpu.memory_space<hbm>>
      %dma_start3A_62 = tpu.memref_squeeze %dma_start3A_61 : memref<1x1x80x128xi32, #tpu.memory_space<hbm>> -> memref<80x128xi32, #tpu.memory_space<hbm>>
      tpu.enqueue_dma source(%dma_start3A_62 : memref<80x128xi32, #tpu.memory_space<hbm>>) target(%arg10 : memref<80x128xi32, #tpu.memory_space<vmem>>) target_semaphore(%run_scoped3A : memref<!tpu.dma_semaphore, #tpu.memory_space<semaphore_mem>>)
      %dma_wait3A_63 = arith.constant 0 : i32
      %dma_wait3A_64 = arith.constant 0 : i32
      %dma_wait3A_65 = tpu.memref_slice %arg3[%arg0, %arg1, %dma_wait3A_63, %dma_wait3A_64] : memref<2x16x80x128xi32, #tpu.memory_space<hbm>> -> memref<1x1x80x128xi32, #tpu.memory_space<hbm>>
      %dma_wait3A_66 = tpu.memref_squeeze %dma_wait3A_65 : memref<1x1x80x128xi32, #tpu.memory_space<hbm>> -> memref<80x128xi32, #tpu.memory_space<hbm>>
      %dma_wait3A_67 = arith.constant 0 : i32
      %dma_wait3A_68 = arith.constant 0 : i32
      %dma_wait3A_69 = tpu.memref_slice %arg3[%arg0, %arg1, %dma_wait3A_67, %dma_wait3A_68] : memref<2x16x80x128xi32, #tpu.memory_space<hbm>> -> memref<1x1x80x128xi32, #tpu.memory_space<hbm>>
      %dma_wait3A_70 = tpu.memref_squeeze %dma_wait3A_69 : memref<1x1x80x128xi32, #tpu.memory_space<hbm>> -> memref<80x128xi32, #tpu.memory_space<hbm>>
      tpu.wait_dma2 semaphore(%run_scoped3A : memref<!tpu.dma_semaphore, #tpu.memory_space<semaphore_mem>>) src(%dma_wait3A_70 : memref<80x128xi32, #tpu.memory_space<hbm>>) dst(%arg10 : memref<80x128xi32, #tpu.memory_space<vmem>>)
      tpu.yield
    }) : () -> ()
    "tpu.region"() ({
      %run_scoped3A = tpu.sem_alloc : memref<!tpu.dma_semaphore, #tpu.memory_space<semaphore_mem>>
      %dma_start3A_55 = arith.constant 0 : i32
      %dma_start3A_56 = arith.constant 0 : i32
      %dma_start3A_57 = tpu.memref_slice %arg4[%arg1, %dma_start3A_55, %dma_start3A_56] : memref<16x80x128xi32, #tpu.memory_space<hbm>> -> memref<1x80x128xi32, #tpu.memory_space<hbm>>
      %dma_start3A_58 = tpu.memref_squeeze %dma_start3A_57 : memref<1x80x128xi32, #tpu.memory_space<hbm>> -> memref<80x128xi32, #tpu.memory_space<hbm>>
      %dma_start3A_59 = arith.constant 0 : i32
      %dma_start3A_60 = arith.constant 0 : i32
      %dma_start3A_61 = tpu.memref_slice %arg4[%arg1, %dma_start3A_59, %dma_start3A_60] : memref<16x80x128xi32, #tpu.memory_space<hbm>> -> memref<1x80x128xi32, #tpu.memory_space<hbm>>
      %dma_start3A_62 = tpu.memref_squeeze %dma_start3A_61 : memref<1x80x128xi32, #tpu.memory_space<hbm>> -> memref<80x128xi32, #tpu.memory_space<hbm>>
      tpu.enqueue_dma source(%dma_start3A_62 : memref<80x128xi32, #tpu.memory_space<hbm>>) target(%arg11 : memref<80x128xi32, #tpu.memory_space<vmem>>) target_semaphore(%run_scoped3A : memref<!tpu.dma_semaphore, #tpu.memory_space<semaphore_mem>>)
      %dma_wait3A_63 = arith.constant 0 : i32
      %dma_wait3A_64 = arith.constant 0 : i32
      %dma_wait3A_65 = tpu.memref_slice %arg4[%arg1, %dma_wait3A_63, %dma_wait3A_64] : memref<16x80x128xi32, #tpu.memory_space<hbm>> -> memref<1x80x128xi32, #tpu.memory_space<hbm>>
      %dma_wait3A_66 = tpu.memref_squeeze %dma_wait3A_65 : memref<1x80x128xi32, #tpu.memory_space<hbm>> -> memref<80x128xi32, #tpu.memory_space<hbm>>
      %dma_wait3A_67 = arith.constant 0 : i32
      %dma_wait3A_68 = arith.constant 0 : i32
      %dma_wait3A_69 = tpu.memref_slice %arg4[%arg1, %dma_wait3A_67, %dma_wait3A_68] : memref<16x80x128xi32, #tpu.memory_space<hbm>> -> memref<1x80x128xi32, #tpu.memory_space<hbm>>
      %dma_wait3A_70 = tpu.memref_squeeze %dma_wait3A_69 : memref<1x80x128xi32, #tpu.memory_space<hbm>> -> memref<80x128xi32, #tpu.memory_space<hbm>>
      tpu.wait_dma2 semaphore(%run_scoped3A : memref<!tpu.dma_semaphore, #tpu.memory_space<semaphore_mem>>) src(%dma_wait3A_70 : memref<80x128xi32, #tpu.memory_space<hbm>>) dst(%arg11 : memref<80x128xi32, #tpu.memory_space<vmem>>)
      tpu.yield
    }) : () -> ()
    %add3A = arith.constant 0 : i32
    %add3A_1 = arith.addi %mul3A_0, %add3A : i32
    "tpu.region"() ({
      %run_scoped3A = tpu.sem_alloc : memref<!tpu.dma_semaphore, #tpu.memory_space<semaphore_mem>>
      %dma_start3A_55 = arith.constant 0 : i32
      %dma_start3A_56 = tpu.memref_slice %arg14[%add3A_1, %dma_start3A_55] : memref<10240x64xf32, #tpu.memory_space<vmem_shared>> -> memref<128x64xf32, #tpu.memory_space<vmem_shared>>
      tpu.enqueue_dma source(%arg5 : memref<128x64xf32, #tpu.memory_space<hbm>>) target(%dma_start3A_56 : memref<128x64xf32, #tpu.memory_space<vmem_shared>>) target_semaphore(%run_scoped3A : memref<!tpu.dma_semaphore, #tpu.memory_space<semaphore_mem>>)
      %dma_wait3A_57 = arith.constant 0 : i32
      %dma_wait3A_58 = tpu.memref_slice %arg14[%add3A_1, %dma_wait3A_57] : memref<10240x64xf32, #tpu.memory_space<vmem_shared>> -> memref<128x64xf32, #tpu.memory_space<vmem_shared>>
      tpu.wait_dma2 semaphore(%run_scoped3A : memref<!tpu.dma_semaphore, #tpu.memory_space<semaphore_mem>>) src(%arg5 : memref<128x64xf32, #tpu.memory_space<hbm>>) dst(%dma_wait3A_58 : memref<128x64xf32, #tpu.memory_space<vmem_shared>>)
      tpu.yield
    }) : () -> ()
    %add3A_2 = arith.constant 128 : i32
    %add3A_3 = arith.addi %mul3A_0, %add3A_2 : i32
    "tpu.region"() ({
      %run_scoped3A = tpu.sem_alloc : memref<!tpu.dma_semaphore, #tpu.memory_space<semaphore_mem>>
      %dma_start3A_55 = arith.constant 0 : i32
      %dma_start3A_56 = tpu.memref_slice %arg14[%add3A_3, %dma_start3A_55] : memref<10240x64xf32, #tpu.memory_space<vmem_shared>> -> memref<128x64xf32, #tpu.memory_space<vmem_shared>>
      tpu.enqueue_dma source(%arg5 : memref<128x64xf32, #tpu.memory_space<hbm>>) target(%dma_start3A_56 : memref<128x64xf32, #tpu.memory_space<vmem_shared>>) target_semaphore(%run_scoped3A : memref<!tpu.dma_semaphore, #tpu.memory_space<semaphore_mem>>)
      %dma_wait3A_57 = arith.constant 0 : i32
      %dma_wait3A_58 = tpu.memref_slice %arg14[%add3A_3, %dma_wait3A_57] : memref<10240x64xf32, #tpu.memory_space<vmem_shared>> -> memref<128x64xf32, #tpu.memory_space<vmem_shared>>
      tpu.wait_dma2 semaphore(%run_scoped3A : memref<!tpu.dma_semaphore, #tpu.memory_space<semaphore_mem>>) src(%arg5 : memref<128x64xf32, #tpu.memory_space<hbm>>) dst(%dma_wait3A_58 : memref<128x64xf32, #tpu.memory_space<vmem_shared>>)
      tpu.yield
    }) : () -> ()
    %add3A_4 = arith.constant 256 : i32
    %add3A_5 = arith.addi %mul3A_0, %add3A_4 : i32
    "tpu.region"() ({
      %run_scoped3A = tpu.sem_alloc : memref<!tpu.dma_semaphore, #tpu.memory_space<semaphore_mem>>
      %dma_start3A_55 = arith.constant 0 : i32
      %dma_start3A_56 = tpu.memref_slice %arg14[%add3A_5, %dma_start3A_55] : memref<10240x64xf32, #tpu.memory_space<vmem_shared>> -> memref<128x64xf32, #tpu.memory_space<vmem_shared>>
      tpu.enqueue_dma source(%arg5 : memref<128x64xf32, #tpu.memory_space<hbm>>) target(%dma_start3A_56 : memref<128x64xf32, #tpu.memory_space<vmem_shared>>) target_semaphore(%run_scoped3A : memref<!tpu.dma_semaphore, #tpu.memory_space<semaphore_mem>>)
      %dma_wait3A_57 = arith.constant 0 : i32
      %dma_wait3A_58 = tpu.memref_slice %arg14[%add3A_5, %dma_wait3A_57] : memref<10240x64xf32, #tpu.memory_space<vmem_shared>> -> memref<128x64xf32, #tpu.memory_space<vmem_shared>>
      tpu.wait_dma2 semaphore(%run_scoped3A : memref<!tpu.dma_semaphore, #tpu.memory_space<semaphore_mem>>) src(%arg5 : memref<128x64xf32, #tpu.memory_space<hbm>>) dst(%dma_wait3A_58 : memref<128x64xf32, #tpu.memory_space<vmem_shared>>)
      tpu.yield
    }) : () -> ()
    %add3A_6 = arith.constant 384 : i32
    %add3A_7 = arith.addi %mul3A_0, %add3A_6 : i32
    "tpu.region"() ({
      %run_scoped3A = tpu.sem_alloc : memref<!tpu.dma_semaphore, #tpu.memory_space<semaphore_mem>>
      %dma_start3A_55 = arith.constant 0 : i32
      %dma_start3A_56 = tpu.memref_slice %arg14[%add3A_7, %dma_start3A_55] : memref<10240x64xf32, #tpu.memory_space<vmem_shared>> -> memref<128x64xf32, #tpu.memory_space<vmem_shared>>
      tpu.enqueue_dma source(%arg5 : memref<128x64xf32, #tpu.memory_space<hbm>>) target(%dma_start3A_56 : memref<128x64xf32, #tpu.memory_space<vmem_shared>>) target_semaphore(%run_scoped3A : memref<!tpu.dma_semaphore, #tpu.memory_space<semaphore_mem>>)
      %dma_wait3A_57 = arith.constant 0 : i32
      %dma_wait3A_58 = tpu.memref_slice %arg14[%add3A_7, %dma_wait3A_57] : memref<10240x64xf32, #tpu.memory_space<vmem_shared>> -> memref<128x64xf32, #tpu.memory_space<vmem_shared>>
      tpu.wait_dma2 semaphore(%run_scoped3A : memref<!tpu.dma_semaphore, #tpu.memory_space<semaphore_mem>>) src(%arg5 : memref<128x64xf32, #tpu.memory_space<hbm>>) dst(%dma_wait3A_58 : memref<128x64xf32, #tpu.memory_space<vmem_shared>>)
      tpu.yield
    }) : () -> ()
    %add3A_8 = arith.constant 512 : i32
    %add3A_9 = arith.addi %mul3A_0, %add3A_8 : i32
    "tpu.region"() ({
      %run_scoped3A = tpu.sem_alloc : memref<!tpu.dma_semaphore, #tpu.memory_space<semaphore_mem>>
      %dma_start3A_55 = arith.constant 0 : i32
      %dma_start3A_56 = tpu.memref_slice %arg14[%add3A_9, %dma_start3A_55] : memref<10240x64xf32, #tpu.memory_space<vmem_shared>> -> memref<128x64xf32, #tpu.memory_space<vmem_shared>>
      tpu.enqueue_dma source(%arg5 : memref<128x64xf32, #tpu.memory_space<hbm>>) target(%dma_start3A_56 : memref<128x64xf32, #tpu.memory_space<vmem_shared>>) target_semaphore(%run_scoped3A : memref<!tpu.dma_semaphore, #tpu.memory_space<semaphore_mem>>)
      %dma_wait3A_57 = arith.constant 0 : i32
      %dma_wait3A_58 = tpu.memref_slice %arg14[%add3A_9, %dma_wait3A_57] : memref<10240x64xf32, #tpu.memory_space<vmem_shared>> -> memref<128x64xf32, #tpu.memory_space<vmem_shared>>
      tpu.wait_dma2 semaphore(%run_scoped3A : memref<!tpu.dma_semaphore, #tpu.memory_space<semaphore_mem>>) src(%arg5 : memref<128x64xf32, #tpu.memory_space<hbm>>) dst(%dma_wait3A_58 : memref<128x64xf32, #tpu.memory_space<vmem_shared>>)
      tpu.yield
    }) : () -> ()
    %eq3A = arith.constant 0 : i32
    %eq3A_10 = arith.cmpi eq, %arg0, %eq3A : i32
    %convert_element_type3A = arith.extui %eq3A_10 : i1 to i32
    %cond3A = arith.constant 0 : i32
    %cond3A_11 = arith.cmpi ne, %convert_element_type3A, %cond3A : i32
    scf.if %cond3A_11 {
      "tpu.region"() ({
        %run_scoped3A = tpu.sem_alloc : memref<!tpu.dma_semaphore, #tpu.memory_space<semaphore_mem>>
        tpu.enqueue_dma source(%arg7 : memref<128x16xf32, #tpu.memory_space<hbm>>) target(%arg19 : memref<128x16xf32, #tpu.memory_space<vmem>>) target_semaphore(%run_scoped3A : memref<!tpu.dma_semaphore, #tpu.memory_space<semaphore_mem>>)
        tpu.wait_dma2 semaphore(%run_scoped3A : memref<!tpu.dma_semaphore, #tpu.memory_space<semaphore_mem>>) src(%arg7 : memref<128x16xf32, #tpu.memory_space<hbm>>) dst(%arg19 : memref<128x16xf32, #tpu.memory_space<vmem>>)
        tpu.yield
      }) : () -> ()
      %add3A_55 = arith.constant 0 : i32
      %add3A_56 = arith.addi %mul3A_0, %add3A_55 : i32
      "tpu.region"() ({
        %run_scoped3A = tpu.sem_alloc : memref<!tpu.dma_semaphore, #tpu.memory_space<semaphore_mem>>
        %dma_start3A_65 = arith.constant 0 : i32
        %dma_start3A_66 = tpu.memref_slice %arg20[%add3A_56, %dma_start3A_65] : memref<10240x16xf32, #tpu.memory_space<vmem_shared>> -> memref<128x16xf32, #tpu.memory_space<vmem_shared>>
        tpu.enqueue_dma source(%arg6 : memref<128x16xf32, #tpu.memory_space<hbm>>) target(%dma_start3A_66 : memref<128x16xf32, #tpu.memory_space<vmem_shared>>) target_semaphore(%run_scoped3A : memref<!tpu.dma_semaphore, #tpu.memory_space<semaphore_mem>>)
        %dma_wait3A_67 = arith.constant 0 : i32
        %dma_wait3A_68 = tpu.memref_slice %arg20[%add3A_56, %dma_wait3A_67] : memref<10240x16xf32, #tpu.memory_space<vmem_shared>> -> memref<128x16xf32, #tpu.memory_space<vmem_shared>>
        tpu.wait_dma2 semaphore(%run_scoped3A : memref<!tpu.dma_semaphore, #tpu.memory_space<semaphore_mem>>) src(%arg6 : memref<128x16xf32, #tpu.memory_space<hbm>>) dst(%dma_wait3A_68 : memref<128x16xf32, #tpu.memory_space<vmem_shared>>)
        tpu.yield
      }) : () -> ()
      %add3A_57 = arith.constant 128 : i32
      %add3A_58 = arith.addi %mul3A_0, %add3A_57 : i32
      "tpu.region"() ({
        %run_scoped3A = tpu.sem_alloc : memref<!tpu.dma_semaphore, #tpu.memory_space<semaphore_mem>>
        %dma_start3A_65 = arith.constant 0 : i32
        %dma_start3A_66 = tpu.memref_slice %arg20[%add3A_58, %dma_start3A_65] : memref<10240x16xf32, #tpu.memory_space<vmem_shared>> -> memref<128x16xf32, #tpu.memory_space<vmem_shared>>
        tpu.enqueue_dma source(%arg6 : memref<128x16xf32, #tpu.memory_space<hbm>>) target(%dma_start3A_66 : memref<128x16xf32, #tpu.memory_space<vmem_shared>>) target_semaphore(%run_scoped3A : memref<!tpu.dma_semaphore, #tpu.memory_space<semaphore_mem>>)
        %dma_wait3A_67 = arith.constant 0 : i32
        %dma_wait3A_68 = tpu.memref_slice %arg20[%add3A_58, %dma_wait3A_67] : memref<10240x16xf32, #tpu.memory_space<vmem_shared>> -> memref<128x16xf32, #tpu.memory_space<vmem_shared>>
        tpu.wait_dma2 semaphore(%run_scoped3A : memref<!tpu.dma_semaphore, #tpu.memory_space<semaphore_mem>>) src(%arg6 : memref<128x16xf32, #tpu.memory_space<hbm>>) dst(%dma_wait3A_68 : memref<128x16xf32, #tpu.memory_space<vmem_shared>>)
        tpu.yield
      }) : () -> ()
      %add3A_59 = arith.constant 256 : i32
      %add3A_60 = arith.addi %mul3A_0, %add3A_59 : i32
      "tpu.region"() ({
        %run_scoped3A = tpu.sem_alloc : memref<!tpu.dma_semaphore, #tpu.memory_space<semaphore_mem>>
        %dma_start3A_65 = arith.constant 0 : i32
        %dma_start3A_66 = tpu.memref_slice %arg20[%add3A_60, %dma_start3A_65] : memref<10240x16xf32, #tpu.memory_space<vmem_shared>> -> memref<128x16xf32, #tpu.memory_space<vmem_shared>>
        tpu.enqueue_dma source(%arg6 : memref<128x16xf32, #tpu.memory_space<hbm>>) target(%dma_start3A_66 : memref<128x16xf32, #tpu.memory_space<vmem_shared>>) target_semaphore(%run_scoped3A : memref<!tpu.dma_semaphore, #tpu.memory_space<semaphore_mem>>)
        %dma_wait3A_67 = arith.constant 0 : i32
        %dma_wait3A_68 = tpu.memref_slice %arg20[%add3A_60, %dma_wait3A_67] : memref<10240x16xf32, #tpu.memory_space<vmem_shared>> -> memref<128x16xf32, #tpu.memory_space<vmem_shared>>
        tpu.wait_dma2 semaphore(%run_scoped3A : memref<!tpu.dma_semaphore, #tpu.memory_space<semaphore_mem>>) src(%arg6 : memref<128x16xf32, #tpu.memory_space<hbm>>) dst(%dma_wait3A_68 : memref<128x16xf32, #tpu.memory_space<vmem_shared>>)
        tpu.yield
      }) : () -> ()
      %add3A_61 = arith.constant 384 : i32
      %add3A_62 = arith.addi %mul3A_0, %add3A_61 : i32
      "tpu.region"() ({
        %run_scoped3A = tpu.sem_alloc : memref<!tpu.dma_semaphore, #tpu.memory_space<semaphore_mem>>
        %dma_start3A_65 = arith.constant 0 : i32
        %dma_start3A_66 = tpu.memref_slice %arg20[%add3A_62, %dma_start3A_65] : memref<10240x16xf32, #tpu.memory_space<vmem_shared>> -> memref<128x16xf32, #tpu.memory_space<vmem_shared>>
        tpu.enqueue_dma source(%arg6 : memref<128x16xf32, #tpu.memory_space<hbm>>) target(%dma_start3A_66 : memref<128x16xf32, #tpu.memory_space<vmem_shared>>) target_semaphore(%run_scoped3A : memref<!tpu.dma_semaphore, #tpu.memory_space<semaphore_mem>>)
        %dma_wait3A_67 = arith.constant 0 : i32
        %dma_wait3A_68 = tpu.memref_slice %arg20[%add3A_62, %dma_wait3A_67] : memref<10240x16xf32, #tpu.memory_space<vmem_shared>> -> memref<128x16xf32, #tpu.memory_space<vmem_shared>>
        tpu.wait_dma2 semaphore(%run_scoped3A : memref<!tpu.dma_semaphore, #tpu.memory_space<semaphore_mem>>) src(%arg6 : memref<128x16xf32, #tpu.memory_space<hbm>>) dst(%dma_wait3A_68 : memref<128x16xf32, #tpu.memory_space<vmem_shared>>)
        tpu.yield
      }) : () -> ()
      %add3A_63 = arith.constant 512 : i32
      %add3A_64 = arith.addi %mul3A_0, %add3A_63 : i32
      "tpu.region"() ({
        %run_scoped3A = tpu.sem_alloc : memref<!tpu.dma_semaphore, #tpu.memory_space<semaphore_mem>>
        %dma_start3A_65 = arith.constant 0 : i32
        %dma_start3A_66 = tpu.memref_slice %arg20[%add3A_64, %dma_start3A_65] : memref<10240x16xf32, #tpu.memory_space<vmem_shared>> -> memref<128x16xf32, #tpu.memory_space<vmem_shared>>
        tpu.enqueue_dma source(%arg6 : memref<128x16xf32, #tpu.memory_space<hbm>>) target(%dma_start3A_66 : memref<128x16xf32, #tpu.memory_space<vmem_shared>>) target_semaphore(%run_scoped3A : memref<!tpu.dma_semaphore, #tpu.memory_space<semaphore_mem>>)
        %dma_wait3A_67 = arith.constant 0 : i32
        %dma_wait3A_68 = tpu.memref_slice %arg20[%add3A_64, %dma_wait3A_67] : memref<10240x16xf32, #tpu.memory_space<vmem_shared>> -> memref<128x16xf32, #tpu.memory_space<vmem_shared>>
        tpu.wait_dma2 semaphore(%run_scoped3A : memref<!tpu.dma_semaphore, #tpu.memory_space<semaphore_mem>>) src(%arg6 : memref<128x16xf32, #tpu.memory_space<hbm>>) dst(%dma_wait3A_68 : memref<128x16xf32, #tpu.memory_space<vmem_shared>>)
        tpu.yield
      }) : () -> ()
    } else {
    }
    %barrier3A = arith.constant 0 : index
    tpu.barrier barrier_id(%barrier3A)
    %dma_start3A = arith.constant 0 : i32
    %dma_start3A_12 = arith.constant 0 : i32
    %dma_start3A_13 = tpu.memref_slice %arg10[%dma_start3A, %dma_start3A_12] : memref<80x128xi32, #tpu.memory_space<vmem>> -> memref<1x128xi32, #tpu.memory_space<vmem>>
    %dma_start3A_14 = tpu.memref_squeeze %dma_start3A_13 : memref<1x128xi32, #tpu.memory_space<vmem>> -> memref<128xi32, #tpu.memory_space<vmem>>
    %dma_start3A_15 = arith.constant 0 : i32
    %dma_start3A_16 = arith.constant 0 : i32
    %dma_start3A_17 = tpu.memref_slice %arg2[%dma_start3A_15, %dma_start3A_16] : memref<20000x64xf32, #tpu.memory_space<hbm>> -> memref<20000x64xf32, #tpu.memory_space<hbm>>
    tpu.enqueue_indirect_dma source(%dma_start3A_17 : memref<20000x64xf32, #tpu.memory_space<hbm>>) target(%arg12 : memref<128x64xf32, #tpu.memory_space<vmem>>) offsets(%dma_start3A_14 : memref<128xi32, #tpu.memory_space<vmem>>) semaphore(%arg15 : memref<!tpu.dma_semaphore, #tpu.memory_space<semaphore_mem>>)
    %dma_start3A_18 = arith.constant 1 : i32
    %dma_start3A_19 = arith.constant 0 : i32
    %dma_start3A_20 = tpu.memref_slice %arg10[%dma_start3A_18, %dma_start3A_19] : memref<80x128xi32, #tpu.memory_space<vmem>> -> memref<1x128xi32, #tpu.memory_space<vmem>>
    %dma_start3A_21 = tpu.memref_squeeze %dma_start3A_20 : memref<1x128xi32, #tpu.memory_space<vmem>> -> memref<128xi32, #tpu.memory_space<vmem>>
    %dma_start3A_22 = arith.constant 0 : i32
    %dma_start3A_23 = arith.constant 0 : i32
    %dma_start3A_24 = tpu.memref_slice %arg2[%dma_start3A_22, %dma_start3A_23] : memref<20000x64xf32, #tpu.memory_space<hbm>> -> memref<20000x64xf32, #tpu.memory_space<hbm>>
    tpu.enqueue_indirect_dma source(%dma_start3A_24 : memref<20000x64xf32, #tpu.memory_space<hbm>>) target(%arg13 : memref<128x64xf32, #tpu.memory_space<vmem>>) offsets(%dma_start3A_21 : memref<128xi32, #tpu.memory_space<vmem>>) semaphore(%arg16 : memref<!tpu.dma_semaphore, #tpu.memory_space<semaphore_mem>>)
    %scan3A = arith.constant 0 : i32
    %scan3A_25 = arith.constant 0 : i32
    %scan3A_26 = arith.constant 40 : i32
    %scan3A_27 = arith.addi %scan3A_25, %scan3A_26 : i32
    %scan3A_28 = arith.constant 1 : i32
    %scan3A_29 = scf.for %scan3A_55 = %scan3A_25 to %scan3A_27 step %scan3A_28 iter_args(%scan3A_56 = %scan3A) -> (i32)  : i32 {
      %mul3A_57 = arith.constant 2 : i32
      %mul3A_58 = arith.muli %scan3A_55, %mul3A_57 : i32
      %add3A_59 = arith.constant 0 : i32
      %add3A_60 = arith.addi %mul3A_58, %add3A_59 : i32
      %dma_wait3A_61 = arith.constant 0 : i32
      %dma_wait3A_62 = tpu.memref_slice %arg10[%add3A_60, %dma_wait3A_61] : memref<80x128xi32, #tpu.memory_space<vmem>> -> memref<1x128xi32, #tpu.memory_space<vmem>>
      %dma_wait3A_63 = tpu.memref_squeeze %dma_wait3A_62 : memref<1x128xi32, #tpu.memory_space<vmem>> -> memref<128xi32, #tpu.memory_space<vmem>>
      %dma_wait3A_64 = arith.constant 0 : i32
      %dma_wait3A_65 = arith.constant 0 : i32
      %dma_wait3A_66 = tpu.memref_slice %arg2[%dma_wait3A_64, %dma_wait3A_65] : memref<20000x64xf32, #tpu.memory_space<hbm>> -> memref<20000x64xf32, #tpu.memory_space<hbm>>
      tpu.wait_indirect_dma semaphore(%arg15 : memref<!tpu.dma_semaphore, #tpu.memory_space<semaphore_mem>>) src(%dma_wait3A_66 : memref<20000x64xf32, #tpu.memory_space<hbm>>) dst(%arg12 : memref<128x64xf32, #tpu.memory_space<vmem>>)
      %dma_start3A_67 = arith.constant 0 : i32
      %dma_start3A_68 = tpu.memref_slice %arg11[%add3A_60, %dma_start3A_67] : memref<80x128xi32, #tpu.memory_space<vmem>> -> memref<1x128xi32, #tpu.memory_space<vmem>>
      %dma_start3A_69 = tpu.memref_squeeze %dma_start3A_68 : memref<1x128xi32, #tpu.memory_space<vmem>> -> memref<128xi32, #tpu.memory_space<vmem>>
      %dma_start3A_70 = arith.constant 0 : i32
      %dma_start3A_71 = arith.constant 0 : i32
      %dma_start3A_72 = tpu.memref_slice %arg14[%dma_start3A_70, %dma_start3A_71] : memref<10240x64xf32, #tpu.memory_space<vmem_shared>> -> memref<10240x64xf32, #tpu.memory_space<vmem_shared>>
      tpu.enqueue_indirect_dma source(%arg12 : memref<128x64xf32, #tpu.memory_space<vmem>>) target(%dma_start3A_72 : memref<10240x64xf32, #tpu.memory_space<vmem_shared>>) offsets(%dma_start3A_69 : memref<128xi32, #tpu.memory_space<vmem>>) semaphore(%arg17 : memref<!tpu.dma_semaphore, #tpu.memory_space<semaphore_mem>>) {add = true}
      %eq3A_73 = arith.constant 0 : i32
      %eq3A_74 = arith.cmpi eq, %arg0, %eq3A_73 : i32
      %convert_element_type3A_75 = arith.extui %eq3A_74 : i1 to i32
      %cond3A_76 = arith.constant 0 : i32
      %cond3A_77 = arith.cmpi ne, %convert_element_type3A_75, %cond3A_76 : i32
      scf.if %cond3A_77 {
        %dma_start3A_121 = arith.constant 0 : i32
        %dma_start3A_122 = tpu.memref_slice %arg11[%add3A_60, %dma_start3A_121] : memref<80x128xi32, #tpu.memory_space<vmem>> -> memref<1x128xi32, #tpu.memory_space<vmem>>
        %dma_start3A_123 = tpu.memref_squeeze %dma_start3A_122 : memref<1x128xi32, #tpu.memory_space<vmem>> -> memref<128xi32, #tpu.memory_space<vmem>>
        %dma_start3A_124 = arith.constant 0 : i32
        %dma_start3A_125 = arith.constant 0 : i32
        %dma_start3A_126 = tpu.memref_slice %arg20[%dma_start3A_124, %dma_start3A_125] : memref<10240x16xf32, #tpu.memory_space<vmem_shared>> -> memref<10240x16xf32, #tpu.memory_space<vmem_shared>>
        tpu.enqueue_indirect_dma source(%arg19 : memref<128x16xf32, #tpu.memory_space<vmem>>) target(%dma_start3A_126 : memref<10240x16xf32, #tpu.memory_space<vmem_shared>>) offsets(%dma_start3A_123 : memref<128xi32, #tpu.memory_space<vmem>>) semaphore(%arg21 : memref<!tpu.dma_semaphore, #tpu.memory_space<semaphore_mem>>) {add = true}
      } else {
      }
      %mul3A_78 = arith.constant 2 : i32
      %mul3A_79 = arith.muli %scan3A_55, %mul3A_78 : i32
      %add3A_80 = arith.constant 1 : i32
      %add3A_81 = arith.addi %mul3A_79, %add3A_80 : i32
      %dma_wait3A_82 = arith.constant 0 : i32
      %dma_wait3A_83 = tpu.memref_slice %arg10[%add3A_81, %dma_wait3A_82] : memref<80x128xi32, #tpu.memory_space<vmem>> -> memref<1x128xi32, #tpu.memory_space<vmem>>
      %dma_wait3A_84 = tpu.memref_squeeze %dma_wait3A_83 : memref<1x128xi32, #tpu.memory_space<vmem>> -> memref<128xi32, #tpu.memory_space<vmem>>
      %dma_wait3A_85 = arith.constant 0 : i32
      %dma_wait3A_86 = arith.constant 0 : i32
      %dma_wait3A_87 = tpu.memref_slice %arg2[%dma_wait3A_85, %dma_wait3A_86] : memref<20000x64xf32, #tpu.memory_space<hbm>> -> memref<20000x64xf32, #tpu.memory_space<hbm>>
      tpu.wait_indirect_dma semaphore(%arg16 : memref<!tpu.dma_semaphore, #tpu.memory_space<semaphore_mem>>) src(%dma_wait3A_87 : memref<20000x64xf32, #tpu.memory_space<hbm>>) dst(%arg13 : memref<128x64xf32, #tpu.memory_space<vmem>>)
      %dma_start3A_88 = arith.constant 0 : i32
      %dma_start3A_89 = tpu.memref_slice %arg11[%add3A_81, %dma_start3A_88] : memref<80x128xi32, #tpu.memory_space<vmem>> -> memref<1x128xi32, #tpu.memory_space<vmem>>
      %dma_start3A_90 = tpu.memref_squeeze %dma_start3A_89 : memref<1x128xi32, #tpu.memory_space<vmem>> -> memref<128xi32, #tpu.memory_space<vmem>>
      %dma_start3A_91 = arith.constant 0 : i32
      %dma_start3A_92 = arith.constant 0 : i32
      %dma_start3A_93 = tpu.memref_slice %arg14[%dma_start3A_91, %dma_start3A_92] : memref<10240x64xf32, #tpu.memory_space<vmem_shared>> -> memref<10240x64xf32, #tpu.memory_space<vmem_shared>>
      tpu.enqueue_indirect_dma source(%arg13 : memref<128x64xf32, #tpu.memory_space<vmem>>) target(%dma_start3A_93 : memref<10240x64xf32, #tpu.memory_space<vmem_shared>>) offsets(%dma_start3A_90 : memref<128xi32, #tpu.memory_space<vmem>>) semaphore(%arg18 : memref<!tpu.dma_semaphore, #tpu.memory_space<semaphore_mem>>) {add = true}
      %eq3A_94 = arith.constant 0 : i32
      %eq3A_95 = arith.cmpi eq, %arg0, %eq3A_94 : i32
      %convert_element_type3A_96 = arith.extui %eq3A_95 : i1 to i32
      %cond3A_97 = arith.constant 0 : i32
      %cond3A_98 = arith.cmpi ne, %convert_element_type3A_96, %cond3A_97 : i32
      scf.if %cond3A_98 {
        %dma_start3A_121 = arith.constant 0 : i32
        %dma_start3A_122 = tpu.memref_slice %arg11[%add3A_81, %dma_start3A_121] : memref<80x128xi32, #tpu.memory_space<vmem>> -> memref<1x128xi32, #tpu.memory_space<vmem>>
        %dma_start3A_123 = tpu.memref_squeeze %dma_start3A_122 : memref<1x128xi32, #tpu.memory_space<vmem>> -> memref<128xi32, #tpu.memory_space<vmem>>
        %dma_start3A_124 = arith.constant 0 : i32
        %dma_start3A_125 = arith.constant 0 : i32
        %dma_start3A_126 = tpu.memref_slice %arg20[%dma_start3A_124, %dma_start3A_125] : memref<10240x16xf32, #tpu.memory_space<vmem_shared>> -> memref<10240x16xf32, #tpu.memory_space<vmem_shared>>
        tpu.enqueue_indirect_dma source(%arg19 : memref<128x16xf32, #tpu.memory_space<vmem>>) target(%dma_start3A_126 : memref<10240x16xf32, #tpu.memory_space<vmem_shared>>) offsets(%dma_start3A_123 : memref<128xi32, #tpu.memory_space<vmem>>) semaphore(%arg21 : memref<!tpu.dma_semaphore, #tpu.memory_space<semaphore_mem>>) {add = true}
      } else {
      }
      %add3A_99 = arith.constant 1 : i32
      %add3A_100 = arith.addi %scan3A_55, %add3A_99 : i32
      %mul3A_101 = arith.constant 2 : i32
      %mul3A_102 = arith.muli %add3A_100, %mul3A_101 : i32
      %add3A_103 = arith.constant 0 : i32
      %add3A_104 = arith.addi %mul3A_102, %add3A_103 : i32
      %lt3A = arith.constant 80 : i32
      %lt3A_105 = arith.cmpi slt, %add3A_104, %lt3A : i32
      %convert_element_type3A_106 = arith.extui %lt3A_105 : i1 to i32
      %cond3A_107 = arith.constant 0 : i32
      %cond3A_108 = arith.cmpi ne, %convert_element_type3A_106, %cond3A_107 : i32
      scf.if %cond3A_108 {
        %dma_wait3A_121 = arith.constant 0 : i32
        %dma_wait3A_122 = tpu.memref_slice %arg11[%add3A_104, %dma_wait3A_121] : memref<80x128xi32, #tpu.memory_space<vmem>> -> memref<1x128xi32, #tpu.memory_space<vmem>>
        %dma_wait3A_123 = tpu.memref_squeeze %dma_wait3A_122 : memref<1x128xi32, #tpu.memory_space<vmem>> -> memref<128xi32, #tpu.memory_space<vmem>>
        %dma_wait3A_124 = arith.constant 0 : i32
        %dma_wait3A_125 = arith.constant 0 : i32
        %dma_wait3A_126 = tpu.memref_slice %arg14[%dma_wait3A_124, %dma_wait3A_125] : memref<10240x64xf32, #tpu.memory_space<vmem_shared>> -> memref<10240x64xf32, #tpu.memory_space<vmem_shared>>
        tpu.wait_indirect_dma semaphore(%arg17 : memref<!tpu.dma_semaphore, #tpu.memory_space<semaphore_mem>>) src(%arg12 : memref<128x64xf32, #tpu.memory_space<vmem>>) dst(%dma_wait3A_126 : memref<10240x64xf32, #tpu.memory_space<vmem_shared>>)
        %dma_start3A_127 = arith.constant 0 : i32
        %dma_start3A_128 = tpu.memref_slice %arg10[%add3A_104, %dma_start3A_127] : memref<80x128xi32, #tpu.memory_space<vmem>> -> memref<1x128xi32, #tpu.memory_space<vmem>>
        %dma_start3A_129 = tpu.memref_squeeze %dma_start3A_128 : memref<1x128xi32, #tpu.memory_space<vmem>> -> memref<128xi32, #tpu.memory_space<vmem>>
        %dma_start3A_130 = arith.constant 0 : i32
        %dma_start3A_131 = arith.constant 0 : i32
        %dma_start3A_132 = tpu.memref_slice %arg2[%dma_start3A_130, %dma_start3A_131] : memref<20000x64xf32, #tpu.memory_space<hbm>> -> memref<20000x64xf32, #tpu.memory_space<hbm>>
        tpu.enqueue_indirect_dma source(%dma_start3A_132 : memref<20000x64xf32, #tpu.memory_space<hbm>>) target(%arg12 : memref<128x64xf32, #tpu.memory_space<vmem>>) offsets(%dma_start3A_129 : memref<128xi32, #tpu.memory_space<vmem>>) semaphore(%arg15 : memref<!tpu.dma_semaphore, #tpu.memory_space<semaphore_mem>>)
      } else {
      }
      %add3A_109 = arith.constant 1 : i32
      %add3A_110 = arith.addi %scan3A_55, %add3A_109 : i32
      %mul3A_111 = arith.constant 2 : i32
      %mul3A_112 = arith.muli %add3A_110, %mul3A_111 : i32
      %add3A_113 = arith.constant 1 : i32
      %add3A_114 = arith.addi %mul3A_112, %add3A_113 : i32
      %lt3A_115 = arith.constant 80 : i32
      %lt3A_116 = arith.cmpi slt, %add3A_114, %lt3A_115 : i32
      %convert_element_type3A_117 = arith.extui %lt3A_116 : i1 to i32
      %cond3A_118 = arith.constant 0 : i32
      %cond3A_119 = arith.cmpi ne, %convert_element_type3A_117, %cond3A_118 : i32
      scf.if %cond3A_119 {
        %dma_wait3A_121 = arith.constant 0 : i32
        %dma_wait3A_122 = tpu.memref_slice %arg11[%add3A_114, %dma_wait3A_121] : memref<80x128xi32, #tpu.memory_space<vmem>> -> memref<1x128xi32, #tpu.memory_space<vmem>>
        %dma_wait3A_123 = tpu.memref_squeeze %dma_wait3A_122 : memref<1x128xi32, #tpu.memory_space<vmem>> -> memref<128xi32, #tpu.memory_space<vmem>>
        %dma_wait3A_124 = arith.constant 0 : i32
        %dma_wait3A_125 = arith.constant 0 : i32
        %dma_wait3A_126 = tpu.memref_slice %arg14[%dma_wait3A_124, %dma_wait3A_125] : memref<10240x64xf32, #tpu.memory_space<vmem_shared>> -> memref<10240x64xf32, #tpu.memory_space<vmem_shared>>
        tpu.wait_indirect_dma semaphore(%arg18 : memref<!tpu.dma_semaphore, #tpu.memory_space<semaphore_mem>>) src(%arg13 : memref<128x64xf32, #tpu.memory_space<vmem>>) dst(%dma_wait3A_126 : memref<10240x64xf32, #tpu.memory_space<vmem_shared>>)
        %dma_start3A_127 = arith.constant 0 : i32
        %dma_start3A_128 = tpu.memref_slice %arg10[%add3A_114, %dma_start3A_127] : memref<80x128xi32, #tpu.memory_space<vmem>> -> memref<1x128xi32, #tpu.memory_space<vmem>>
        %dma_start3A_129 = tpu.memref_squeeze %dma_start3A_128 : memref<1x128xi32, #tpu.memory_space<vmem>> -> memref<128xi32, #tpu.memory_space<vmem>>
        %dma_start3A_130 = arith.constant 0 : i32
        %dma_start3A_131 = arith.constant 0 : i32
        %dma_start3A_132 = tpu.memref_slice %arg2[%dma_start3A_130, %dma_start3A_131] : memref<20000x64xf32, #tpu.memory_space<hbm>> -> memref<20000x64xf32, #tpu.memory_space<hbm>>
        tpu.enqueue_indirect_dma source(%dma_start3A_132 : memref<20000x64xf32, #tpu.memory_space<hbm>>) target(%arg13 : memref<128x64xf32, #tpu.memory_space<vmem>>) offsets(%dma_start3A_129 : memref<128xi32, #tpu.memory_space<vmem>>) semaphore(%arg16 : memref<!tpu.dma_semaphore, #tpu.memory_space<semaphore_mem>>)
      } else {
      }
      %scan3A_120 = arith.constant 0 : i32
      scf.yield %scan3A_120 : i32
    }
    %scan3A_30 = arith.constant 40 : i32
    %dma_wait3A = arith.constant 0 : i32
    %dma_wait3A_31 = arith.constant 0 : i32
    %dma_wait3A_32 = tpu.memref_slice %arg11[%dma_wait3A, %dma_wait3A_31] : memref<80x128xi32, #tpu.memory_space<vmem>> -> memref<1x128xi32, #tpu.memory_space<vmem>>
    %dma_wait3A_33 = tpu.memref_squeeze %dma_wait3A_32 : memref<1x128xi32, #tpu.memory_space<vmem>> -> memref<128xi32, #tpu.memory_space<vmem>>
    %dma_wait3A_34 = arith.constant 0 : i32
    %dma_wait3A_35 = arith.constant 0 : i32
    %dma_wait3A_36 = tpu.memref_slice %arg14[%dma_wait3A_34, %dma_wait3A_35] : memref<10240x64xf32, #tpu.memory_space<vmem_shared>> -> memref<10240x64xf32, #tpu.memory_space<vmem_shared>>
    tpu.wait_indirect_dma semaphore(%arg17 : memref<!tpu.dma_semaphore, #tpu.memory_space<semaphore_mem>>) src(%arg12 : memref<128x64xf32, #tpu.memory_space<vmem>>) dst(%dma_wait3A_36 : memref<10240x64xf32, #tpu.memory_space<vmem_shared>>)
    %dma_wait3A_37 = arith.constant 0 : i32
    %dma_wait3A_38 = arith.constant 0 : i32
    %dma_wait3A_39 = tpu.memref_slice %arg11[%dma_wait3A_37, %dma_wait3A_38] : memref<80x128xi32, #tpu.memory_space<vmem>> -> memref<1x128xi32, #tpu.memory_space<vmem>>
    %dma_wait3A_40 = tpu.memref_squeeze %dma_wait3A_39 : memref<1x128xi32, #tpu.memory_space<vmem>> -> memref<128xi32, #tpu.memory_space<vmem>>
    %dma_wait3A_41 = arith.constant 0 : i32
    %dma_wait3A_42 = arith.constant 0 : i32
    %dma_wait3A_43 = tpu.memref_slice %arg14[%dma_wait3A_41, %dma_wait3A_42] : memref<10240x64xf32, #tpu.memory_space<vmem_shared>> -> memref<10240x64xf32, #tpu.memory_space<vmem_shared>>
    tpu.wait_indirect_dma semaphore(%arg18 : memref<!tpu.dma_semaphore, #tpu.memory_space<semaphore_mem>>) src(%arg13 : memref<128x64xf32, #tpu.memory_space<vmem>>) dst(%dma_wait3A_43 : memref<10240x64xf32, #tpu.memory_space<vmem_shared>>)
    %eq3A_44 = arith.constant 0 : i32
    %eq3A_45 = arith.cmpi eq, %arg0, %eq3A_44 : i32
    %convert_element_type3A_46 = arith.extui %eq3A_45 : i1 to i32
    %cond3A_47 = arith.constant 0 : i32
    %cond3A_48 = arith.cmpi ne, %convert_element_type3A_46, %cond3A_47 : i32
    scf.if %cond3A_48 {
      %scan3A_55 = arith.constant 0 : i32
      %scan3A_56 = arith.constant 0 : i32
      %scan3A_57 = arith.constant 80 : i32
      %scan3A_58 = arith.addi %scan3A_56, %scan3A_57 : i32
      %scan3A_59 = arith.constant 1 : i32
      %scan3A_60 = scf.for %scan3A_62 = %scan3A_56 to %scan3A_58 step %scan3A_59 iter_args(%scan3A_63 = %scan3A_55) -> (i32)  : i32 {
        %dma_wait3A_64 = arith.constant 0 : i32
        %dma_wait3A_65 = arith.constant 0 : i32
        %dma_wait3A_66 = tpu.memref_slice %arg11[%dma_wait3A_64, %dma_wait3A_65] : memref<80x128xi32, #tpu.memory_space<vmem>> -> memref<1x128xi32, #tpu.memory_space<vmem>>
        %dma_wait3A_67 = tpu.memref_squeeze %dma_wait3A_66 : memref<1x128xi32, #tpu.memory_space<vmem>> -> memref<128xi32, #tpu.memory_space<vmem>>
        %dma_wait3A_68 = arith.constant 0 : i32
        %dma_wait3A_69 = arith.constant 0 : i32
        %dma_wait3A_70 = tpu.memref_slice %arg20[%dma_wait3A_68, %dma_wait3A_69] : memref<10240x16xf32, #tpu.memory_space<vmem_shared>> -> memref<10240x16xf32, #tpu.memory_space<vmem_shared>>
        tpu.wait_indirect_dma semaphore(%arg21 : memref<!tpu.dma_semaphore, #tpu.memory_space<semaphore_mem>>) src(%arg19 : memref<128x16xf32, #tpu.memory_space<vmem>>) dst(%dma_wait3A_70 : memref<10240x16xf32, #tpu.memory_space<vmem_shared>>)
        %scan3A_71 = arith.constant 0 : i32
        scf.yield %scan3A_71 : i32
      }
      %scan3A_61 = arith.constant 80 : i32
    } else {
    }
    %barrier3A_49 = arith.constant 0 : index
    tpu.barrier barrier_id(%barrier3A_49)
    "tpu.region"() ({
      %run_scoped3A = tpu.sem_alloc : memref<!tpu.dma_semaphore, #tpu.memory_space<semaphore_mem>>
      %dma_start3A_55 = arith.constant 0 : i32
      %dma_start3A_56 = tpu.memref_slice %arg8[%arg0, %mul3A_0, %dma_start3A_55] : memref<2x10240x64xf32, #tpu.memory_space<hbm>> -> memref<1x640x64xf32, #tpu.memory_space<hbm>>
      %dma_start3A_57 = tpu.memref_squeeze %dma_start3A_56 : memref<1x640x64xf32, #tpu.memory_space<hbm>> -> memref<640x64xf32, #tpu.memory_space<hbm>>
      %dma_start3A_58 = arith.constant 0 : i32
      %dma_start3A_59 = tpu.memref_slice %arg14[%mul3A_0, %dma_start3A_58] : memref<10240x64xf32, #tpu.memory_space<vmem_shared>> -> memref<640x64xf32, #tpu.memory_space<vmem_shared>>
      tpu.enqueue_dma source(%dma_start3A_59 : memref<640x64xf32, #tpu.memory_space<vmem_shared>>) target(%dma_start3A_57 : memref<640x64xf32, #tpu.memory_space<hbm>>) target_semaphore(%run_scoped3A : memref<!tpu.dma_semaphore, #tpu.memory_space<semaphore_mem>>)
      %dma_wait3A_60 = arith.constant 0 : i32
      %dma_wait3A_61 = tpu.memref_slice %arg8[%arg0, %mul3A_0, %dma_wait3A_60] : memref<2x10240x64xf32, #tpu.memory_space<hbm>> -> memref<1x640x64xf32, #tpu.memory_space<hbm>>
      %dma_wait3A_62 = tpu.memref_squeeze %dma_wait3A_61 : memref<1x640x64xf32, #tpu.memory_space<hbm>> -> memref<640x64xf32, #tpu.memory_space<hbm>>
      %dma_wait3A_63 = arith.constant 0 : i32
      %dma_wait3A_64 = tpu.memref_slice %arg14[%mul3A_0, %dma_wait3A_63] : memref<10240x64xf32, #tpu.memory_space<vmem_shared>> -> memref<640x64xf32, #tpu.memory_space<vmem_shared>>
      tpu.wait_dma2 semaphore(%run_scoped3A : memref<!tpu.dma_semaphore, #tpu.memory_space<semaphore_mem>>) src(%dma_wait3A_64 : memref<640x64xf32, #tpu.memory_space<vmem_shared>>) dst(%dma_wait3A_62 : memref<640x64xf32, #tpu.memory_space<hbm>>)
      tpu.yield
    }) : () -> ()
    %eq3A_50 = arith.constant 0 : i32
    %eq3A_51 = arith.cmpi eq, %arg0, %eq3A_50 : i32
    %convert_element_type3A_52 = arith.extui %eq3A_51 : i1 to i32
    %cond3A_53 = arith.constant 0 : i32
    %cond3A_54 = arith.cmpi ne, %convert_element_type3A_52, %cond3A_53 : i32
    scf.if %cond3A_54 {
      "tpu.region"() ({
        %run_scoped3A = tpu.sem_alloc : memref<!tpu.dma_semaphore, #tpu.memory_space<semaphore_mem>>
        %dma_start3A_55 = arith.constant 0 : i32
        %dma_start3A_56 = tpu.memref_slice %arg9[%mul3A_0, %dma_start3A_55] : memref<10240x16xf32, #tpu.memory_space<hbm>> -> memref<640x16xf32, #tpu.memory_space<hbm>>
        %dma_start3A_57 = arith.constant 0 : i32
        %dma_start3A_58 = tpu.memref_slice %arg20[%mul3A_0, %dma_start3A_57] : memref<10240x16xf32, #tpu.memory_space<vmem_shared>> -> memref<640x16xf32, #tpu.memory_space<vmem_shared>>
        tpu.enqueue_dma source(%dma_start3A_58 : memref<640x16xf32, #tpu.memory_space<vmem_shared>>) target(%dma_start3A_56 : memref<640x16xf32, #tpu.memory_space<hbm>>) target_semaphore(%run_scoped3A : memref<!tpu.dma_semaphore, #tpu.memory_space<semaphore_mem>>)
        %dma_wait3A_59 = arith.constant 0 : i32
        %dma_wait3A_60 = tpu.memref_slice %arg9[%mul3A_0, %dma_wait3A_59] : memref<10240x16xf32, #tpu.memory_space<hbm>> -> memref<640x16xf32, #tpu.memory_space<hbm>>
        %dma_wait3A_61 = arith.constant 0 : i32
        %dma_wait3A_62 = tpu.memref_slice %arg20[%mul3A_0, %dma_wait3A_61] : memref<10240x16xf32, #tpu.memory_space<vmem_shared>> -> memref<640x16xf32, #tpu.memory_space<vmem_shared>>
        tpu.wait_dma2 semaphore(%run_scoped3A : memref<!tpu.dma_semaphore, #tpu.memory_space<semaphore_mem>>) src(%dma_wait3A_62 : memref<640x16xf32, #tpu.memory_space<vmem_shared>>) dst(%dma_wait3A_60 : memref<640x16xf32, #tpu.memory_space<hbm>>)
        tpu.yield
      }) : () -> ()
    } else {
    }
    return
  }
}

#map = affine_map<(d0, d1) -> (0, 0)>
#map1 = affine_map<(d0, d1) -> (0, 0, 0, 0)>
#map2 = affine_map<(d0, d1) -> (0, 0, 0)>
module attributes {stable_mosaic.version = 14 : i64} {
  func.func @body(%arg0: i32, %arg1: i32, %arg2: memref<20000x32xf32, #tpu.memory_space<hbm>>, %arg3: memref<2x16x80x128xi32, #tpu.memory_space<hbm>>, %arg4: memref<16x80x128xi32, #tpu.memory_space<hbm>>, %arg5: memref<128x32xf32, #tpu.memory_space<hbm>>, %arg6: memref<10240x64xf32, #tpu.memory_space<hbm>>, %arg7: memref<10240x16xf32, #tpu.memory_space<hbm>>, %arg8: memref<10240x64xf32, #tpu.memory_space<hbm>>, %arg9: memref<80x128xi32, #tpu.memory_space<vmem>>, %arg10: memref<80x128xi32, #tpu.memory_space<vmem>>, %arg11: memref<128x32xf32, #tpu.memory_space<vmem>>, %arg12: memref<128x32xf32, #tpu.memory_space<vmem>>, %arg13: memref<128x16xf32, #tpu.memory_space<vmem>>, %arg14: memref<10240x32xf32, #tpu.memory_space<vmem_shared>>, %arg15: memref<!tpu.dma_semaphore, #tpu.memory_space<semaphore_mem>>, %arg16: memref<!tpu.dma_semaphore, #tpu.memory_space<semaphore_mem>>, %arg17: memref<!tpu.dma_semaphore, #tpu.memory_space<semaphore_mem>>, %arg18: memref<!tpu.dma_semaphore, #tpu.memory_space<semaphore_mem>>) attributes {dimension_semantics = [#tpu.dimension_semantics<core_parallel>, #tpu.dimension_semantics<subcore_parallel>], iteration_bounds = array<i64: 2, 16>, scalar_prefetch = 0 : i64, scratch_operands = 10 : i64, tpu.core_type = #tpu.core_type<sc_vector_subcore>, window_params = [{transform_indices = #map}, {transform_indices = #map1}, {transform_indices = #map2}, {transform_indices = #map}, {transform_indices = #map}, {transform_indices = #map}, {transform_indices = #map}]} {
    %mul3A = arith.constant 640 : i32
    %mul3A_0 = arith.muli %arg1, %mul3A : i32
    "tpu.region"() ({
      %run_scoped3A = tpu.sem_alloc : memref<!tpu.dma_semaphore, #tpu.memory_space<semaphore_mem>>
      %dma_start3A_108 = arith.constant 0 : i32
      %dma_start3A_109 = arith.constant 0 : i32
      %dma_start3A_110 = tpu.memref_slice %arg3[%arg0, %arg1, %dma_start3A_108, %dma_start3A_109] : memref<2x16x80x128xi32, #tpu.memory_space<hbm>> -> memref<1x1x80x128xi32, #tpu.memory_space<hbm>>
      %dma_start3A_111 = tpu.memref_squeeze %dma_start3A_110 : memref<1x1x80x128xi32, #tpu.memory_space<hbm>> -> memref<80x128xi32, #tpu.memory_space<hbm>>
      %dma_start3A_112 = arith.constant 0 : i32
      %dma_start3A_113 = arith.constant 0 : i32
      %dma_start3A_114 = tpu.memref_slice %arg3[%arg0, %arg1, %dma_start3A_112, %dma_start3A_113] : memref<2x16x80x128xi32, #tpu.memory_space<hbm>> -> memref<1x1x80x128xi32, #tpu.memory_space<hbm>>
      %dma_start3A_115 = tpu.memref_squeeze %dma_start3A_114 : memref<1x1x80x128xi32, #tpu.memory_space<hbm>> -> memref<80x128xi32, #tpu.memory_space<hbm>>
      tpu.enqueue_dma source(%dma_start3A_115 : memref<80x128xi32, #tpu.memory_space<hbm>>) target(%arg9 : memref<80x128xi32, #tpu.memory_space<vmem>>) target_semaphore(%run_scoped3A : memref<!tpu.dma_semaphore, #tpu.memory_space<semaphore_mem>>)
      %dma_wait3A_116 = arith.constant 0 : i32
      %dma_wait3A_117 = arith.constant 0 : i32
      %dma_wait3A_118 = tpu.memref_slice %arg3[%arg0, %arg1, %dma_wait3A_116, %dma_wait3A_117] : memref<2x16x80x128xi32, #tpu.memory_space<hbm>> -> memref<1x1x80x128xi32, #tpu.memory_space<hbm>>
      %dma_wait3A_119 = tpu.memref_squeeze %dma_wait3A_118 : memref<1x1x80x128xi32, #tpu.memory_space<hbm>> -> memref<80x128xi32, #tpu.memory_space<hbm>>
      %dma_wait3A_120 = arith.constant 0 : i32
      %dma_wait3A_121 = arith.constant 0 : i32
      %dma_wait3A_122 = tpu.memref_slice %arg3[%arg0, %arg1, %dma_wait3A_120, %dma_wait3A_121] : memref<2x16x80x128xi32, #tpu.memory_space<hbm>> -> memref<1x1x80x128xi32, #tpu.memory_space<hbm>>
      %dma_wait3A_123 = tpu.memref_squeeze %dma_wait3A_122 : memref<1x1x80x128xi32, #tpu.memory_space<hbm>> -> memref<80x128xi32, #tpu.memory_space<hbm>>
      tpu.wait_dma2 semaphore(%run_scoped3A : memref<!tpu.dma_semaphore, #tpu.memory_space<semaphore_mem>>) src(%dma_wait3A_123 : memref<80x128xi32, #tpu.memory_space<hbm>>) dst(%arg9 : memref<80x128xi32, #tpu.memory_space<vmem>>)
      tpu.yield
    }) : () -> ()
    "tpu.region"() ({
      %run_scoped3A = tpu.sem_alloc : memref<!tpu.dma_semaphore, #tpu.memory_space<semaphore_mem>>
      %dma_start3A_108 = arith.constant 0 : i32
      %dma_start3A_109 = arith.constant 0 : i32
      %dma_start3A_110 = tpu.memref_slice %arg4[%arg1, %dma_start3A_108, %dma_start3A_109] : memref<16x80x128xi32, #tpu.memory_space<hbm>> -> memref<1x80x128xi32, #tpu.memory_space<hbm>>
      %dma_start3A_111 = tpu.memref_squeeze %dma_start3A_110 : memref<1x80x128xi32, #tpu.memory_space<hbm>> -> memref<80x128xi32, #tpu.memory_space<hbm>>
      %dma_start3A_112 = arith.constant 0 : i32
      %dma_start3A_113 = arith.constant 0 : i32
      %dma_start3A_114 = tpu.memref_slice %arg4[%arg1, %dma_start3A_112, %dma_start3A_113] : memref<16x80x128xi32, #tpu.memory_space<hbm>> -> memref<1x80x128xi32, #tpu.memory_space<hbm>>
      %dma_start3A_115 = tpu.memref_squeeze %dma_start3A_114 : memref<1x80x128xi32, #tpu.memory_space<hbm>> -> memref<80x128xi32, #tpu.memory_space<hbm>>
      tpu.enqueue_dma source(%dma_start3A_115 : memref<80x128xi32, #tpu.memory_space<hbm>>) target(%arg10 : memref<80x128xi32, #tpu.memory_space<vmem>>) target_semaphore(%run_scoped3A : memref<!tpu.dma_semaphore, #tpu.memory_space<semaphore_mem>>)
      %dma_wait3A_116 = arith.constant 0 : i32
      %dma_wait3A_117 = arith.constant 0 : i32
      %dma_wait3A_118 = tpu.memref_slice %arg4[%arg1, %dma_wait3A_116, %dma_wait3A_117] : memref<16x80x128xi32, #tpu.memory_space<hbm>> -> memref<1x80x128xi32, #tpu.memory_space<hbm>>
      %dma_wait3A_119 = tpu.memref_squeeze %dma_wait3A_118 : memref<1x80x128xi32, #tpu.memory_space<hbm>> -> memref<80x128xi32, #tpu.memory_space<hbm>>
      %dma_wait3A_120 = arith.constant 0 : i32
      %dma_wait3A_121 = arith.constant 0 : i32
      %dma_wait3A_122 = tpu.memref_slice %arg4[%arg1, %dma_wait3A_120, %dma_wait3A_121] : memref<16x80x128xi32, #tpu.memory_space<hbm>> -> memref<1x80x128xi32, #tpu.memory_space<hbm>>
      %dma_wait3A_123 = tpu.memref_squeeze %dma_wait3A_122 : memref<1x80x128xi32, #tpu.memory_space<hbm>> -> memref<80x128xi32, #tpu.memory_space<hbm>>
      tpu.wait_dma2 semaphore(%run_scoped3A : memref<!tpu.dma_semaphore, #tpu.memory_space<semaphore_mem>>) src(%dma_wait3A_123 : memref<80x128xi32, #tpu.memory_space<hbm>>) dst(%arg10 : memref<80x128xi32, #tpu.memory_space<vmem>>)
      tpu.yield
    }) : () -> ()
    %add3A = arith.constant 0 : i32
    %add3A_1 = arith.addi %mul3A_0, %add3A : i32
    "tpu.region"() ({
      %run_scoped3A = tpu.sem_alloc : memref<!tpu.dma_semaphore, #tpu.memory_space<semaphore_mem>>
      %dma_start3A_108 = arith.constant 0 : i32
      %dma_start3A_109 = tpu.memref_slice %arg14[%add3A_1, %dma_start3A_108] : memref<10240x32xf32, #tpu.memory_space<vmem_shared>> -> memref<128x32xf32, #tpu.memory_space<vmem_shared>>
      tpu.enqueue_dma source(%arg5 : memref<128x32xf32, #tpu.memory_space<hbm>>) target(%dma_start3A_109 : memref<128x32xf32, #tpu.memory_space<vmem_shared>>) target_semaphore(%run_scoped3A : memref<!tpu.dma_semaphore, #tpu.memory_space<semaphore_mem>>)
      %dma_wait3A_110 = arith.constant 0 : i32
      %dma_wait3A_111 = tpu.memref_slice %arg14[%add3A_1, %dma_wait3A_110] : memref<10240x32xf32, #tpu.memory_space<vmem_shared>> -> memref<128x32xf32, #tpu.memory_space<vmem_shared>>
      tpu.wait_dma2 semaphore(%run_scoped3A : memref<!tpu.dma_semaphore, #tpu.memory_space<semaphore_mem>>) src(%arg5 : memref<128x32xf32, #tpu.memory_space<hbm>>) dst(%dma_wait3A_111 : memref<128x32xf32, #tpu.memory_space<vmem_shared>>)
      tpu.yield
    }) : () -> ()
    %add3A_2 = arith.constant 128 : i32
    %add3A_3 = arith.addi %mul3A_0, %add3A_2 : i32
    "tpu.region"() ({
      %run_scoped3A = tpu.sem_alloc : memref<!tpu.dma_semaphore, #tpu.memory_space<semaphore_mem>>
      %dma_start3A_108 = arith.constant 0 : i32
      %dma_start3A_109 = tpu.memref_slice %arg14[%add3A_3, %dma_start3A_108] : memref<10240x32xf32, #tpu.memory_space<vmem_shared>> -> memref<128x32xf32, #tpu.memory_space<vmem_shared>>
      tpu.enqueue_dma source(%arg5 : memref<128x32xf32, #tpu.memory_space<hbm>>) target(%dma_start3A_109 : memref<128x32xf32, #tpu.memory_space<vmem_shared>>) target_semaphore(%run_scoped3A : memref<!tpu.dma_semaphore, #tpu.memory_space<semaphore_mem>>)
      %dma_wait3A_110 = arith.constant 0 : i32
      %dma_wait3A_111 = tpu.memref_slice %arg14[%add3A_3, %dma_wait3A_110] : memref<10240x32xf32, #tpu.memory_space<vmem_shared>> -> memref<128x32xf32, #tpu.memory_space<vmem_shared>>
      tpu.wait_dma2 semaphore(%run_scoped3A : memref<!tpu.dma_semaphore, #tpu.memory_space<semaphore_mem>>) src(%arg5 : memref<128x32xf32, #tpu.memory_space<hbm>>) dst(%dma_wait3A_111 : memref<128x32xf32, #tpu.memory_space<vmem_shared>>)
      tpu.yield
    }) : () -> ()
    %add3A_4 = arith.constant 256 : i32
    %add3A_5 = arith.addi %mul3A_0, %add3A_4 : i32
    "tpu.region"() ({
      %run_scoped3A = tpu.sem_alloc : memref<!tpu.dma_semaphore, #tpu.memory_space<semaphore_mem>>
      %dma_start3A_108 = arith.constant 0 : i32
      %dma_start3A_109 = tpu.memref_slice %arg14[%add3A_5, %dma_start3A_108] : memref<10240x32xf32, #tpu.memory_space<vmem_shared>> -> memref<128x32xf32, #tpu.memory_space<vmem_shared>>
      tpu.enqueue_dma source(%arg5 : memref<128x32xf32, #tpu.memory_space<hbm>>) target(%dma_start3A_109 : memref<128x32xf32, #tpu.memory_space<vmem_shared>>) target_semaphore(%run_scoped3A : memref<!tpu.dma_semaphore, #tpu.memory_space<semaphore_mem>>)
      %dma_wait3A_110 = arith.constant 0 : i32
      %dma_wait3A_111 = tpu.memref_slice %arg14[%add3A_5, %dma_wait3A_110] : memref<10240x32xf32, #tpu.memory_space<vmem_shared>> -> memref<128x32xf32, #tpu.memory_space<vmem_shared>>
      tpu.wait_dma2 semaphore(%run_scoped3A : memref<!tpu.dma_semaphore, #tpu.memory_space<semaphore_mem>>) src(%arg5 : memref<128x32xf32, #tpu.memory_space<hbm>>) dst(%dma_wait3A_111 : memref<128x32xf32, #tpu.memory_space<vmem_shared>>)
      tpu.yield
    }) : () -> ()
    %add3A_6 = arith.constant 384 : i32
    %add3A_7 = arith.addi %mul3A_0, %add3A_6 : i32
    "tpu.region"() ({
      %run_scoped3A = tpu.sem_alloc : memref<!tpu.dma_semaphore, #tpu.memory_space<semaphore_mem>>
      %dma_start3A_108 = arith.constant 0 : i32
      %dma_start3A_109 = tpu.memref_slice %arg14[%add3A_7, %dma_start3A_108] : memref<10240x32xf32, #tpu.memory_space<vmem_shared>> -> memref<128x32xf32, #tpu.memory_space<vmem_shared>>
      tpu.enqueue_dma source(%arg5 : memref<128x32xf32, #tpu.memory_space<hbm>>) target(%dma_start3A_109 : memref<128x32xf32, #tpu.memory_space<vmem_shared>>) target_semaphore(%run_scoped3A : memref<!tpu.dma_semaphore, #tpu.memory_space<semaphore_mem>>)
      %dma_wait3A_110 = arith.constant 0 : i32
      %dma_wait3A_111 = tpu.memref_slice %arg14[%add3A_7, %dma_wait3A_110] : memref<10240x32xf32, #tpu.memory_space<vmem_shared>> -> memref<128x32xf32, #tpu.memory_space<vmem_shared>>
      tpu.wait_dma2 semaphore(%run_scoped3A : memref<!tpu.dma_semaphore, #tpu.memory_space<semaphore_mem>>) src(%arg5 : memref<128x32xf32, #tpu.memory_space<hbm>>) dst(%dma_wait3A_111 : memref<128x32xf32, #tpu.memory_space<vmem_shared>>)
      tpu.yield
    }) : () -> ()
    %add3A_8 = arith.constant 512 : i32
    %add3A_9 = arith.addi %mul3A_0, %add3A_8 : i32
    "tpu.region"() ({
      %run_scoped3A = tpu.sem_alloc : memref<!tpu.dma_semaphore, #tpu.memory_space<semaphore_mem>>
      %dma_start3A_108 = arith.constant 0 : i32
      %dma_start3A_109 = tpu.memref_slice %arg14[%add3A_9, %dma_start3A_108] : memref<10240x32xf32, #tpu.memory_space<vmem_shared>> -> memref<128x32xf32, #tpu.memory_space<vmem_shared>>
      tpu.enqueue_dma source(%arg5 : memref<128x32xf32, #tpu.memory_space<hbm>>) target(%dma_start3A_109 : memref<128x32xf32, #tpu.memory_space<vmem_shared>>) target_semaphore(%run_scoped3A : memref<!tpu.dma_semaphore, #tpu.memory_space<semaphore_mem>>)
      %dma_wait3A_110 = arith.constant 0 : i32
      %dma_wait3A_111 = tpu.memref_slice %arg14[%add3A_9, %dma_wait3A_110] : memref<10240x32xf32, #tpu.memory_space<vmem_shared>> -> memref<128x32xf32, #tpu.memory_space<vmem_shared>>
      tpu.wait_dma2 semaphore(%run_scoped3A : memref<!tpu.dma_semaphore, #tpu.memory_space<semaphore_mem>>) src(%arg5 : memref<128x32xf32, #tpu.memory_space<hbm>>) dst(%dma_wait3A_111 : memref<128x32xf32, #tpu.memory_space<vmem_shared>>)
      tpu.yield
    }) : () -> ()
    %barrier3A = arith.constant 0 : index
    tpu.barrier barrier_id(%barrier3A)
    %dma_start3A = arith.constant 0 : i32
    %dma_start3A_10 = arith.constant 0 : i32
    %dma_start3A_11 = tpu.memref_slice %arg9[%dma_start3A, %dma_start3A_10] : memref<80x128xi32, #tpu.memory_space<vmem>> -> memref<1x128xi32, #tpu.memory_space<vmem>>
    %dma_start3A_12 = tpu.memref_squeeze %dma_start3A_11 : memref<1x128xi32, #tpu.memory_space<vmem>> -> memref<128xi32, #tpu.memory_space<vmem>>
    %dma_start3A_13 = arith.constant 0 : i32
    %dma_start3A_14 = arith.constant 0 : i32
    %dma_start3A_15 = tpu.memref_slice %arg2[%dma_start3A_13, %dma_start3A_14] : memref<20000x32xf32, #tpu.memory_space<hbm>> -> memref<20000x32xf32, #tpu.memory_space<hbm>>
    tpu.enqueue_indirect_dma source(%dma_start3A_15 : memref<20000x32xf32, #tpu.memory_space<hbm>>) target(%arg11 : memref<128x32xf32, #tpu.memory_space<vmem>>) offsets(%dma_start3A_12 : memref<128xi32, #tpu.memory_space<vmem>>) semaphore(%arg15 : memref<!tpu.dma_semaphore, #tpu.memory_space<semaphore_mem>>)
    %dma_start3A_16 = arith.constant 1 : i32
    %dma_start3A_17 = arith.constant 0 : i32
    %dma_start3A_18 = tpu.memref_slice %arg9[%dma_start3A_16, %dma_start3A_17] : memref<80x128xi32, #tpu.memory_space<vmem>> -> memref<1x128xi32, #tpu.memory_space<vmem>>
    %dma_start3A_19 = tpu.memref_squeeze %dma_start3A_18 : memref<1x128xi32, #tpu.memory_space<vmem>> -> memref<128xi32, #tpu.memory_space<vmem>>
    %dma_start3A_20 = arith.constant 0 : i32
    %dma_start3A_21 = arith.constant 0 : i32
    %dma_start3A_22 = tpu.memref_slice %arg2[%dma_start3A_20, %dma_start3A_21] : memref<20000x32xf32, #tpu.memory_space<hbm>> -> memref<20000x32xf32, #tpu.memory_space<hbm>>
    tpu.enqueue_indirect_dma source(%dma_start3A_22 : memref<20000x32xf32, #tpu.memory_space<hbm>>) target(%arg12 : memref<128x32xf32, #tpu.memory_space<vmem>>) offsets(%dma_start3A_19 : memref<128xi32, #tpu.memory_space<vmem>>) semaphore(%arg16 : memref<!tpu.dma_semaphore, #tpu.memory_space<semaphore_mem>>)
    %scan3A = arith.constant 0 : i32
    %scan3A_23 = arith.constant 0 : i32
    %scan3A_24 = arith.constant 40 : i32
    %scan3A_25 = arith.addi %scan3A_23, %scan3A_24 : i32
    %scan3A_26 = arith.constant 1 : i32
    %scan3A_27 = scf.for %scan3A_108 = %scan3A_23 to %scan3A_25 step %scan3A_26 iter_args(%scan3A_109 = %scan3A) -> (i32)  : i32 {
      %mul3A_110 = arith.constant 2 : i32
      %mul3A_111 = arith.muli %scan3A_108, %mul3A_110 : i32
      %add3A_112 = arith.constant 0 : i32
      %add3A_113 = arith.addi %mul3A_111, %add3A_112 : i32
      %dma_wait3A_114 = arith.constant 0 : i32
      %dma_wait3A_115 = tpu.memref_slice %arg9[%add3A_113, %dma_wait3A_114] : memref<80x128xi32, #tpu.memory_space<vmem>> -> memref<1x128xi32, #tpu.memory_space<vmem>>
      %dma_wait3A_116 = tpu.memref_squeeze %dma_wait3A_115 : memref<1x128xi32, #tpu.memory_space<vmem>> -> memref<128xi32, #tpu.memory_space<vmem>>
      %dma_wait3A_117 = arith.constant 0 : i32
      %dma_wait3A_118 = arith.constant 0 : i32
      %dma_wait3A_119 = tpu.memref_slice %arg2[%dma_wait3A_117, %dma_wait3A_118] : memref<20000x32xf32, #tpu.memory_space<hbm>> -> memref<20000x32xf32, #tpu.memory_space<hbm>>
      tpu.wait_indirect_dma semaphore(%arg15 : memref<!tpu.dma_semaphore, #tpu.memory_space<semaphore_mem>>) src(%dma_wait3A_119 : memref<20000x32xf32, #tpu.memory_space<hbm>>) dst(%arg11 : memref<128x32xf32, #tpu.memory_space<vmem>>)
      %dma_start3A_120 = arith.constant 0 : i32
      %dma_start3A_121 = tpu.memref_slice %arg10[%add3A_113, %dma_start3A_120] : memref<80x128xi32, #tpu.memory_space<vmem>> -> memref<1x128xi32, #tpu.memory_space<vmem>>
      %dma_start3A_122 = tpu.memref_squeeze %dma_start3A_121 : memref<1x128xi32, #tpu.memory_space<vmem>> -> memref<128xi32, #tpu.memory_space<vmem>>
      %dma_start3A_123 = arith.constant 0 : i32
      %dma_start3A_124 = arith.constant 0 : i32
      %dma_start3A_125 = tpu.memref_slice %arg14[%dma_start3A_123, %dma_start3A_124] : memref<10240x32xf32, #tpu.memory_space<vmem_shared>> -> memref<10240x32xf32, #tpu.memory_space<vmem_shared>>
      tpu.enqueue_indirect_dma source(%arg11 : memref<128x32xf32, #tpu.memory_space<vmem>>) target(%dma_start3A_125 : memref<10240x32xf32, #tpu.memory_space<vmem_shared>>) offsets(%dma_start3A_122 : memref<128xi32, #tpu.memory_space<vmem>>) semaphore(%arg17 : memref<!tpu.dma_semaphore, #tpu.memory_space<semaphore_mem>>) {add = true}
      %mul3A_126 = arith.constant 2 : i32
      %mul3A_127 = arith.muli %scan3A_108, %mul3A_126 : i32
      %add3A_128 = arith.constant 1 : i32
      %add3A_129 = arith.addi %mul3A_127, %add3A_128 : i32
      %dma_wait3A_130 = arith.constant 0 : i32
      %dma_wait3A_131 = tpu.memref_slice %arg9[%add3A_129, %dma_wait3A_130] : memref<80x128xi32, #tpu.memory_space<vmem>> -> memref<1x128xi32, #tpu.memory_space<vmem>>
      %dma_wait3A_132 = tpu.memref_squeeze %dma_wait3A_131 : memref<1x128xi32, #tpu.memory_space<vmem>> -> memref<128xi32, #tpu.memory_space<vmem>>
      %dma_wait3A_133 = arith.constant 0 : i32
      %dma_wait3A_134 = arith.constant 0 : i32
      %dma_wait3A_135 = tpu.memref_slice %arg2[%dma_wait3A_133, %dma_wait3A_134] : memref<20000x32xf32, #tpu.memory_space<hbm>> -> memref<20000x32xf32, #tpu.memory_space<hbm>>
      tpu.wait_indirect_dma semaphore(%arg16 : memref<!tpu.dma_semaphore, #tpu.memory_space<semaphore_mem>>) src(%dma_wait3A_135 : memref<20000x32xf32, #tpu.memory_space<hbm>>) dst(%arg12 : memref<128x32xf32, #tpu.memory_space<vmem>>)
      %dma_start3A_136 = arith.constant 0 : i32
      %dma_start3A_137 = tpu.memref_slice %arg10[%add3A_129, %dma_start3A_136] : memref<80x128xi32, #tpu.memory_space<vmem>> -> memref<1x128xi32, #tpu.memory_space<vmem>>
      %dma_start3A_138 = tpu.memref_squeeze %dma_start3A_137 : memref<1x128xi32, #tpu.memory_space<vmem>> -> memref<128xi32, #tpu.memory_space<vmem>>
      %dma_start3A_139 = arith.constant 0 : i32
      %dma_start3A_140 = arith.constant 0 : i32
      %dma_start3A_141 = tpu.memref_slice %arg14[%dma_start3A_139, %dma_start3A_140] : memref<10240x32xf32, #tpu.memory_space<vmem_shared>> -> memref<10240x32xf32, #tpu.memory_space<vmem_shared>>
      tpu.enqueue_indirect_dma source(%arg12 : memref<128x32xf32, #tpu.memory_space<vmem>>) target(%dma_start3A_141 : memref<10240x32xf32, #tpu.memory_space<vmem_shared>>) offsets(%dma_start3A_138 : memref<128xi32, #tpu.memory_space<vmem>>) semaphore(%arg18 : memref<!tpu.dma_semaphore, #tpu.memory_space<semaphore_mem>>) {add = true}
      %add3A_142 = arith.constant 1 : i32
      %add3A_143 = arith.addi %scan3A_108, %add3A_142 : i32
      %mul3A_144 = arith.constant 2 : i32
      %mul3A_145 = arith.muli %add3A_143, %mul3A_144 : i32
      %add3A_146 = arith.constant 0 : i32
      %add3A_147 = arith.addi %mul3A_145, %add3A_146 : i32
      %lt3A = arith.constant 80 : i32
      %lt3A_148 = arith.cmpi slt, %add3A_147, %lt3A : i32
      %convert_element_type3A = arith.extui %lt3A_148 : i1 to i32
      %cond3A = arith.constant 0 : i32
      %cond3A_149 = arith.cmpi ne, %convert_element_type3A, %cond3A : i32
      scf.if %cond3A_149 {
        %dma_wait3A_162 = arith.constant 0 : i32
        %dma_wait3A_163 = tpu.memref_slice %arg10[%add3A_147, %dma_wait3A_162] : memref<80x128xi32, #tpu.memory_space<vmem>> -> memref<1x128xi32, #tpu.memory_space<vmem>>
        %dma_wait3A_164 = tpu.memref_squeeze %dma_wait3A_163 : memref<1x128xi32, #tpu.memory_space<vmem>> -> memref<128xi32, #tpu.memory_space<vmem>>
        %dma_wait3A_165 = arith.constant 0 : i32
        %dma_wait3A_166 = arith.constant 0 : i32
        %dma_wait3A_167 = tpu.memref_slice %arg14[%dma_wait3A_165, %dma_wait3A_166] : memref<10240x32xf32, #tpu.memory_space<vmem_shared>> -> memref<10240x32xf32, #tpu.memory_space<vmem_shared>>
        tpu.wait_indirect_dma semaphore(%arg17 : memref<!tpu.dma_semaphore, #tpu.memory_space<semaphore_mem>>) src(%arg11 : memref<128x32xf32, #tpu.memory_space<vmem>>) dst(%dma_wait3A_167 : memref<10240x32xf32, #tpu.memory_space<vmem_shared>>)
        %dma_start3A_168 = arith.constant 0 : i32
        %dma_start3A_169 = tpu.memref_slice %arg9[%add3A_147, %dma_start3A_168] : memref<80x128xi32, #tpu.memory_space<vmem>> -> memref<1x128xi32, #tpu.memory_space<vmem>>
        %dma_start3A_170 = tpu.memref_squeeze %dma_start3A_169 : memref<1x128xi32, #tpu.memory_space<vmem>> -> memref<128xi32, #tpu.memory_space<vmem>>
        %dma_start3A_171 = arith.constant 0 : i32
        %dma_start3A_172 = arith.constant 0 : i32
        %dma_start3A_173 = tpu.memref_slice %arg2[%dma_start3A_171, %dma_start3A_172] : memref<20000x32xf32, #tpu.memory_space<hbm>> -> memref<20000x32xf32, #tpu.memory_space<hbm>>
        tpu.enqueue_indirect_dma source(%dma_start3A_173 : memref<20000x32xf32, #tpu.memory_space<hbm>>) target(%arg11 : memref<128x32xf32, #tpu.memory_space<vmem>>) offsets(%dma_start3A_170 : memref<128xi32, #tpu.memory_space<vmem>>) semaphore(%arg15 : memref<!tpu.dma_semaphore, #tpu.memory_space<semaphore_mem>>)
      } else {
      }
      %add3A_150 = arith.constant 1 : i32
      %add3A_151 = arith.addi %scan3A_108, %add3A_150 : i32
      %mul3A_152 = arith.constant 2 : i32
      %mul3A_153 = arith.muli %add3A_151, %mul3A_152 : i32
      %add3A_154 = arith.constant 1 : i32
      %add3A_155 = arith.addi %mul3A_153, %add3A_154 : i32
      %lt3A_156 = arith.constant 80 : i32
      %lt3A_157 = arith.cmpi slt, %add3A_155, %lt3A_156 : i32
      %convert_element_type3A_158 = arith.extui %lt3A_157 : i1 to i32
      %cond3A_159 = arith.constant 0 : i32
      %cond3A_160 = arith.cmpi ne, %convert_element_type3A_158, %cond3A_159 : i32
      scf.if %cond3A_160 {
        %dma_wait3A_162 = arith.constant 0 : i32
        %dma_wait3A_163 = tpu.memref_slice %arg10[%add3A_155, %dma_wait3A_162] : memref<80x128xi32, #tpu.memory_space<vmem>> -> memref<1x128xi32, #tpu.memory_space<vmem>>
        %dma_wait3A_164 = tpu.memref_squeeze %dma_wait3A_163 : memref<1x128xi32, #tpu.memory_space<vmem>> -> memref<128xi32, #tpu.memory_space<vmem>>
        %dma_wait3A_165 = arith.constant 0 : i32
        %dma_wait3A_166 = arith.constant 0 : i32
        %dma_wait3A_167 = tpu.memref_slice %arg14[%dma_wait3A_165, %dma_wait3A_166] : memref<10240x32xf32, #tpu.memory_space<vmem_shared>> -> memref<10240x32xf32, #tpu.memory_space<vmem_shared>>
        tpu.wait_indirect_dma semaphore(%arg18 : memref<!tpu.dma_semaphore, #tpu.memory_space<semaphore_mem>>) src(%arg12 : memref<128x32xf32, #tpu.memory_space<vmem>>) dst(%dma_wait3A_167 : memref<10240x32xf32, #tpu.memory_space<vmem_shared>>)
        %dma_start3A_168 = arith.constant 0 : i32
        %dma_start3A_169 = tpu.memref_slice %arg9[%add3A_155, %dma_start3A_168] : memref<80x128xi32, #tpu.memory_space<vmem>> -> memref<1x128xi32, #tpu.memory_space<vmem>>
        %dma_start3A_170 = tpu.memref_squeeze %dma_start3A_169 : memref<1x128xi32, #tpu.memory_space<vmem>> -> memref<128xi32, #tpu.memory_space<vmem>>
        %dma_start3A_171 = arith.constant 0 : i32
        %dma_start3A_172 = arith.constant 0 : i32
        %dma_start3A_173 = tpu.memref_slice %arg2[%dma_start3A_171, %dma_start3A_172] : memref<20000x32xf32, #tpu.memory_space<hbm>> -> memref<20000x32xf32, #tpu.memory_space<hbm>>
        tpu.enqueue_indirect_dma source(%dma_start3A_173 : memref<20000x32xf32, #tpu.memory_space<hbm>>) target(%arg12 : memref<128x32xf32, #tpu.memory_space<vmem>>) offsets(%dma_start3A_170 : memref<128xi32, #tpu.memory_space<vmem>>) semaphore(%arg16 : memref<!tpu.dma_semaphore, #tpu.memory_space<semaphore_mem>>)
      } else {
      }
      %scan3A_161 = arith.constant 0 : i32
      scf.yield %scan3A_161 : i32
    }
    %scan3A_28 = arith.constant 40 : i32
    %dma_wait3A = arith.constant 0 : i32
    %dma_wait3A_29 = arith.constant 0 : i32
    %dma_wait3A_30 = tpu.memref_slice %arg10[%dma_wait3A, %dma_wait3A_29] : memref<80x128xi32, #tpu.memory_space<vmem>> -> memref<1x128xi32, #tpu.memory_space<vmem>>
    %dma_wait3A_31 = tpu.memref_squeeze %dma_wait3A_30 : memref<1x128xi32, #tpu.memory_space<vmem>> -> memref<128xi32, #tpu.memory_space<vmem>>
    %dma_wait3A_32 = arith.constant 0 : i32
    %dma_wait3A_33 = arith.constant 0 : i32
    %dma_wait3A_34 = tpu.memref_slice %arg14[%dma_wait3A_32, %dma_wait3A_33] : memref<10240x32xf32, #tpu.memory_space<vmem_shared>> -> memref<10240x32xf32, #tpu.memory_space<vmem_shared>>
    tpu.wait_indirect_dma semaphore(%arg17 : memref<!tpu.dma_semaphore, #tpu.memory_space<semaphore_mem>>) src(%arg11 : memref<128x32xf32, #tpu.memory_space<vmem>>) dst(%dma_wait3A_34 : memref<10240x32xf32, #tpu.memory_space<vmem_shared>>)
    %dma_wait3A_35 = arith.constant 0 : i32
    %dma_wait3A_36 = arith.constant 0 : i32
    %dma_wait3A_37 = tpu.memref_slice %arg10[%dma_wait3A_35, %dma_wait3A_36] : memref<80x128xi32, #tpu.memory_space<vmem>> -> memref<1x128xi32, #tpu.memory_space<vmem>>
    %dma_wait3A_38 = tpu.memref_squeeze %dma_wait3A_37 : memref<1x128xi32, #tpu.memory_space<vmem>> -> memref<128xi32, #tpu.memory_space<vmem>>
    %dma_wait3A_39 = arith.constant 0 : i32
    %dma_wait3A_40 = arith.constant 0 : i32
    %dma_wait3A_41 = tpu.memref_slice %arg14[%dma_wait3A_39, %dma_wait3A_40] : memref<10240x32xf32, #tpu.memory_space<vmem_shared>> -> memref<10240x32xf32, #tpu.memory_space<vmem_shared>>
    tpu.wait_indirect_dma semaphore(%arg18 : memref<!tpu.dma_semaphore, #tpu.memory_space<semaphore_mem>>) src(%arg12 : memref<128x32xf32, #tpu.memory_space<vmem>>) dst(%dma_wait3A_41 : memref<10240x32xf32, #tpu.memory_space<vmem_shared>>)
    %barrier3A_42 = arith.constant 0 : index
    tpu.barrier barrier_id(%barrier3A_42)
    %add3A_43 = arith.constant 0 : i32
    %add3A_44 = arith.addi %mul3A_0, %add3A_43 : i32
    "tpu.region"() ({
      %run_scoped3A = tpu.sem_alloc : memref<!tpu.dma_semaphore, #tpu.memory_space<semaphore_mem>>
      %dma_start3A_108 = arith.constant 0 : i32
      %dma_start3A_109 = arith.constant 0 : i32
      %dma_start3A_110 = tpu.memref_slice %arg11[%dma_start3A_108, %dma_start3A_109] : memref<128x32xf32, #tpu.memory_space<vmem>> -> memref<128x32xf32, #tpu.memory_space<vmem>>
      %dma_start3A_111 = arith.constant 0 : i32
      %dma_start3A_112 = tpu.memref_slice %arg14[%add3A_44, %dma_start3A_111] : memref<10240x32xf32, #tpu.memory_space<vmem_shared>> -> memref<128x32xf32, #tpu.memory_space<vmem_shared>>
      %dma_start3A_113 = arith.constant 0 : i32
      %dma_start3A_114 = arith.constant 0 : i32
      %dma_start3A_115 = tpu.memref_slice %arg11[%dma_start3A_113, %dma_start3A_114] : memref<128x32xf32, #tpu.memory_space<vmem>> -> memref<128x32xf32, #tpu.memory_space<vmem>>
      %dma_start3A_116 = arith.constant 0 : i32
      %dma_start3A_117 = tpu.memref_slice %arg14[%add3A_44, %dma_start3A_116] : memref<10240x32xf32, #tpu.memory_space<vmem_shared>> -> memref<128x32xf32, #tpu.memory_space<vmem_shared>>
      tpu.enqueue_dma source(%dma_start3A_117 : memref<128x32xf32, #tpu.memory_space<vmem_shared>>) target(%dma_start3A_115 : memref<128x32xf32, #tpu.memory_space<vmem>>) target_semaphore(%run_scoped3A : memref<!tpu.dma_semaphore, #tpu.memory_space<semaphore_mem>>)
      %dma_wait3A_118 = arith.constant 0 : i32
      %dma_wait3A_119 = arith.constant 0 : i32
      %dma_wait3A_120 = tpu.memref_slice %arg11[%dma_wait3A_118, %dma_wait3A_119] : memref<128x32xf32, #tpu.memory_space<vmem>> -> memref<128x32xf32, #tpu.memory_space<vmem>>
      %dma_wait3A_121 = arith.constant 0 : i32
      %dma_wait3A_122 = tpu.memref_slice %arg14[%add3A_44, %dma_wait3A_121] : memref<10240x32xf32, #tpu.memory_space<vmem_shared>> -> memref<128x32xf32, #tpu.memory_space<vmem_shared>>
      %dma_wait3A_123 = arith.constant 0 : i32
      %dma_wait3A_124 = arith.constant 0 : i32
      %dma_wait3A_125 = tpu.memref_slice %arg11[%dma_wait3A_123, %dma_wait3A_124] : memref<128x32xf32, #tpu.memory_space<vmem>> -> memref<128x32xf32, #tpu.memory_space<vmem>>
      %dma_wait3A_126 = arith.constant 0 : i32
      %dma_wait3A_127 = tpu.memref_slice %arg14[%add3A_44, %dma_wait3A_126] : memref<10240x32xf32, #tpu.memory_space<vmem_shared>> -> memref<128x32xf32, #tpu.memory_space<vmem_shared>>
      tpu.wait_dma2 semaphore(%run_scoped3A : memref<!tpu.dma_semaphore, #tpu.memory_space<semaphore_mem>>) src(%dma_wait3A_127 : memref<128x32xf32, #tpu.memory_space<vmem_shared>>) dst(%dma_wait3A_125 : memref<128x32xf32, #tpu.memory_space<vmem>>)
      tpu.yield
    }) : () -> ()
    %mul3A_45 = arith.constant 32 : i32
    %mul3A_46 = arith.muli %arg0, %mul3A_45 : i32
    "tpu.region"() ({
      %run_scoped3A = tpu.sem_alloc : memref<!tpu.dma_semaphore, #tpu.memory_space<semaphore_mem>>
      %dma_start3A_108 = arith.constant 0 : i32
      %dma_start3A_109 = arith.constant 0 : i32
      %dma_start3A_110 = tpu.memref_slice %arg12[%dma_start3A_108, %dma_start3A_109] : memref<128x32xf32, #tpu.memory_space<vmem>> -> memref<128x32xf32, #tpu.memory_space<vmem>>
      %dma_start3A_111 = tpu.memref_slice %arg6[%add3A_44, %mul3A_46] : memref<10240x64xf32, #tpu.memory_space<hbm>> -> memref<128x32xf32, #tpu.memory_space<hbm>>
      %dma_start3A_112 = arith.constant 0 : i32
      %dma_start3A_113 = arith.constant 0 : i32
      %dma_start3A_114 = tpu.memref_slice %arg12[%dma_start3A_112, %dma_start3A_113] : memref<128x32xf32, #tpu.memory_space<vmem>> -> memref<128x32xf32, #tpu.memory_space<vmem>>
      %dma_start3A_115 = tpu.memref_slice %arg6[%add3A_44, %mul3A_46] : memref<10240x64xf32, #tpu.memory_space<hbm>> -> memref<128x32xf32, #tpu.memory_space<hbm>>
      tpu.enqueue_dma source(%dma_start3A_115 : memref<128x32xf32, #tpu.memory_space<hbm>>) target(%dma_start3A_114 : memref<128x32xf32, #tpu.memory_space<vmem>>) target_semaphore(%run_scoped3A : memref<!tpu.dma_semaphore, #tpu.memory_space<semaphore_mem>>)
      %dma_wait3A_116 = arith.constant 0 : i32
      %dma_wait3A_117 = arith.constant 0 : i32
      %dma_wait3A_118 = tpu.memref_slice %arg12[%dma_wait3A_116, %dma_wait3A_117] : memref<128x32xf32, #tpu.memory_space<vmem>> -> memref<128x32xf32, #tpu.memory_space<vmem>>
      %dma_wait3A_119 = tpu.memref_slice %arg6[%add3A_44, %mul3A_46] : memref<10240x64xf32, #tpu.memory_space<hbm>> -> memref<128x32xf32, #tpu.memory_space<hbm>>
      %dma_wait3A_120 = arith.constant 0 : i32
      %dma_wait3A_121 = arith.constant 0 : i32
      %dma_wait3A_122 = tpu.memref_slice %arg12[%dma_wait3A_120, %dma_wait3A_121] : memref<128x32xf32, #tpu.memory_space<vmem>> -> memref<128x32xf32, #tpu.memory_space<vmem>>
      %dma_wait3A_123 = tpu.memref_slice %arg6[%add3A_44, %mul3A_46] : memref<10240x64xf32, #tpu.memory_space<hbm>> -> memref<128x32xf32, #tpu.memory_space<hbm>>
      tpu.wait_dma2 semaphore(%run_scoped3A : memref<!tpu.dma_semaphore, #tpu.memory_space<semaphore_mem>>) src(%dma_wait3A_123 : memref<128x32xf32, #tpu.memory_space<hbm>>) dst(%dma_wait3A_122 : memref<128x32xf32, #tpu.memory_space<vmem>>)
      tpu.yield
    }) : () -> ()
    "tpu.region"() ({
      %run_scoped3A = tpu.sem_alloc : memref<!tpu.dma_semaphore, #tpu.memory_space<semaphore_mem>>
      %dma_start3A_108 = arith.constant 0 : i32
      %dma_start3A_109 = tpu.memref_slice %arg7[%add3A_44, %dma_start3A_108] : memref<10240x16xf32, #tpu.memory_space<hbm>> -> memref<128x16xf32, #tpu.memory_space<hbm>>
      %dma_start3A_110 = arith.constant 0 : i32
      %dma_start3A_111 = tpu.memref_slice %arg7[%add3A_44, %dma_start3A_110] : memref<10240x16xf32, #tpu.memory_space<hbm>> -> memref<128x16xf32, #tpu.memory_space<hbm>>
      tpu.enqueue_dma source(%dma_start3A_111 : memref<128x16xf32, #tpu.memory_space<hbm>>) target(%arg13 : memref<128x16xf32, #tpu.memory_space<vmem>>) target_semaphore(%run_scoped3A : memref<!tpu.dma_semaphore, #tpu.memory_space<semaphore_mem>>)
      %dma_wait3A_112 = arith.constant 0 : i32
      %dma_wait3A_113 = tpu.memref_slice %arg7[%add3A_44, %dma_wait3A_112] : memref<10240x16xf32, #tpu.memory_space<hbm>> -> memref<128x16xf32, #tpu.memory_space<hbm>>
      %dma_wait3A_114 = arith.constant 0 : i32
      %dma_wait3A_115 = tpu.memref_slice %arg7[%add3A_44, %dma_wait3A_114] : memref<10240x16xf32, #tpu.memory_space<hbm>> -> memref<128x16xf32, #tpu.memory_space<hbm>>
      tpu.wait_dma2 semaphore(%run_scoped3A : memref<!tpu.dma_semaphore, #tpu.memory_space<semaphore_mem>>) src(%dma_wait3A_115 : memref<128x16xf32, #tpu.memory_space<hbm>>) dst(%arg13 : memref<128x16xf32, #tpu.memory_space<vmem>>)
      tpu.yield
    }) : () -> ()
    %scan3A_47 = arith.constant 0 : i32
    %scan3A_48 = arith.constant 0 : i32
    %scan3A_49 = arith.constant 128 : i32
    %scan3A_50 = arith.addi %scan3A_48, %scan3A_49 : i32
    %scan3A_51 = arith.constant 1 : i32
    %scan3A_52 = scf.for %scan3A_108 = %scan3A_48 to %scan3A_50 step %scan3A_51 iter_args(%scan3A_109 = %scan3A_47) -> (i32)  : i32 {
      %get3A = arith.index_cast %scan3A_108 : i32 to index
      %get3A_110 = arith.constant 0 : index
      %get3A_111 = tpu.vector_load %arg13[%get3A, %get3A_110] {strides = array<i32>} : memref<128x16xf32, #tpu.memory_space<vmem>>, vector<1x16xf32>,
      %get3A_112 = vector.shape_cast %get3A_111 : vector<1x16xf32> to vector<16xf32>
      %slice3A = vector.extract_strided_slice %get3A_112 {offsets = [0], sizes = [1], strides = [1]} : vector<16xf32> to vector<1xf32>
      %squeeze3A = vector.extract %slice3A[0] : f32 from vector<1xf32>
      %get3A_113 = arith.index_cast %scan3A_108 : i32 to index
      %get3A_114 = arith.constant 0 : index
      %get3A_115 = tpu.vector_load %arg11[%get3A_113, %get3A_114] {strides = array<i32>} : memref<128x32xf32, #tpu.memory_space<vmem>>, vector<1x16xf32>,
      %get3A_116 = vector.shape_cast %get3A_115 : vector<1x16xf32> to vector<16xf32>
      %mul3A_117 = vector.broadcast %squeeze3A : f32 to vector<16xf32>
      %mul3A_118 = arith.mulf %get3A_116, %mul3A_117 : vector<16xf32>
      %get3A_119 = arith.index_cast %scan3A_108 : i32 to index
      %get3A_120 = arith.constant 0 : index
      %get3A_121 = tpu.vector_load %arg12[%get3A_119, %get3A_120] {strides = array<i32>} : memref<128x32xf32, #tpu.memory_space<vmem>>, vector<1x16xf32>,
      %get3A_122 = vector.shape_cast %get3A_121 : vector<1x16xf32> to vector<16xf32>
      %add3A_123 = arith.addf %mul3A_118, %get3A_122 : vector<16xf32>
      %swap3A = arith.index_cast %scan3A_108 : i32 to index
      %swap3A_124 = arith.constant 0 : index
      %swap3A_125 = tpu.vector_load %arg12[%swap3A, %swap3A_124] {strides = array<i32>} : memref<128x32xf32, #tpu.memory_space<vmem>>, vector<1x16xf32>,
      %swap3A_126 = vector.shape_cast %swap3A_125 : vector<1x16xf32> to vector<16xf32>
      %swap3A_127 = vector.shape_cast %add3A_123 : vector<16xf32> to vector<1x16xf32>
      tpu.vector_store %arg12[%swap3A, %swap3A_124], %swap3A_127 {strides = array<i32>} : memref<128x32xf32, #tpu.memory_space<vmem>>, vector<1x16xf32>,
      %get3A_128 = arith.index_cast %scan3A_108 : i32 to index
      %get3A_129 = arith.constant 16 : index
      %get3A_130 = tpu.vector_load %arg11[%get3A_128, %get3A_129] {strides = array<i32>} : memref<128x32xf32, #tpu.memory_space<vmem>>, vector<1x16xf32>,
      %get3A_131 = vector.shape_cast %get3A_130 : vector<1x16xf32> to vector<16xf32>
      %mul3A_132 = vector.broadcast %squeeze3A : f32 to vector<16xf32>
      %mul3A_133 = arith.mulf %get3A_131, %mul3A_132 : vector<16xf32>
      %get3A_134 = arith.index_cast %scan3A_108 : i32 to index
      %get3A_135 = arith.constant 16 : index
      %get3A_136 = tpu.vector_load %arg12[%get3A_134, %get3A_135] {strides = array<i32>} : memref<128x32xf32, #tpu.memory_space<vmem>>, vector<1x16xf32>,
      %get3A_137 = vector.shape_cast %get3A_136 : vector<1x16xf32> to vector<16xf32>
      %add3A_138 = arith.addf %mul3A_133, %get3A_137 : vector<16xf32>
      %swap3A_139 = arith.index_cast %scan3A_108 : i32 to index
      %swap3A_140 = arith.constant 16 : index
      %swap3A_141 = tpu.vector_load %arg12[%swap3A_139, %swap3A_140] {strides = array<i32>} : memref<128x32xf32, #tpu.memory_space<vmem>>, vector<1x16xf32>,
      %swap3A_142 = vector.shape_cast %swap3A_141 : vector<1x16xf32> to vector<16xf32>
      %swap3A_143 = vector.shape_cast %add3A_138 : vector<16xf32> to vector<1x16xf32>
      tpu.vector_store %arg12[%swap3A_139, %swap3A_140], %swap3A_143 {strides = array<i32>} : memref<128x32xf32, #tpu.memory_space<vmem>>, vector<1x16xf32>,
      %scan3A_144 = arith.constant 0 : i32
      scf.yield %scan3A_144 : i32
    }
    %scan3A_53 = arith.constant 128 : i32
    %mul3A_54 = arith.constant 32 : i32
    %mul3A_55 = arith.muli %arg0, %mul3A_54 : i32
    "tpu.region"() ({
      %run_scoped3A = tpu.sem_alloc : memref<!tpu.dma_semaphore, #tpu.memory_space<semaphore_mem>>
      %dma_start3A_108 = arith.constant 0 : i32
      %dma_start3A_109 = arith.constant 0 : i32
      %dma_start3A_110 = tpu.memref_slice %arg12[%dma_start3A_108, %dma_start3A_109] : memref<128x32xf32, #tpu.memory_space<vmem>> -> memref<128x32xf32, #tpu.memory_space<vmem>>
      %dma_start3A_111 = tpu.memref_slice %arg8[%add3A_44, %mul3A_55] : memref<10240x64xf32, #tpu.memory_space<hbm>> -> memref<128x32xf32, #tpu.memory_space<hbm>>
      %dma_start3A_112 = tpu.memref_slice %arg8[%add3A_44, %mul3A_55] : memref<10240x64xf32, #tpu.memory_space<hbm>> -> memref<128x32xf32, #tpu.memory_space<hbm>>
      %dma_start3A_113 = arith.constant 0 : i32
      %dma_start3A_114 = arith.constant 0 : i32
      %dma_start3A_115 = tpu.memref_slice %arg12[%dma_start3A_113, %dma_start3A_114] : memref<128x32xf32, #tpu.memory_space<vmem>> -> memref<128x32xf32, #tpu.memory_space<vmem>>
      tpu.enqueue_dma source(%dma_start3A_115 : memref<128x32xf32, #tpu.memory_space<vmem>>) target(%dma_start3A_112 : memref<128x32xf32, #tpu.memory_space<hbm>>) target_semaphore(%run_scoped3A : memref<!tpu.dma_semaphore, #tpu.memory_space<semaphore_mem>>)
      %dma_wait3A_116 = arith.constant 0 : i32
      %dma_wait3A_117 = arith.constant 0 : i32
      %dma_wait3A_118 = tpu.memref_slice %arg12[%dma_wait3A_116, %dma_wait3A_117] : memref<128x32xf32, #tpu.memory_space<vmem>> -> memref<128x32xf32, #tpu.memory_space<vmem>>
      %dma_wait3A_119 = tpu.memref_slice %arg8[%add3A_44, %mul3A_55] : memref<10240x64xf32, #tpu.memory_space<hbm>> -> memref<128x32xf32, #tpu.memory_space<hbm>>
      %dma_wait3A_120 = tpu.memref_slice %arg8[%add3A_44, %mul3A_55] : memref<10240x64xf32, #tpu.memory_space<hbm>> -> memref<128x32xf32, #tpu.memory_space<hbm>>
      %dma_wait3A_121 = arith.constant 0 : i32
      %dma_wait3A_122 = arith.constant 0 : i32
      %dma_wait3A_123 = tpu.memref_slice %arg12[%dma_wait3A_121, %dma_wait3A_122] : memref<128x32xf32, #tpu.memory_space<vmem>> -> memref<128x32xf32, #tpu.memory_space<vmem>>
      tpu.wait_dma2 semaphore(%run_scoped3A : memref<!tpu.dma_semaphore, #tpu.memory_space<semaphore_mem>>) src(%dma_wait3A_123 : memref<128x32xf32, #tpu.memory_space<vmem>>) dst(%dma_wait3A_120 : memref<128x32xf32, #tpu.memory_space<hbm>>)
      tpu.yield
    }) : () -> ()
    %add3A_56 = arith.constant 128 : i32
    %add3A_57 = arith.addi %mul3A_0, %add3A_56 : i32
    "tpu.region"() ({
      %run_scoped3A = tpu.sem_alloc : memref<!tpu.dma_semaphore, #tpu.memory_space<semaphore_mem>>
      %dma_start3A_108 = arith.constant 0 : i32
      %dma_start3A_109 = arith.constant 0 : i32
      %dma_start3A_110 = tpu.memref_slice %arg11[%dma_start3A_108, %dma_start3A_109] : memref<128x32xf32, #tpu.memory_space<vmem>> -> memref<128x32xf32, #tpu.memory_space<vmem>>
      %dma_start3A_111 = arith.constant 0 : i32
      %dma_start3A_112 = tpu.memref_slice %arg14[%add3A_57, %dma_start3A_111] : memref<10240x32xf32, #tpu.memory_space<vmem_shared>> -> memref<128x32xf32, #tpu.memory_space<vmem_shared>>
      %dma_start3A_113 = arith.constant 0 : i32
      %dma_start3A_114 = arith.constant 0 : i32
      %dma_start3A_115 = tpu.memref_slice %arg11[%dma_start3A_113, %dma_start3A_114] : memref<128x32xf32, #tpu.memory_space<vmem>> -> memref<128x32xf32, #tpu.memory_space<vmem>>
      %dma_start3A_116 = arith.constant 0 : i32
      %dma_start3A_117 = tpu.memref_slice %arg14[%add3A_57, %dma_start3A_116] : memref<10240x32xf32, #tpu.memory_space<vmem_shared>> -> memref<128x32xf32, #tpu.memory_space<vmem_shared>>
      tpu.enqueue_dma source(%dma_start3A_117 : memref<128x32xf32, #tpu.memory_space<vmem_shared>>) target(%dma_start3A_115 : memref<128x32xf32, #tpu.memory_space<vmem>>) target_semaphore(%run_scoped3A : memref<!tpu.dma_semaphore, #tpu.memory_space<semaphore_mem>>)
      %dma_wait3A_118 = arith.constant 0 : i32
      %dma_wait3A_119 = arith.constant 0 : i32
      %dma_wait3A_120 = tpu.memref_slice %arg11[%dma_wait3A_118, %dma_wait3A_119] : memref<128x32xf32, #tpu.memory_space<vmem>> -> memref<128x32xf32, #tpu.memory_space<vmem>>
      %dma_wait3A_121 = arith.constant 0 : i32
      %dma_wait3A_122 = tpu.memref_slice %arg14[%add3A_57, %dma_wait3A_121] : memref<10240x32xf32, #tpu.memory_space<vmem_shared>> -> memref<128x32xf32, #tpu.memory_space<vmem_shared>>
      %dma_wait3A_123 = arith.constant 0 : i32
      %dma_wait3A_124 = arith.constant 0 : i32
      %dma_wait3A_125 = tpu.memref_slice %arg11[%dma_wait3A_123, %dma_wait3A_124] : memref<128x32xf32, #tpu.memory_space<vmem>> -> memref<128x32xf32, #tpu.memory_space<vmem>>
      %dma_wait3A_126 = arith.constant 0 : i32
      %dma_wait3A_127 = tpu.memref_slice %arg14[%add3A_57, %dma_wait3A_126] : memref<10240x32xf32, #tpu.memory_space<vmem_shared>> -> memref<128x32xf32, #tpu.memory_space<vmem_shared>>
      tpu.wait_dma2 semaphore(%run_scoped3A : memref<!tpu.dma_semaphore, #tpu.memory_space<semaphore_mem>>) src(%dma_wait3A_127 : memref<128x32xf32, #tpu.memory_space<vmem_shared>>) dst(%dma_wait3A_125 : memref<128x32xf32, #tpu.memory_space<vmem>>)
      tpu.yield
    }) : () -> ()
    %mul3A_58 = arith.constant 32 : i32
    %mul3A_59 = arith.muli %arg0, %mul3A_58 : i32
    "tpu.region"() ({
      %run_scoped3A = tpu.sem_alloc : memref<!tpu.dma_semaphore, #tpu.memory_space<semaphore_mem>>
      %dma_start3A_108 = arith.constant 0 : i32
      %dma_start3A_109 = arith.constant 0 : i32
      %dma_start3A_110 = tpu.memref_slice %arg12[%dma_start3A_108, %dma_start3A_109] : memref<128x32xf32, #tpu.memory_space<vmem>> -> memref<128x32xf32, #tpu.memory_space<vmem>>
      %dma_start3A_111 = tpu.memref_slice %arg6[%add3A_57, %mul3A_59] : memref<10240x64xf32, #tpu.memory_space<hbm>> -> memref<128x32xf32, #tpu.memory_space<hbm>>
      %dma_start3A_112 = arith.constant 0 : i32
      %dma_start3A_113 = arith.constant 0 : i32
      %dma_start3A_114 = tpu.memref_slice %arg12[%dma_start3A_112, %dma_start3A_113] : memref<128x32xf32, #tpu.memory_space<vmem>> -> memref<128x32xf32, #tpu.memory_space<vmem>>
      %dma_start3A_115 = tpu.memref_slice %arg6[%add3A_57, %mul3A_59] : memref<10240x64xf32, #tpu.memory_space<hbm>> -> memref<128x32xf32, #tpu.memory_space<hbm>>
      tpu.enqueue_dma source(%dma_start3A_115 : memref<128x32xf32, #tpu.memory_space<hbm>>) target(%dma_start3A_114 : memref<128x32xf32, #tpu.memory_space<vmem>>) target_semaphore(%run_scoped3A : memref<!tpu.dma_semaphore, #tpu.memory_space<semaphore_mem>>)
      %dma_wait3A_116 = arith.constant 0 : i32
      %dma_wait3A_117 = arith.constant 0 : i32
      %dma_wait3A_118 = tpu.memref_slice %arg12[%dma_wait3A_116, %dma_wait3A_117] : memref<128x32xf32, #tpu.memory_space<vmem>> -> memref<128x32xf32, #tpu.memory_space<vmem>>
      %dma_wait3A_119 = tpu.memref_slice %arg6[%add3A_57, %mul3A_59] : memref<10240x64xf32, #tpu.memory_space<hbm>> -> memref<128x32xf32, #tpu.memory_space<hbm>>
      %dma_wait3A_120 = arith.constant 0 : i32
      %dma_wait3A_121 = arith.constant 0 : i32
      %dma_wait3A_122 = tpu.memref_slice %arg12[%dma_wait3A_120, %dma_wait3A_121] : memref<128x32xf32, #tpu.memory_space<vmem>> -> memref<128x32xf32, #tpu.memory_space<vmem>>
      %dma_wait3A_123 = tpu.memref_slice %arg6[%add3A_57, %mul3A_59] : memref<10240x64xf32, #tpu.memory_space<hbm>> -> memref<128x32xf32, #tpu.memory_space<hbm>>
      tpu.wait_dma2 semaphore(%run_scoped3A : memref<!tpu.dma_semaphore, #tpu.memory_space<semaphore_mem>>) src(%dma_wait3A_123 : memref<128x32xf32, #tpu.memory_space<hbm>>) dst(%dma_wait3A_122 : memref<128x32xf32, #tpu.memory_space<vmem>>)
      tpu.yield
    }) : () -> ()
    "tpu.region"() ({
      %run_scoped3A = tpu.sem_alloc : memref<!tpu.dma_semaphore, #tpu.memory_space<semaphore_mem>>
      %dma_start3A_108 = arith.constant 0 : i32
      %dma_start3A_109 = tpu.memref_slice %arg7[%add3A_57, %dma_start3A_108] : memref<10240x16xf32, #tpu.memory_space<hbm>> -> memref<128x16xf32, #tpu.memory_space<hbm>>
      %dma_start3A_110 = arith.constant 0 : i32
      %dma_start3A_111 = tpu.memref_slice %arg7[%add3A_57, %dma_start3A_110] : memref<10240x16xf32, #tpu.memory_space<hbm>> -> memref<128x16xf32, #tpu.memory_space<hbm>>
      tpu.enqueue_dma source(%dma_start3A_111 : memref<128x16xf32, #tpu.memory_space<hbm>>) target(%arg13 : memref<128x16xf32, #tpu.memory_space<vmem>>) target_semaphore(%run_scoped3A : memref<!tpu.dma_semaphore, #tpu.memory_space<semaphore_mem>>)
      %dma_wait3A_112 = arith.constant 0 : i32
      %dma_wait3A_113 = tpu.memref_slice %arg7[%add3A_57, %dma_wait3A_112] : memref<10240x16xf32, #tpu.memory_space<hbm>> -> memref<128x16xf32, #tpu.memory_space<hbm>>
      %dma_wait3A_114 = arith.constant 0 : i32
      %dma_wait3A_115 = tpu.memref_slice %arg7[%add3A_57, %dma_wait3A_114] : memref<10240x16xf32, #tpu.memory_space<hbm>> -> memref<128x16xf32, #tpu.memory_space<hbm>>
      tpu.wait_dma2 semaphore(%run_scoped3A : memref<!tpu.dma_semaphore, #tpu.memory_space<semaphore_mem>>) src(%dma_wait3A_115 : memref<128x16xf32, #tpu.memory_space<hbm>>) dst(%arg13 : memref<128x16xf32, #tpu.memory_space<vmem>>)
      tpu.yield
    }) : () -> ()
    %scan3A_60 = arith.constant 0 : i32
    %scan3A_61 = arith.constant 0 : i32
    %scan3A_62 = arith.constant 128 : i32
    %scan3A_63 = arith.addi %scan3A_61, %scan3A_62 : i32
    %scan3A_64 = arith.constant 1 : i32
    %scan3A_65 = scf.for %scan3A_108 = %scan3A_61 to %scan3A_63 step %scan3A_64 iter_args(%scan3A_109 = %scan3A_60) -> (i32)  : i32 {
      %get3A = arith.index_cast %scan3A_108 : i32 to index
      %get3A_110 = arith.constant 0 : index
      %get3A_111 = tpu.vector_load %arg13[%get3A, %get3A_110] {strides = array<i32>} : memref<128x16xf32, #tpu.memory_space<vmem>>, vector<1x16xf32>,
      %get3A_112 = vector.shape_cast %get3A_111 : vector<1x16xf32> to vector<16xf32>
      %slice3A = vector.extract_strided_slice %get3A_112 {offsets = [0], sizes = [1], strides = [1]} : vector<16xf32> to vector<1xf32>
      %squeeze3A = vector.extract %slice3A[0] : f32 from vector<1xf32>
      %get3A_113 = arith.index_cast %scan3A_108 : i32 to index
      %get3A_114 = arith.constant 0 : index
      %get3A_115 = tpu.vector_load %arg11[%get3A_113, %get3A_114] {strides = array<i32>} : memref<128x32xf32, #tpu.memory_space<vmem>>, vector<1x16xf32>,
      %get3A_116 = vector.shape_cast %get3A_115 : vector<1x16xf32> to vector<16xf32>
      %mul3A_117 = vector.broadcast %squeeze3A : f32 to vector<16xf32>
      %mul3A_118 = arith.mulf %get3A_116, %mul3A_117 : vector<16xf32>
      %get3A_119 = arith.index_cast %scan3A_108 : i32 to index
      %get3A_120 = arith.constant 0 : index
      %get3A_121 = tpu.vector_load %arg12[%get3A_119, %get3A_120] {strides = array<i32>} : memref<128x32xf32, #tpu.memory_space<vmem>>, vector<1x16xf32>,
      %get3A_122 = vector.shape_cast %get3A_121 : vector<1x16xf32> to vector<16xf32>
      %add3A_123 = arith.addf %mul3A_118, %get3A_122 : vector<16xf32>
      %swap3A = arith.index_cast %scan3A_108 : i32 to index
      %swap3A_124 = arith.constant 0 : index
      %swap3A_125 = tpu.vector_load %arg12[%swap3A, %swap3A_124] {strides = array<i32>} : memref<128x32xf32, #tpu.memory_space<vmem>>, vector<1x16xf32>,
      %swap3A_126 = vector.shape_cast %swap3A_125 : vector<1x16xf32> to vector<16xf32>
      %swap3A_127 = vector.shape_cast %add3A_123 : vector<16xf32> to vector<1x16xf32>
      tpu.vector_store %arg12[%swap3A, %swap3A_124], %swap3A_127 {strides = array<i32>} : memref<128x32xf32, #tpu.memory_space<vmem>>, vector<1x16xf32>,
      %get3A_128 = arith.index_cast %scan3A_108 : i32 to index
      %get3A_129 = arith.constant 16 : index
      %get3A_130 = tpu.vector_load %arg11[%get3A_128, %get3A_129] {strides = array<i32>} : memref<128x32xf32, #tpu.memory_space<vmem>>, vector<1x16xf32>,
      %get3A_131 = vector.shape_cast %get3A_130 : vector<1x16xf32> to vector<16xf32>
      %mul3A_132 = vector.broadcast %squeeze3A : f32 to vector<16xf32>
      %mul3A_133 = arith.mulf %get3A_131, %mul3A_132 : vector<16xf32>
      %get3A_134 = arith.index_cast %scan3A_108 : i32 to index
      %get3A_135 = arith.constant 16 : index
      %get3A_136 = tpu.vector_load %arg12[%get3A_134, %get3A_135] {strides = array<i32>} : memref<128x32xf32, #tpu.memory_space<vmem>>, vector<1x16xf32>,
      %get3A_137 = vector.shape_cast %get3A_136 : vector<1x16xf32> to vector<16xf32>
      %add3A_138 = arith.addf %mul3A_133, %get3A_137 : vector<16xf32>
      %swap3A_139 = arith.index_cast %scan3A_108 : i32 to index
      %swap3A_140 = arith.constant 16 : index
      %swap3A_141 = tpu.vector_load %arg12[%swap3A_139, %swap3A_140] {strides = array<i32>} : memref<128x32xf32, #tpu.memory_space<vmem>>, vector<1x16xf32>,
      %swap3A_142 = vector.shape_cast %swap3A_141 : vector<1x16xf32> to vector<16xf32>
      %swap3A_143 = vector.shape_cast %add3A_138 : vector<16xf32> to vector<1x16xf32>
      tpu.vector_store %arg12[%swap3A_139, %swap3A_140], %swap3A_143 {strides = array<i32>} : memref<128x32xf32, #tpu.memory_space<vmem>>, vector<1x16xf32>,
      %scan3A_144 = arith.constant 0 : i32
      scf.yield %scan3A_144 : i32
    }
    %scan3A_66 = arith.constant 128 : i32
    %mul3A_67 = arith.constant 32 : i32
    %mul3A_68 = arith.muli %arg0, %mul3A_67 : i32
    "tpu.region"() ({
      %run_scoped3A = tpu.sem_alloc : memref<!tpu.dma_semaphore, #tpu.memory_space<semaphore_mem>>
      %dma_start3A_108 = arith.constant 0 : i32
      %dma_start3A_109 = arith.constant 0 : i32
      %dma_start3A_110 = tpu.memref_slice %arg12[%dma_start3A_108, %dma_start3A_109] : memref<128x32xf32, #tpu.memory_space<vmem>> -> memref<128x32xf32, #tpu.memory_space<vmem>>
      %dma_start3A_111 = tpu.memref_slice %arg8[%add3A_57, %mul3A_68] : memref<10240x64xf32, #tpu.memory_space<hbm>> -> memref<128x32xf32, #tpu.memory_space<hbm>>
      %dma_start3A_112 = tpu.memref_slice %arg8[%add3A_57, %mul3A_68] : memref<10240x64xf32, #tpu.memory_space<hbm>> -> memref<128x32xf32, #tpu.memory_space<hbm>>
      %dma_start3A_113 = arith.constant 0 : i32
      %dma_start3A_114 = arith.constant 0 : i32
      %dma_start3A_115 = tpu.memref_slice %arg12[%dma_start3A_113, %dma_start3A_114] : memref<128x32xf32, #tpu.memory_space<vmem>> -> memref<128x32xf32, #tpu.memory_space<vmem>>
      tpu.enqueue_dma source(%dma_start3A_115 : memref<128x32xf32, #tpu.memory_space<vmem>>) target(%dma_start3A_112 : memref<128x32xf32, #tpu.memory_space<hbm>>) target_semaphore(%run_scoped3A : memref<!tpu.dma_semaphore, #tpu.memory_space<semaphore_mem>>)
      %dma_wait3A_116 = arith.constant 0 : i32
      %dma_wait3A_117 = arith.constant 0 : i32
      %dma_wait3A_118 = tpu.memref_slice %arg12[%dma_wait3A_116, %dma_wait3A_117] : memref<128x32xf32, #tpu.memory_space<vmem>> -> memref<128x32xf32, #tpu.memory_space<vmem>>
      %dma_wait3A_119 = tpu.memref_slice %arg8[%add3A_57, %mul3A_68] : memref<10240x64xf32, #tpu.memory_space<hbm>> -> memref<128x32xf32, #tpu.memory_space<hbm>>
      %dma_wait3A_120 = tpu.memref_slice %arg8[%add3A_57, %mul3A_68] : memref<10240x64xf32, #tpu.memory_space<hbm>> -> memref<128x32xf32, #tpu.memory_space<hbm>>
      %dma_wait3A_121 = arith.constant 0 : i32
      %dma_wait3A_122 = arith.constant 0 : i32
      %dma_wait3A_123 = tpu.memref_slice %arg12[%dma_wait3A_121, %dma_wait3A_122] : memref<128x32xf32, #tpu.memory_space<vmem>> -> memref<128x32xf32, #tpu.memory_space<vmem>>
      tpu.wait_dma2 semaphore(%run_scoped3A : memref<!tpu.dma_semaphore, #tpu.memory_space<semaphore_mem>>) src(%dma_wait3A_123 : memref<128x32xf32, #tpu.memory_space<vmem>>) dst(%dma_wait3A_120 : memref<128x32xf32, #tpu.memory_space<hbm>>)
      tpu.yield
    }) : () -> ()
    %add3A_69 = arith.constant 256 : i32
    %add3A_70 = arith.addi %mul3A_0, %add3A_69 : i32
    "tpu.region"() ({
      %run_scoped3A = tpu.sem_alloc : memref<!tpu.dma_semaphore, #tpu.memory_space<semaphore_mem>>
      %dma_start3A_108 = arith.constant 0 : i32
      %dma_start3A_109 = arith.constant 0 : i32
      %dma_start3A_110 = tpu.memref_slice %arg11[%dma_start3A_108, %dma_start3A_109] : memref<128x32xf32, #tpu.memory_space<vmem>> -> memref<128x32xf32, #tpu.memory_space<vmem>>
      %dma_start3A_111 = arith.constant 0 : i32
      %dma_start3A_112 = tpu.memref_slice %arg14[%add3A_70, %dma_start3A_111] : memref<10240x32xf32, #tpu.memory_space<vmem_shared>> -> memref<128x32xf32, #tpu.memory_space<vmem_shared>>
      %dma_start3A_113 = arith.constant 0 : i32
      %dma_start3A_114 = arith.constant 0 : i32
      %dma_start3A_115 = tpu.memref_slice %arg11[%dma_start3A_113, %dma_start3A_114] : memref<128x32xf32, #tpu.memory_space<vmem>> -> memref<128x32xf32, #tpu.memory_space<vmem>>
      %dma_start3A_116 = arith.constant 0 : i32
      %dma_start3A_117 = tpu.memref_slice %arg14[%add3A_70, %dma_start3A_116] : memref<10240x32xf32, #tpu.memory_space<vmem_shared>> -> memref<128x32xf32, #tpu.memory_space<vmem_shared>>
      tpu.enqueue_dma source(%dma_start3A_117 : memref<128x32xf32, #tpu.memory_space<vmem_shared>>) target(%dma_start3A_115 : memref<128x32xf32, #tpu.memory_space<vmem>>) target_semaphore(%run_scoped3A : memref<!tpu.dma_semaphore, #tpu.memory_space<semaphore_mem>>)
      %dma_wait3A_118 = arith.constant 0 : i32
      %dma_wait3A_119 = arith.constant 0 : i32
      %dma_wait3A_120 = tpu.memref_slice %arg11[%dma_wait3A_118, %dma_wait3A_119] : memref<128x32xf32, #tpu.memory_space<vmem>> -> memref<128x32xf32, #tpu.memory_space<vmem>>
      %dma_wait3A_121 = arith.constant 0 : i32
      %dma_wait3A_122 = tpu.memref_slice %arg14[%add3A_70, %dma_wait3A_121] : memref<10240x32xf32, #tpu.memory_space<vmem_shared>> -> memref<128x32xf32, #tpu.memory_space<vmem_shared>>
      %dma_wait3A_123 = arith.constant 0 : i32
      %dma_wait3A_124 = arith.constant 0 : i32
      %dma_wait3A_125 = tpu.memref_slice %arg11[%dma_wait3A_123, %dma_wait3A_124] : memref<128x32xf32, #tpu.memory_space<vmem>> -> memref<128x32xf32, #tpu.memory_space<vmem>>
      %dma_wait3A_126 = arith.constant 0 : i32
      %dma_wait3A_127 = tpu.memref_slice %arg14[%add3A_70, %dma_wait3A_126] : memref<10240x32xf32, #tpu.memory_space<vmem_shared>> -> memref<128x32xf32, #tpu.memory_space<vmem_shared>>
      tpu.wait_dma2 semaphore(%run_scoped3A : memref<!tpu.dma_semaphore, #tpu.memory_space<semaphore_mem>>) src(%dma_wait3A_127 : memref<128x32xf32, #tpu.memory_space<vmem_shared>>) dst(%dma_wait3A_125 : memref<128x32xf32, #tpu.memory_space<vmem>>)
      tpu.yield
    }) : () -> ()
    %mul3A_71 = arith.constant 32 : i32
    %mul3A_72 = arith.muli %arg0, %mul3A_71 : i32
    "tpu.region"() ({
      %run_scoped3A = tpu.sem_alloc : memref<!tpu.dma_semaphore, #tpu.memory_space<semaphore_mem>>
      %dma_start3A_108 = arith.constant 0 : i32
      %dma_start3A_109 = arith.constant 0 : i32
      %dma_start3A_110 = tpu.memref_slice %arg12[%dma_start3A_108, %dma_start3A_109] : memref<128x32xf32, #tpu.memory_space<vmem>> -> memref<128x32xf32, #tpu.memory_space<vmem>>
      %dma_start3A_111 = tpu.memref_slice %arg6[%add3A_70, %mul3A_72] : memref<10240x64xf32, #tpu.memory_space<hbm>> -> memref<128x32xf32, #tpu.memory_space<hbm>>
      %dma_start3A_112 = arith.constant 0 : i32
      %dma_start3A_113 = arith.constant 0 : i32
      %dma_start3A_114 = tpu.memref_slice %arg12[%dma_start3A_112, %dma_start3A_113] : memref<128x32xf32, #tpu.memory_space<vmem>> -> memref<128x32xf32, #tpu.memory_space<vmem>>
      %dma_start3A_115 = tpu.memref_slice %arg6[%add3A_70, %mul3A_72] : memref<10240x64xf32, #tpu.memory_space<hbm>> -> memref<128x32xf32, #tpu.memory_space<hbm>>
      tpu.enqueue_dma source(%dma_start3A_115 : memref<128x32xf32, #tpu.memory_space<hbm>>) target(%dma_start3A_114 : memref<128x32xf32, #tpu.memory_space<vmem>>) target_semaphore(%run_scoped3A : memref<!tpu.dma_semaphore, #tpu.memory_space<semaphore_mem>>)
      %dma_wait3A_116 = arith.constant 0 : i32
      %dma_wait3A_117 = arith.constant 0 : i32
      %dma_wait3A_118 = tpu.memref_slice %arg12[%dma_wait3A_116, %dma_wait3A_117] : memref<128x32xf32, #tpu.memory_space<vmem>> -> memref<128x32xf32, #tpu.memory_space<vmem>>
      %dma_wait3A_119 = tpu.memref_slice %arg6[%add3A_70, %mul3A_72] : memref<10240x64xf32, #tpu.memory_space<hbm>> -> memref<128x32xf32, #tpu.memory_space<hbm>>
      %dma_wait3A_120 = arith.constant 0 : i32
      %dma_wait3A_121 = arith.constant 0 : i32
      %dma_wait3A_122 = tpu.memref_slice %arg12[%dma_wait3A_120, %dma_wait3A_121] : memref<128x32xf32, #tpu.memory_space<vmem>> -> memref<128x32xf32, #tpu.memory_space<vmem>>
      %dma_wait3A_123 = tpu.memref_slice %arg6[%add3A_70, %mul3A_72] : memref<10240x64xf32, #tpu.memory_space<hbm>> -> memref<128x32xf32, #tpu.memory_space<hbm>>
      tpu.wait_dma2 semaphore(%run_scoped3A : memref<!tpu.dma_semaphore, #tpu.memory_space<semaphore_mem>>) src(%dma_wait3A_123 : memref<128x32xf32, #tpu.memory_space<hbm>>) dst(%dma_wait3A_122 : memref<128x32xf32, #tpu.memory_space<vmem>>)
      tpu.yield
    }) : () -> ()
    "tpu.region"() ({
      %run_scoped3A = tpu.sem_alloc : memref<!tpu.dma_semaphore, #tpu.memory_space<semaphore_mem>>
      %dma_start3A_108 = arith.constant 0 : i32
      %dma_start3A_109 = tpu.memref_slice %arg7[%add3A_70, %dma_start3A_108] : memref<10240x16xf32, #tpu.memory_space<hbm>> -> memref<128x16xf32, #tpu.memory_space<hbm>>
      %dma_start3A_110 = arith.constant 0 : i32
      %dma_start3A_111 = tpu.memref_slice %arg7[%add3A_70, %dma_start3A_110] : memref<10240x16xf32, #tpu.memory_space<hbm>> -> memref<128x16xf32, #tpu.memory_space<hbm>>
      tpu.enqueue_dma source(%dma_start3A_111 : memref<128x16xf32, #tpu.memory_space<hbm>>) target(%arg13 : memref<128x16xf32, #tpu.memory_space<vmem>>) target_semaphore(%run_scoped3A : memref<!tpu.dma_semaphore, #tpu.memory_space<semaphore_mem>>)
      %dma_wait3A_112 = arith.constant 0 : i32
      %dma_wait3A_113 = tpu.memref_slice %arg7[%add3A_70, %dma_wait3A_112] : memref<10240x16xf32, #tpu.memory_space<hbm>> -> memref<128x16xf32, #tpu.memory_space<hbm>>
      %dma_wait3A_114 = arith.constant 0 : i32
      %dma_wait3A_115 = tpu.memref_slice %arg7[%add3A_70, %dma_wait3A_114] : memref<10240x16xf32, #tpu.memory_space<hbm>> -> memref<128x16xf32, #tpu.memory_space<hbm>>
      tpu.wait_dma2 semaphore(%run_scoped3A : memref<!tpu.dma_semaphore, #tpu.memory_space<semaphore_mem>>) src(%dma_wait3A_115 : memref<128x16xf32, #tpu.memory_space<hbm>>) dst(%arg13 : memref<128x16xf32, #tpu.memory_space<vmem>>)
      tpu.yield
    }) : () -> ()
    %scan3A_73 = arith.constant 0 : i32
    %scan3A_74 = arith.constant 0 : i32
    %scan3A_75 = arith.constant 128 : i32
    %scan3A_76 = arith.addi %scan3A_74, %scan3A_75 : i32
    %scan3A_77 = arith.constant 1 : i32
    %scan3A_78 = scf.for %scan3A_108 = %scan3A_74 to %scan3A_76 step %scan3A_77 iter_args(%scan3A_109 = %scan3A_73) -> (i32)  : i32 {
      %get3A = arith.index_cast %scan3A_108 : i32 to index
      %get3A_110 = arith.constant 0 : index
      %get3A_111 = tpu.vector_load %arg13[%get3A, %get3A_110] {strides = array<i32>} : memref<128x16xf32, #tpu.memory_space<vmem>>, vector<1x16xf32>,
      %get3A_112 = vector.shape_cast %get3A_111 : vector<1x16xf32> to vector<16xf32>
      %slice3A = vector.extract_strided_slice %get3A_112 {offsets = [0], sizes = [1], strides = [1]} : vector<16xf32> to vector<1xf32>
      %squeeze3A = vector.extract %slice3A[0] : f32 from vector<1xf32>
      %get3A_113 = arith.index_cast %scan3A_108 : i32 to index
      %get3A_114 = arith.constant 0 : index
      %get3A_115 = tpu.vector_load %arg11[%get3A_113, %get3A_114] {strides = array<i32>} : memref<128x32xf32, #tpu.memory_space<vmem>>, vector<1x16xf32>,
      %get3A_116 = vector.shape_cast %get3A_115 : vector<1x16xf32> to vector<16xf32>
      %mul3A_117 = vector.broadcast %squeeze3A : f32 to vector<16xf32>
      %mul3A_118 = arith.mulf %get3A_116, %mul3A_117 : vector<16xf32>
      %get3A_119 = arith.index_cast %scan3A_108 : i32 to index
      %get3A_120 = arith.constant 0 : index
      %get3A_121 = tpu.vector_load %arg12[%get3A_119, %get3A_120] {strides = array<i32>} : memref<128x32xf32, #tpu.memory_space<vmem>>, vector<1x16xf32>,
      %get3A_122 = vector.shape_cast %get3A_121 : vector<1x16xf32> to vector<16xf32>
      %add3A_123 = arith.addf %mul3A_118, %get3A_122 : vector<16xf32>
      %swap3A = arith.index_cast %scan3A_108 : i32 to index
      %swap3A_124 = arith.constant 0 : index
      %swap3A_125 = tpu.vector_load %arg12[%swap3A, %swap3A_124] {strides = array<i32>} : memref<128x32xf32, #tpu.memory_space<vmem>>, vector<1x16xf32>,
      %swap3A_126 = vector.shape_cast %swap3A_125 : vector<1x16xf32> to vector<16xf32>
      %swap3A_127 = vector.shape_cast %add3A_123 : vector<16xf32> to vector<1x16xf32>
      tpu.vector_store %arg12[%swap3A, %swap3A_124], %swap3A_127 {strides = array<i32>} : memref<128x32xf32, #tpu.memory_space<vmem>>, vector<1x16xf32>,
      %get3A_128 = arith.index_cast %scan3A_108 : i32 to index
      %get3A_129 = arith.constant 16 : index
      %get3A_130 = tpu.vector_load %arg11[%get3A_128, %get3A_129] {strides = array<i32>} : memref<128x32xf32, #tpu.memory_space<vmem>>, vector<1x16xf32>,
      %get3A_131 = vector.shape_cast %get3A_130 : vector<1x16xf32> to vector<16xf32>
      %mul3A_132 = vector.broadcast %squeeze3A : f32 to vector<16xf32>
      %mul3A_133 = arith.mulf %get3A_131, %mul3A_132 : vector<16xf32>
      %get3A_134 = arith.index_cast %scan3A_108 : i32 to index
      %get3A_135 = arith.constant 16 : index
      %get3A_136 = tpu.vector_load %arg12[%get3A_134, %get3A_135] {strides = array<i32>} : memref<128x32xf32, #tpu.memory_space<vmem>>, vector<1x16xf32>,
      %get3A_137 = vector.shape_cast %get3A_136 : vector<1x16xf32> to vector<16xf32>
      %add3A_138 = arith.addf %mul3A_133, %get3A_137 : vector<16xf32>
      %swap3A_139 = arith.index_cast %scan3A_108 : i32 to index
      %swap3A_140 = arith.constant 16 : index
      %swap3A_141 = tpu.vector_load %arg12[%swap3A_139, %swap3A_140] {strides = array<i32>} : memref<128x32xf32, #tpu.memory_space<vmem>>, vector<1x16xf32>,
      %swap3A_142 = vector.shape_cast %swap3A_141 : vector<1x16xf32> to vector<16xf32>
      %swap3A_143 = vector.shape_cast %add3A_138 : vector<16xf32> to vector<1x16xf32>
      tpu.vector_store %arg12[%swap3A_139, %swap3A_140], %swap3A_143 {strides = array<i32>} : memref<128x32xf32, #tpu.memory_space<vmem>>, vector<1x16xf32>,
      %scan3A_144 = arith.constant 0 : i32
      scf.yield %scan3A_144 : i32
    }
    %scan3A_79 = arith.constant 128 : i32
    %mul3A_80 = arith.constant 32 : i32
    %mul3A_81 = arith.muli %arg0, %mul3A_80 : i32
    "tpu.region"() ({
      %run_scoped3A = tpu.sem_alloc : memref<!tpu.dma_semaphore, #tpu.memory_space<semaphore_mem>>
      %dma_start3A_108 = arith.constant 0 : i32
      %dma_start3A_109 = arith.constant 0 : i32
      %dma_start3A_110 = tpu.memref_slice %arg12[%dma_start3A_108, %dma_start3A_109] : memref<128x32xf32, #tpu.memory_space<vmem>> -> memref<128x32xf32, #tpu.memory_space<vmem>>
      %dma_start3A_111 = tpu.memref_slice %arg8[%add3A_70, %mul3A_81] : memref<10240x64xf32, #tpu.memory_space<hbm>> -> memref<128x32xf32, #tpu.memory_space<hbm>>
      %dma_start3A_112 = tpu.memref_slice %arg8[%add3A_70, %mul3A_81] : memref<10240x64xf32, #tpu.memory_space<hbm>> -> memref<128x32xf32, #tpu.memory_space<hbm>>
      %dma_start3A_113 = arith.constant 0 : i32
      %dma_start3A_114 = arith.constant 0 : i32
      %dma_start3A_115 = tpu.memref_slice %arg12[%dma_start3A_113, %dma_start3A_114] : memref<128x32xf32, #tpu.memory_space<vmem>> -> memref<128x32xf32, #tpu.memory_space<vmem>>
      tpu.enqueue_dma source(%dma_start3A_115 : memref<128x32xf32, #tpu.memory_space<vmem>>) target(%dma_start3A_112 : memref<128x32xf32, #tpu.memory_space<hbm>>) target_semaphore(%run_scoped3A : memref<!tpu.dma_semaphore, #tpu.memory_space<semaphore_mem>>)
      %dma_wait3A_116 = arith.constant 0 : i32
      %dma_wait3A_117 = arith.constant 0 : i32
      %dma_wait3A_118 = tpu.memref_slice %arg12[%dma_wait3A_116, %dma_wait3A_117] : memref<128x32xf32, #tpu.memory_space<vmem>> -> memref<128x32xf32, #tpu.memory_space<vmem>>
      %dma_wait3A_119 = tpu.memref_slice %arg8[%add3A_70, %mul3A_81] : memref<10240x64xf32, #tpu.memory_space<hbm>> -> memref<128x32xf32, #tpu.memory_space<hbm>>
      %dma_wait3A_120 = tpu.memref_slice %arg8[%add3A_70, %mul3A_81] : memref<10240x64xf32, #tpu.memory_space<hbm>> -> memref<128x32xf32, #tpu.memory_space<hbm>>
      %dma_wait3A_121 = arith.constant 0 : i32
      %dma_wait3A_122 = arith.constant 0 : i32
      %dma_wait3A_123 = tpu.memref_slice %arg12[%dma_wait3A_121, %dma_wait3A_122] : memref<128x32xf32, #tpu.memory_space<vmem>> -> memref<128x32xf32, #tpu.memory_space<vmem>>
      tpu.wait_dma2 semaphore(%run_scoped3A : memref<!tpu.dma_semaphore, #tpu.memory_space<semaphore_mem>>) src(%dma_wait3A_123 : memref<128x32xf32, #tpu.memory_space<vmem>>) dst(%dma_wait3A_120 : memref<128x32xf32, #tpu.memory_space<hbm>>)
      tpu.yield
    }) : () -> ()
    %add3A_82 = arith.constant 384 : i32
    %add3A_83 = arith.addi %mul3A_0, %add3A_82 : i32
    "tpu.region"() ({
      %run_scoped3A = tpu.sem_alloc : memref<!tpu.dma_semaphore, #tpu.memory_space<semaphore_mem>>
      %dma_start3A_108 = arith.constant 0 : i32
      %dma_start3A_109 = arith.constant 0 : i32
      %dma_start3A_110 = tpu.memref_slice %arg11[%dma_start3A_108, %dma_start3A_109] : memref<128x32xf32, #tpu.memory_space<vmem>> -> memref<128x32xf32, #tpu.memory_space<vmem>>
      %dma_start3A_111 = arith.constant 0 : i32
      %dma_start3A_112 = tpu.memref_slice %arg14[%add3A_83, %dma_start3A_111] : memref<10240x32xf32, #tpu.memory_space<vmem_shared>> -> memref<128x32xf32, #tpu.memory_space<vmem_shared>>
      %dma_start3A_113 = arith.constant 0 : i32
      %dma_start3A_114 = arith.constant 0 : i32
      %dma_start3A_115 = tpu.memref_slice %arg11[%dma_start3A_113, %dma_start3A_114] : memref<128x32xf32, #tpu.memory_space<vmem>> -> memref<128x32xf32, #tpu.memory_space<vmem>>
      %dma_start3A_116 = arith.constant 0 : i32
      %dma_start3A_117 = tpu.memref_slice %arg14[%add3A_83, %dma_start3A_116] : memref<10240x32xf32, #tpu.memory_space<vmem_shared>> -> memref<128x32xf32, #tpu.memory_space<vmem_shared>>
      tpu.enqueue_dma source(%dma_start3A_117 : memref<128x32xf32, #tpu.memory_space<vmem_shared>>) target(%dma_start3A_115 : memref<128x32xf32, #tpu.memory_space<vmem>>) target_semaphore(%run_scoped3A : memref<!tpu.dma_semaphore, #tpu.memory_space<semaphore_mem>>)
      %dma_wait3A_118 = arith.constant 0 : i32
      %dma_wait3A_119 = arith.constant 0 : i32
      %dma_wait3A_120 = tpu.memref_slice %arg11[%dma_wait3A_118, %dma_wait3A_119] : memref<128x32xf32, #tpu.memory_space<vmem>> -> memref<128x32xf32, #tpu.memory_space<vmem>>
      %dma_wait3A_121 = arith.constant 0 : i32
      %dma_wait3A_122 = tpu.memref_slice %arg14[%add3A_83, %dma_wait3A_121] : memref<10240x32xf32, #tpu.memory_space<vmem_shared>> -> memref<128x32xf32, #tpu.memory_space<vmem_shared>>
      %dma_wait3A_123 = arith.constant 0 : i32
      %dma_wait3A_124 = arith.constant 0 : i32
      %dma_wait3A_125 = tpu.memref_slice %arg11[%dma_wait3A_123, %dma_wait3A_124] : memref<128x32xf32, #tpu.memory_space<vmem>> -> memref<128x32xf32, #tpu.memory_space<vmem>>
      %dma_wait3A_126 = arith.constant 0 : i32
      %dma_wait3A_127 = tpu.memref_slice %arg14[%add3A_83, %dma_wait3A_126] : memref<10240x32xf32, #tpu.memory_space<vmem_shared>> -> memref<128x32xf32, #tpu.memory_space<vmem_shared>>
      tpu.wait_dma2 semaphore(%run_scoped3A : memref<!tpu.dma_semaphore, #tpu.memory_space<semaphore_mem>>) src(%dma_wait3A_127 : memref<128x32xf32, #tpu.memory_space<vmem_shared>>) dst(%dma_wait3A_125 : memref<128x32xf32, #tpu.memory_space<vmem>>)
      tpu.yield
    }) : () -> ()
    %mul3A_84 = arith.constant 32 : i32
    %mul3A_85 = arith.muli %arg0, %mul3A_84 : i32
    "tpu.region"() ({
      %run_scoped3A = tpu.sem_alloc : memref<!tpu.dma_semaphore, #tpu.memory_space<semaphore_mem>>
      %dma_start3A_108 = arith.constant 0 : i32
      %dma_start3A_109 = arith.constant 0 : i32
      %dma_start3A_110 = tpu.memref_slice %arg12[%dma_start3A_108, %dma_start3A_109] : memref<128x32xf32, #tpu.memory_space<vmem>> -> memref<128x32xf32, #tpu.memory_space<vmem>>
      %dma_start3A_111 = tpu.memref_slice %arg6[%add3A_83, %mul3A_85] : memref<10240x64xf32, #tpu.memory_space<hbm>> -> memref<128x32xf32, #tpu.memory_space<hbm>>
      %dma_start3A_112 = arith.constant 0 : i32
      %dma_start3A_113 = arith.constant 0 : i32
      %dma_start3A_114 = tpu.memref_slice %arg12[%dma_start3A_112, %dma_start3A_113] : memref<128x32xf32, #tpu.memory_space<vmem>> -> memref<128x32xf32, #tpu.memory_space<vmem>>
      %dma_start3A_115 = tpu.memref_slice %arg6[%add3A_83, %mul3A_85] : memref<10240x64xf32, #tpu.memory_space<hbm>> -> memref<128x32xf32, #tpu.memory_space<hbm>>
      tpu.enqueue_dma source(%dma_start3A_115 : memref<128x32xf32, #tpu.memory_space<hbm>>) target(%dma_start3A_114 : memref<128x32xf32, #tpu.memory_space<vmem>>) target_semaphore(%run_scoped3A : memref<!tpu.dma_semaphore, #tpu.memory_space<semaphore_mem>>)
      %dma_wait3A_116 = arith.constant 0 : i32
      %dma_wait3A_117 = arith.constant 0 : i32
      %dma_wait3A_118 = tpu.memref_slice %arg12[%dma_wait3A_116, %dma_wait3A_117] : memref<128x32xf32, #tpu.memory_space<vmem>> -> memref<128x32xf32, #tpu.memory_space<vmem>>
      %dma_wait3A_119 = tpu.memref_slice %arg6[%add3A_83, %mul3A_85] : memref<10240x64xf32, #tpu.memory_space<hbm>> -> memref<128x32xf32, #tpu.memory_space<hbm>>
      %dma_wait3A_120 = arith.constant 0 : i32
      %dma_wait3A_121 = arith.constant 0 : i32
      %dma_wait3A_122 = tpu.memref_slice %arg12[%dma_wait3A_120, %dma_wait3A_121] : memref<128x32xf32, #tpu.memory_space<vmem>> -> memref<128x32xf32, #tpu.memory_space<vmem>>
      %dma_wait3A_123 = tpu.memref_slice %arg6[%add3A_83, %mul3A_85] : memref<10240x64xf32, #tpu.memory_space<hbm>> -> memref<128x32xf32, #tpu.memory_space<hbm>>
      tpu.wait_dma2 semaphore(%run_scoped3A : memref<!tpu.dma_semaphore, #tpu.memory_space<semaphore_mem>>) src(%dma_wait3A_123 : memref<128x32xf32, #tpu.memory_space<hbm>>) dst(%dma_wait3A_122 : memref<128x32xf32, #tpu.memory_space<vmem>>)
      tpu.yield
    }) : () -> ()
    "tpu.region"() ({
      %run_scoped3A = tpu.sem_alloc : memref<!tpu.dma_semaphore, #tpu.memory_space<semaphore_mem>>
      %dma_start3A_108 = arith.constant 0 : i32
      %dma_start3A_109 = tpu.memref_slice %arg7[%add3A_83, %dma_start3A_108] : memref<10240x16xf32, #tpu.memory_space<hbm>> -> memref<128x16xf32, #tpu.memory_space<hbm>>
      %dma_start3A_110 = arith.constant 0 : i32
      %dma_start3A_111 = tpu.memref_slice %arg7[%add3A_83, %dma_start3A_110] : memref<10240x16xf32, #tpu.memory_space<hbm>> -> memref<128x16xf32, #tpu.memory_space<hbm>>
      tpu.enqueue_dma source(%dma_start3A_111 : memref<128x16xf32, #tpu.memory_space<hbm>>) target(%arg13 : memref<128x16xf32, #tpu.memory_space<vmem>>) target_semaphore(%run_scoped3A : memref<!tpu.dma_semaphore, #tpu.memory_space<semaphore_mem>>)
      %dma_wait3A_112 = arith.constant 0 : i32
      %dma_wait3A_113 = tpu.memref_slice %arg7[%add3A_83, %dma_wait3A_112] : memref<10240x16xf32, #tpu.memory_space<hbm>> -> memref<128x16xf32, #tpu.memory_space<hbm>>
      %dma_wait3A_114 = arith.constant 0 : i32
      %dma_wait3A_115 = tpu.memref_slice %arg7[%add3A_83, %dma_wait3A_114] : memref<10240x16xf32, #tpu.memory_space<hbm>> -> memref<128x16xf32, #tpu.memory_space<hbm>>
      tpu.wait_dma2 semaphore(%run_scoped3A : memref<!tpu.dma_semaphore, #tpu.memory_space<semaphore_mem>>) src(%dma_wait3A_115 : memref<128x16xf32, #tpu.memory_space<hbm>>) dst(%arg13 : memref<128x16xf32, #tpu.memory_space<vmem>>)
      tpu.yield
    }) : () -> ()
    %scan3A_86 = arith.constant 0 : i32
    %scan3A_87 = arith.constant 0 : i32
    %scan3A_88 = arith.constant 128 : i32
    %scan3A_89 = arith.addi %scan3A_87, %scan3A_88 : i32
    %scan3A_90 = arith.constant 1 : i32
    %scan3A_91 = scf.for %scan3A_108 = %scan3A_87 to %scan3A_89 step %scan3A_90 iter_args(%scan3A_109 = %scan3A_86) -> (i32)  : i32 {
      %get3A = arith.index_cast %scan3A_108 : i32 to index
      %get3A_110 = arith.constant 0 : index
      %get3A_111 = tpu.vector_load %arg13[%get3A, %get3A_110] {strides = array<i32>} : memref<128x16xf32, #tpu.memory_space<vmem>>, vector<1x16xf32>,
      %get3A_112 = vector.shape_cast %get3A_111 : vector<1x16xf32> to vector<16xf32>
      %slice3A = vector.extract_strided_slice %get3A_112 {offsets = [0], sizes = [1], strides = [1]} : vector<16xf32> to vector<1xf32>
      %squeeze3A = vector.extract %slice3A[0] : f32 from vector<1xf32>
      %get3A_113 = arith.index_cast %scan3A_108 : i32 to index
      %get3A_114 = arith.constant 0 : index
      %get3A_115 = tpu.vector_load %arg11[%get3A_113, %get3A_114] {strides = array<i32>} : memref<128x32xf32, #tpu.memory_space<vmem>>, vector<1x16xf32>,
      %get3A_116 = vector.shape_cast %get3A_115 : vector<1x16xf32> to vector<16xf32>
      %mul3A_117 = vector.broadcast %squeeze3A : f32 to vector<16xf32>
      %mul3A_118 = arith.mulf %get3A_116, %mul3A_117 : vector<16xf32>
      %get3A_119 = arith.index_cast %scan3A_108 : i32 to index
      %get3A_120 = arith.constant 0 : index
      %get3A_121 = tpu.vector_load %arg12[%get3A_119, %get3A_120] {strides = array<i32>} : memref<128x32xf32, #tpu.memory_space<vmem>>, vector<1x16xf32>,
      %get3A_122 = vector.shape_cast %get3A_121 : vector<1x16xf32> to vector<16xf32>
      %add3A_123 = arith.addf %mul3A_118, %get3A_122 : vector<16xf32>
      %swap3A = arith.index_cast %scan3A_108 : i32 to index
      %swap3A_124 = arith.constant 0 : index
      %swap3A_125 = tpu.vector_load %arg12[%swap3A, %swap3A_124] {strides = array<i32>} : memref<128x32xf32, #tpu.memory_space<vmem>>, vector<1x16xf32>,
      %swap3A_126 = vector.shape_cast %swap3A_125 : vector<1x16xf32> to vector<16xf32>
      %swap3A_127 = vector.shape_cast %add3A_123 : vector<16xf32> to vector<1x16xf32>
      tpu.vector_store %arg12[%swap3A, %swap3A_124], %swap3A_127 {strides = array<i32>} : memref<128x32xf32, #tpu.memory_space<vmem>>, vector<1x16xf32>,
      %get3A_128 = arith.index_cast %scan3A_108 : i32 to index
      %get3A_129 = arith.constant 16 : index
      %get3A_130 = tpu.vector_load %arg11[%get3A_128, %get3A_129] {strides = array<i32>} : memref<128x32xf32, #tpu.memory_space<vmem>>, vector<1x16xf32>,
      %get3A_131 = vector.shape_cast %get3A_130 : vector<1x16xf32> to vector<16xf32>
      %mul3A_132 = vector.broadcast %squeeze3A : f32 to vector<16xf32>
      %mul3A_133 = arith.mulf %get3A_131, %mul3A_132 : vector<16xf32>
      %get3A_134 = arith.index_cast %scan3A_108 : i32 to index
      %get3A_135 = arith.constant 16 : index
      %get3A_136 = tpu.vector_load %arg12[%get3A_134, %get3A_135] {strides = array<i32>} : memref<128x32xf32, #tpu.memory_space<vmem>>, vector<1x16xf32>,
      %get3A_137 = vector.shape_cast %get3A_136 : vector<1x16xf32> to vector<16xf32>
      %add3A_138 = arith.addf %mul3A_133, %get3A_137 : vector<16xf32>
      %swap3A_139 = arith.index_cast %scan3A_108 : i32 to index
      %swap3A_140 = arith.constant 16 : index
      %swap3A_141 = tpu.vector_load %arg12[%swap3A_139, %swap3A_140] {strides = array<i32>} : memref<128x32xf32, #tpu.memory_space<vmem>>, vector<1x16xf32>,
      %swap3A_142 = vector.shape_cast %swap3A_141 : vector<1x16xf32> to vector<16xf32>
      %swap3A_143 = vector.shape_cast %add3A_138 : vector<16xf32> to vector<1x16xf32>
      tpu.vector_store %arg12[%swap3A_139, %swap3A_140], %swap3A_143 {strides = array<i32>} : memref<128x32xf32, #tpu.memory_space<vmem>>, vector<1x16xf32>,
      %scan3A_144 = arith.constant 0 : i32
      scf.yield %scan3A_144 : i32
    }
    %scan3A_92 = arith.constant 128 : i32
    %mul3A_93 = arith.constant 32 : i32
    %mul3A_94 = arith.muli %arg0, %mul3A_93 : i32
    "tpu.region"() ({
      %run_scoped3A = tpu.sem_alloc : memref<!tpu.dma_semaphore, #tpu.memory_space<semaphore_mem>>
      %dma_start3A_108 = arith.constant 0 : i32
      %dma_start3A_109 = arith.constant 0 : i32
      %dma_start3A_110 = tpu.memref_slice %arg12[%dma_start3A_108, %dma_start3A_109] : memref<128x32xf32, #tpu.memory_space<vmem>> -> memref<128x32xf32, #tpu.memory_space<vmem>>
      %dma_start3A_111 = tpu.memref_slice %arg8[%add3A_83, %mul3A_94] : memref<10240x64xf32, #tpu.memory_space<hbm>> -> memref<128x32xf32, #tpu.memory_space<hbm>>
      %dma_start3A_112 = tpu.memref_slice %arg8[%add3A_83, %mul3A_94] : memref<10240x64xf32, #tpu.memory_space<hbm>> -> memref<128x32xf32, #tpu.memory_space<hbm>>
      %dma_start3A_113 = arith.constant 0 : i32
      %dma_start3A_114 = arith.constant 0 : i32
      %dma_start3A_115 = tpu.memref_slice %arg12[%dma_start3A_113, %dma_start3A_114] : memref<128x32xf32, #tpu.memory_space<vmem>> -> memref<128x32xf32, #tpu.memory_space<vmem>>
      tpu.enqueue_dma source(%dma_start3A_115 : memref<128x32xf32, #tpu.memory_space<vmem>>) target(%dma_start3A_112 : memref<128x32xf32, #tpu.memory_space<hbm>>) target_semaphore(%run_scoped3A : memref<!tpu.dma_semaphore, #tpu.memory_space<semaphore_mem>>)
      %dma_wait3A_116 = arith.constant 0 : i32
      %dma_wait3A_117 = arith.constant 0 : i32
      %dma_wait3A_118 = tpu.memref_slice %arg12[%dma_wait3A_116, %dma_wait3A_117] : memref<128x32xf32, #tpu.memory_space<vmem>> -> memref<128x32xf32, #tpu.memory_space<vmem>>
      %dma_wait3A_119 = tpu.memref_slice %arg8[%add3A_83, %mul3A_94] : memref<10240x64xf32, #tpu.memory_space<hbm>> -> memref<128x32xf32, #tpu.memory_space<hbm>>
      %dma_wait3A_120 = tpu.memref_slice %arg8[%add3A_83, %mul3A_94] : memref<10240x64xf32, #tpu.memory_space<hbm>> -> memref<128x32xf32, #tpu.memory_space<hbm>>
      %dma_wait3A_121 = arith.constant 0 : i32
      %dma_wait3A_122 = arith.constant 0 : i32
      %dma_wait3A_123 = tpu.memref_slice %arg12[%dma_wait3A_121, %dma_wait3A_122] : memref<128x32xf32, #tpu.memory_space<vmem>> -> memref<128x32xf32, #tpu.memory_space<vmem>>
      tpu.wait_dma2 semaphore(%run_scoped3A : memref<!tpu.dma_semaphore, #tpu.memory_space<semaphore_mem>>) src(%dma_wait3A_123 : memref<128x32xf32, #tpu.memory_space<vmem>>) dst(%dma_wait3A_120 : memref<128x32xf32, #tpu.memory_space<hbm>>)
      tpu.yield
    }) : () -> ()
    %add3A_95 = arith.constant 512 : i32
    %add3A_96 = arith.addi %mul3A_0, %add3A_95 : i32
    "tpu.region"() ({
      %run_scoped3A = tpu.sem_alloc : memref<!tpu.dma_semaphore, #tpu.memory_space<semaphore_mem>>
      %dma_start3A_108 = arith.constant 0 : i32
      %dma_start3A_109 = arith.constant 0 : i32
      %dma_start3A_110 = tpu.memref_slice %arg11[%dma_start3A_108, %dma_start3A_109] : memref<128x32xf32, #tpu.memory_space<vmem>> -> memref<128x32xf32, #tpu.memory_space<vmem>>
      %dma_start3A_111 = arith.constant 0 : i32
      %dma_start3A_112 = tpu.memref_slice %arg14[%add3A_96, %dma_start3A_111] : memref<10240x32xf32, #tpu.memory_space<vmem_shared>> -> memref<128x32xf32, #tpu.memory_space<vmem_shared>>
      %dma_start3A_113 = arith.constant 0 : i32
      %dma_start3A_114 = arith.constant 0 : i32
      %dma_start3A_115 = tpu.memref_slice %arg11[%dma_start3A_113, %dma_start3A_114] : memref<128x32xf32, #tpu.memory_space<vmem>> -> memref<128x32xf32, #tpu.memory_space<vmem>>
      %dma_start3A_116 = arith.constant 0 : i32
      %dma_start3A_117 = tpu.memref_slice %arg14[%add3A_96, %dma_start3A_116] : memref<10240x32xf32, #tpu.memory_space<vmem_shared>> -> memref<128x32xf32, #tpu.memory_space<vmem_shared>>
      tpu.enqueue_dma source(%dma_start3A_117 : memref<128x32xf32, #tpu.memory_space<vmem_shared>>) target(%dma_start3A_115 : memref<128x32xf32, #tpu.memory_space<vmem>>) target_semaphore(%run_scoped3A : memref<!tpu.dma_semaphore, #tpu.memory_space<semaphore_mem>>)
      %dma_wait3A_118 = arith.constant 0 : i32
      %dma_wait3A_119 = arith.constant 0 : i32
      %dma_wait3A_120 = tpu.memref_slice %arg11[%dma_wait3A_118, %dma_wait3A_119] : memref<128x32xf32, #tpu.memory_space<vmem>> -> memref<128x32xf32, #tpu.memory_space<vmem>>
      %dma_wait3A_121 = arith.constant 0 : i32
      %dma_wait3A_122 = tpu.memref_slice %arg14[%add3A_96, %dma_wait3A_121] : memref<10240x32xf32, #tpu.memory_space<vmem_shared>> -> memref<128x32xf32, #tpu.memory_space<vmem_shared>>
      %dma_wait3A_123 = arith.constant 0 : i32
      %dma_wait3A_124 = arith.constant 0 : i32
      %dma_wait3A_125 = tpu.memref_slice %arg11[%dma_wait3A_123, %dma_wait3A_124] : memref<128x32xf32, #tpu.memory_space<vmem>> -> memref<128x32xf32, #tpu.memory_space<vmem>>
      %dma_wait3A_126 = arith.constant 0 : i32
      %dma_wait3A_127 = tpu.memref_slice %arg14[%add3A_96, %dma_wait3A_126] : memref<10240x32xf32, #tpu.memory_space<vmem_shared>> -> memref<128x32xf32, #tpu.memory_space<vmem_shared>>
      tpu.wait_dma2 semaphore(%run_scoped3A : memref<!tpu.dma_semaphore, #tpu.memory_space<semaphore_mem>>) src(%dma_wait3A_127 : memref<128x32xf32, #tpu.memory_space<vmem_shared>>) dst(%dma_wait3A_125 : memref<128x32xf32, #tpu.memory_space<vmem>>)
      tpu.yield
    }) : () -> ()
    %mul3A_97 = arith.constant 32 : i32
    %mul3A_98 = arith.muli %arg0, %mul3A_97 : i32
    "tpu.region"() ({
      %run_scoped3A = tpu.sem_alloc : memref<!tpu.dma_semaphore, #tpu.memory_space<semaphore_mem>>
      %dma_start3A_108 = arith.constant 0 : i32
      %dma_start3A_109 = arith.constant 0 : i32
      %dma_start3A_110 = tpu.memref_slice %arg12[%dma_start3A_108, %dma_start3A_109] : memref<128x32xf32, #tpu.memory_space<vmem>> -> memref<128x32xf32, #tpu.memory_space<vmem>>
      %dma_start3A_111 = tpu.memref_slice %arg6[%add3A_96, %mul3A_98] : memref<10240x64xf32, #tpu.memory_space<hbm>> -> memref<128x32xf32, #tpu.memory_space<hbm>>
      %dma_start3A_112 = arith.constant 0 : i32
      %dma_start3A_113 = arith.constant 0 : i32
      %dma_start3A_114 = tpu.memref_slice %arg12[%dma_start3A_112, %dma_start3A_113] : memref<128x32xf32, #tpu.memory_space<vmem>> -> memref<128x32xf32, #tpu.memory_space<vmem>>
      %dma_start3A_115 = tpu.memref_slice %arg6[%add3A_96, %mul3A_98] : memref<10240x64xf32, #tpu.memory_space<hbm>> -> memref<128x32xf32, #tpu.memory_space<hbm>>
      tpu.enqueue_dma source(%dma_start3A_115 : memref<128x32xf32, #tpu.memory_space<hbm>>) target(%dma_start3A_114 : memref<128x32xf32, #tpu.memory_space<vmem>>) target_semaphore(%run_scoped3A : memref<!tpu.dma_semaphore, #tpu.memory_space<semaphore_mem>>)
      %dma_wait3A_116 = arith.constant 0 : i32
      %dma_wait3A_117 = arith.constant 0 : i32
      %dma_wait3A_118 = tpu.memref_slice %arg12[%dma_wait3A_116, %dma_wait3A_117] : memref<128x32xf32, #tpu.memory_space<vmem>> -> memref<128x32xf32, #tpu.memory_space<vmem>>
      %dma_wait3A_119 = tpu.memref_slice %arg6[%add3A_96, %mul3A_98] : memref<10240x64xf32, #tpu.memory_space<hbm>> -> memref<128x32xf32, #tpu.memory_space<hbm>>
      %dma_wait3A_120 = arith.constant 0 : i32
      %dma_wait3A_121 = arith.constant 0 : i32
      %dma_wait3A_122 = tpu.memref_slice %arg12[%dma_wait3A_120, %dma_wait3A_121] : memref<128x32xf32, #tpu.memory_space<vmem>> -> memref<128x32xf32, #tpu.memory_space<vmem>>
      %dma_wait3A_123 = tpu.memref_slice %arg6[%add3A_96, %mul3A_98] : memref<10240x64xf32, #tpu.memory_space<hbm>> -> memref<128x32xf32, #tpu.memory_space<hbm>>
      tpu.wait_dma2 semaphore(%run_scoped3A : memref<!tpu.dma_semaphore, #tpu.memory_space<semaphore_mem>>) src(%dma_wait3A_123 : memref<128x32xf32, #tpu.memory_space<hbm>>) dst(%dma_wait3A_122 : memref<128x32xf32, #tpu.memory_space<vmem>>)
      tpu.yield
    }) : () -> ()
    "tpu.region"() ({
      %run_scoped3A = tpu.sem_alloc : memref<!tpu.dma_semaphore, #tpu.memory_space<semaphore_mem>>
      %dma_start3A_108 = arith.constant 0 : i32
      %dma_start3A_109 = tpu.memref_slice %arg7[%add3A_96, %dma_start3A_108] : memref<10240x16xf32, #tpu.memory_space<hbm>> -> memref<128x16xf32, #tpu.memory_space<hbm>>
      %dma_start3A_110 = arith.constant 0 : i32
      %dma_start3A_111 = tpu.memref_slice %arg7[%add3A_96, %dma_start3A_110] : memref<10240x16xf32, #tpu.memory_space<hbm>> -> memref<128x16xf32, #tpu.memory_space<hbm>>
      tpu.enqueue_dma source(%dma_start3A_111 : memref<128x16xf32, #tpu.memory_space<hbm>>) target(%arg13 : memref<128x16xf32, #tpu.memory_space<vmem>>) target_semaphore(%run_scoped3A : memref<!tpu.dma_semaphore, #tpu.memory_space<semaphore_mem>>)
      %dma_wait3A_112 = arith.constant 0 : i32
      %dma_wait3A_113 = tpu.memref_slice %arg7[%add3A_96, %dma_wait3A_112] : memref<10240x16xf32, #tpu.memory_space<hbm>> -> memref<128x16xf32, #tpu.memory_space<hbm>>
      %dma_wait3A_114 = arith.constant 0 : i32
      %dma_wait3A_115 = tpu.memref_slice %arg7[%add3A_96, %dma_wait3A_114] : memref<10240x16xf32, #tpu.memory_space<hbm>> -> memref<128x16xf32, #tpu.memory_space<hbm>>
      tpu.wait_dma2 semaphore(%run_scoped3A : memref<!tpu.dma_semaphore, #tpu.memory_space<semaphore_mem>>) src(%dma_wait3A_115 : memref<128x16xf32, #tpu.memory_space<hbm>>) dst(%arg13 : memref<128x16xf32, #tpu.memory_space<vmem>>)
      tpu.yield
    }) : () -> ()
    %scan3A_99 = arith.constant 0 : i32
    %scan3A_100 = arith.constant 0 : i32
    %scan3A_101 = arith.constant 128 : i32
    %scan3A_102 = arith.addi %scan3A_100, %scan3A_101 : i32
    %scan3A_103 = arith.constant 1 : i32
    %scan3A_104 = scf.for %scan3A_108 = %scan3A_100 to %scan3A_102 step %scan3A_103 iter_args(%scan3A_109 = %scan3A_99) -> (i32)  : i32 {
      %get3A = arith.index_cast %scan3A_108 : i32 to index
      %get3A_110 = arith.constant 0 : index
      %get3A_111 = tpu.vector_load %arg13[%get3A, %get3A_110] {strides = array<i32>} : memref<128x16xf32, #tpu.memory_space<vmem>>, vector<1x16xf32>,
      %get3A_112 = vector.shape_cast %get3A_111 : vector<1x16xf32> to vector<16xf32>
      %slice3A = vector.extract_strided_slice %get3A_112 {offsets = [0], sizes = [1], strides = [1]} : vector<16xf32> to vector<1xf32>
      %squeeze3A = vector.extract %slice3A[0] : f32 from vector<1xf32>
      %get3A_113 = arith.index_cast %scan3A_108 : i32 to index
      %get3A_114 = arith.constant 0 : index
      %get3A_115 = tpu.vector_load %arg11[%get3A_113, %get3A_114] {strides = array<i32>} : memref<128x32xf32, #tpu.memory_space<vmem>>, vector<1x16xf32>,
      %get3A_116 = vector.shape_cast %get3A_115 : vector<1x16xf32> to vector<16xf32>
      %mul3A_117 = vector.broadcast %squeeze3A : f32 to vector<16xf32>
      %mul3A_118 = arith.mulf %get3A_116, %mul3A_117 : vector<16xf32>
      %get3A_119 = arith.index_cast %scan3A_108 : i32 to index
      %get3A_120 = arith.constant 0 : index
      %get3A_121 = tpu.vector_load %arg12[%get3A_119, %get3A_120] {strides = array<i32>} : memref<128x32xf32, #tpu.memory_space<vmem>>, vector<1x16xf32>,
      %get3A_122 = vector.shape_cast %get3A_121 : vector<1x16xf32> to vector<16xf32>
      %add3A_123 = arith.addf %mul3A_118, %get3A_122 : vector<16xf32>
      %swap3A = arith.index_cast %scan3A_108 : i32 to index
      %swap3A_124 = arith.constant 0 : index
      %swap3A_125 = tpu.vector_load %arg12[%swap3A, %swap3A_124] {strides = array<i32>} : memref<128x32xf32, #tpu.memory_space<vmem>>, vector<1x16xf32>,
      %swap3A_126 = vector.shape_cast %swap3A_125 : vector<1x16xf32> to vector<16xf32>
      %swap3A_127 = vector.shape_cast %add3A_123 : vector<16xf32> to vector<1x16xf32>
      tpu.vector_store %arg12[%swap3A, %swap3A_124], %swap3A_127 {strides = array<i32>} : memref<128x32xf32, #tpu.memory_space<vmem>>, vector<1x16xf32>,
      %get3A_128 = arith.index_cast %scan3A_108 : i32 to index
      %get3A_129 = arith.constant 16 : index
      %get3A_130 = tpu.vector_load %arg11[%get3A_128, %get3A_129] {strides = array<i32>} : memref<128x32xf32, #tpu.memory_space<vmem>>, vector<1x16xf32>,
      %get3A_131 = vector.shape_cast %get3A_130 : vector<1x16xf32> to vector<16xf32>
      %mul3A_132 = vector.broadcast %squeeze3A : f32 to vector<16xf32>
      %mul3A_133 = arith.mulf %get3A_131, %mul3A_132 : vector<16xf32>
      %get3A_134 = arith.index_cast %scan3A_108 : i32 to index
      %get3A_135 = arith.constant 16 : index
      %get3A_136 = tpu.vector_load %arg12[%get3A_134, %get3A_135] {strides = array<i32>} : memref<128x32xf32, #tpu.memory_space<vmem>>, vector<1x16xf32>,
      %get3A_137 = vector.shape_cast %get3A_136 : vector<1x16xf32> to vector<16xf32>
      %add3A_138 = arith.addf %mul3A_133, %get3A_137 : vector<16xf32>
      %swap3A_139 = arith.index_cast %scan3A_108 : i32 to index
      %swap3A_140 = arith.constant 16 : index
      %swap3A_141 = tpu.vector_load %arg12[%swap3A_139, %swap3A_140] {strides = array<i32>} : memref<128x32xf32, #tpu.memory_space<vmem>>, vector<1x16xf32>,
      %swap3A_142 = vector.shape_cast %swap3A_141 : vector<1x16xf32> to vector<16xf32>
      %swap3A_143 = vector.shape_cast %add3A_138 : vector<16xf32> to vector<1x16xf32>
      tpu.vector_store %arg12[%swap3A_139, %swap3A_140], %swap3A_143 {strides = array<i32>} : memref<128x32xf32, #tpu.memory_space<vmem>>, vector<1x16xf32>,
      %scan3A_144 = arith.constant 0 : i32
      scf.yield %scan3A_144 : i32
    }
    %scan3A_105 = arith.constant 128 : i32
    %mul3A_106 = arith.constant 32 : i32
    %mul3A_107 = arith.muli %arg0, %mul3A_106 : i32
    "tpu.region"() ({
      %run_scoped3A = tpu.sem_alloc : memref<!tpu.dma_semaphore, #tpu.memory_space<semaphore_mem>>
      %dma_start3A_108 = arith.constant 0 : i32
      %dma_start3A_109 = arith.constant 0 : i32
      %dma_start3A_110 = tpu.memref_slice %arg12[%dma_start3A_108, %dma_start3A_109] : memref<128x32xf32, #tpu.memory_space<vmem>> -> memref<128x32xf32, #tpu.memory_space<vmem>>
      %dma_start3A_111 = tpu.memref_slice %arg8[%add3A_96, %mul3A_107] : memref<10240x64xf32, #tpu.memory_space<hbm>> -> memref<128x32xf32, #tpu.memory_space<hbm>>
      %dma_start3A_112 = tpu.memref_slice %arg8[%add3A_96, %mul3A_107] : memref<10240x64xf32, #tpu.memory_space<hbm>> -> memref<128x32xf32, #tpu.memory_space<hbm>>
      %dma_start3A_113 = arith.constant 0 : i32
      %dma_start3A_114 = arith.constant 0 : i32
      %dma_start3A_115 = tpu.memref_slice %arg12[%dma_start3A_113, %dma_start3A_114] : memref<128x32xf32, #tpu.memory_space<vmem>> -> memref<128x32xf32, #tpu.memory_space<vmem>>
      tpu.enqueue_dma source(%dma_start3A_115 : memref<128x32xf32, #tpu.memory_space<vmem>>) target(%dma_start3A_112 : memref<128x32xf32, #tpu.memory_space<hbm>>) target_semaphore(%run_scoped3A : memref<!tpu.dma_semaphore, #tpu.memory_space<semaphore_mem>>)
      %dma_wait3A_116 = arith.constant 0 : i32
      %dma_wait3A_117 = arith.constant 0 : i32
      %dma_wait3A_118 = tpu.memref_slice %arg12[%dma_wait3A_116, %dma_wait3A_117] : memref<128x32xf32, #tpu.memory_space<vmem>> -> memref<128x32xf32, #tpu.memory_space<vmem>>
      %dma_wait3A_119 = tpu.memref_slice %arg8[%add3A_96, %mul3A_107] : memref<10240x64xf32, #tpu.memory_space<hbm>> -> memref<128x32xf32, #tpu.memory_space<hbm>>
      %dma_wait3A_120 = tpu.memref_slice %arg8[%add3A_96, %mul3A_107] : memref<10240x64xf32, #tpu.memory_space<hbm>> -> memref<128x32xf32, #tpu.memory_space<hbm>>
      %dma_wait3A_121 = arith.constant 0 : i32
      %dma_wait3A_122 = arith.constant 0 : i32
      %dma_wait3A_123 = tpu.memref_slice %arg12[%dma_wait3A_121, %dma_wait3A_122] : memref<128x32xf32, #tpu.memory_space<vmem>> -> memref<128x32xf32, #tpu.memory_space<vmem>>
      tpu.wait_dma2 semaphore(%run_scoped3A : memref<!tpu.dma_semaphore, #tpu.memory_space<semaphore_mem>>) src(%dma_wait3A_123 : memref<128x32xf32, #tpu.memory_space<vmem>>) dst(%dma_wait3A_120 : memref<128x32xf32, #tpu.memory_space<hbm>>)
      tpu.yield
    }) : () -> ()
    return
  }
}

module attributes {stable_mosaic.version = 14 : i64} {
  func.func @_stage_a_body(%arg0: i32, %arg1: memref<1000x256xf32, #tpu.memory_space<vmem>>, %arg2: memref<256x128xf32, #tpu.memory_space<vmem>>, %arg3: memref<256x128xf32, #tpu.memory_space<vmem>>, %arg4: memref<2x1000x64xf32, #tpu.memory_space<vmem>>, %arg5: memref<1000x128xf32, #tpu.memory_space<vmem>>) attributes {dimension_semantics = [#tpu.dimension_semantics<arbitrary>], iteration_bounds = array<i64: 10>, scalar_prefetch = 0 : i64, scratch_operands = 0 : i64, tpu.core_type = #tpu.core_type<tc>, window_params = [{transform_indices = @transform_0, window_bounds = array<i64: 1000, 256>}, {pipeline_mode = #tpu.pipeline_mode<synchronous>, transform_indices = @transform_1, window_bounds = array<i64: 256, 128>}, {pipeline_mode = #tpu.pipeline_mode<synchronous>, transform_indices = @transform_2, window_bounds = array<i64: 256, 128>}, {transform_indices = @transform_3, window_bounds = array<i64: 2, 1000, 64>}, {transform_indices = @transform_4, window_bounds = array<i64: 1000, 128>}]} {
    %get3A = arith.constant 0 : index
    %get3A_0 = arith.constant 0 : index
    %get3A_1 = vector.load %arg1[%get3A, %get3A_0] : memref<1000x256xf32, #tpu.memory_space<vmem>>, vector<1000x256xf32>
    %get3A_2 = arith.constant 0 : index
    %get3A_3 = arith.constant 0 : index
    %get3A_4 = vector.load %arg2[%get3A_2, %get3A_3] : memref<256x128xf32, #tpu.memory_space<vmem>>, vector<256x128xf32>
    %dot_general3A = arith.constant dense<0.000000e+00> : vector<1000x128xf32>
    %dot_general3A_5 = tpu.matmul %get3A_1, %get3A_4, %dot_general3A {dimension_numbers = #tpu.dot_dimension_numbers<[1], [0], [0], [1], [0, 0, 1, 1], [], []>, transpose_lhs_hint = false} : vector<1000x256xf32>, vector<256x128xf32>, vector<1000x128xf32> -> vector<1000x128xf32>
    %slice3A = vector.extract_strided_slice %dot_general3A_5 {offsets = [0, 0], sizes = [1000, 64], strides = [1, 1]} : vector<1000x128xf32> to vector<1000x64xf32>
    %swap3A = arith.constant 0 : index
    %swap3A_6 = arith.constant 0 : index
    %swap3A_7 = arith.constant 0 : index
    %swap3A_8 = vector.load %arg4[%swap3A, %swap3A_6, %swap3A_7] : memref<2x1000x64xf32, #tpu.memory_space<vmem>>, vector<1x1000x64xf32>
    %swap3A_9 = vector.shape_cast %swap3A_8 : vector<1x1000x64xf32> to vector<1000x64xf32>
    %swap3A_10 = vector.shape_cast %slice3A : vector<1000x64xf32> to vector<1x1000x64xf32>
    tpu.vector_store %arg4[%swap3A, %swap3A_6, %swap3A_7], %swap3A_10 {strides = array<i32>} : memref<2x1000x64xf32, #tpu.memory_space<vmem>>, vector<1x1000x64xf32>,
    %slice3A_11 = vector.extract_strided_slice %dot_general3A_5 {offsets = [0, 64], sizes = [1000, 64], strides = [1, 1]} : vector<1000x128xf32> to vector<1000x64xf32>
    %swap3A_12 = arith.constant 1 : index
    %swap3A_13 = arith.constant 0 : index
    %swap3A_14 = arith.constant 0 : index
    %swap3A_15 = vector.load %arg4[%swap3A_12, %swap3A_13, %swap3A_14] : memref<2x1000x64xf32, #tpu.memory_space<vmem>>, vector<1x1000x64xf32>
    %swap3A_16 = vector.shape_cast %swap3A_15 : vector<1x1000x64xf32> to vector<1000x64xf32>
    %swap3A_17 = vector.shape_cast %slice3A_11 : vector<1000x64xf32> to vector<1x1000x64xf32>
    tpu.vector_store %arg4[%swap3A_12, %swap3A_13, %swap3A_14], %swap3A_17 {strides = array<i32>} : memref<2x1000x64xf32, #tpu.memory_space<vmem>>, vector<1x1000x64xf32>,
    %get3A_18 = arith.constant 0 : index
    %get3A_19 = arith.constant 0 : index
    %get3A_20 = vector.load %arg3[%get3A_18, %get3A_19] : memref<256x128xf32, #tpu.memory_space<vmem>>, vector<256x128xf32>
    %dot_general3A_21 = arith.constant dense<0.000000e+00> : vector<1000x128xf32>
    %dot_general3A_22 = tpu.matmul %get3A_1, %get3A_20, %dot_general3A_21 {dimension_numbers = #tpu.dot_dimension_numbers<[1], [0], [0], [1], [0, 0, 1, 1], [], []>, transpose_lhs_hint = false} : vector<1000x256xf32>, vector<256x128xf32>, vector<1000x128xf32> -> vector<1000x128xf32>
    %swap3A_23 = arith.constant 0 : index
    %swap3A_24 = arith.constant 0 : index
    %swap3A_25 = vector.load %arg5[%swap3A_23, %swap3A_24] : memref<1000x128xf32, #tpu.memory_space<vmem>>, vector<1000x128xf32>
    tpu.vector_store %arg5[%swap3A_23, %swap3A_24], %dot_general3A_22 {strides = array<i32>} : memref<1000x128xf32, #tpu.memory_space<vmem>>, vector<1000x128xf32>,
    return
  }
  func.func @transform_0(%arg0: i32) -> (i32, i32) {
    %c0_i32 = arith.constant 0 : i32
    %c0_i32_0 = arith.constant 0 : i32
    return %arg0, %c0_i32 : i32, i32
  }
  func.func @transform_1(%arg0: i32) -> (i32, i32) {
    %c0_i32 = arith.constant 0 : i32
    %c0_i32_0 = arith.constant 0 : i32
    %c0_i32_1 = arith.constant 0 : i32
    return %c0_i32, %c0_i32_0 : i32, i32
  }
  func.func @transform_2(%arg0: i32) -> (i32, i32) {
    %c0_i32 = arith.constant 0 : i32
    %c0_i32_0 = arith.constant 0 : i32
    %c0_i32_1 = arith.constant 0 : i32
    return %c0_i32, %c0_i32_0 : i32, i32
  }
  func.func @transform_3(%arg0: i32) -> (i32, i32, i32) {
    %c0_i32 = arith.constant 0 : i32
    %c0_i32_0 = arith.constant 0 : i32
    %c0_i32_1 = arith.constant 0 : i32
    return %c0_i32, %arg0, %c0_i32_0 : i32, i32, i32
  }
  func.func @transform_4(%arg0: i32) -> (i32, i32) {
    %c0_i32 = arith.constant 0 : i32
    %c0_i32_0 = arith.constant 0 : i32
    return %arg0, %c0_i32 : i32, i32
  }
}

module attributes {stable_mosaic.version = 14 : i64} {
  func.func @_stage_c_body(%arg0: i32, %arg1: memref<2x1000x64xf32, #tpu.memory_space<vmem>>, %arg2: memref<1000x16xf32, #tpu.memory_space<vmem>>, %arg3: memref<1000x128xf32, #tpu.memory_space<vmem>>, %arg4: memref<1x128xf32, #tpu.memory_space<vmem>>, %arg5: memref<1x64xf32, #tpu.memory_space<vmem>>, %arg6: memref<128x64xf32, #tpu.memory_space<vmem>>, %arg7: memref<128x64xf32, #tpu.memory_space<vmem>>, %arg8: memref<2x1000x32xf32, #tpu.memory_space<vmem>>, %arg9: memref<1000x64xf32, #tpu.memory_space<vmem>>, %arg10: memref<1000x16xf32, #tpu.memory_space<vmem>>) attributes {dimension_semantics = [#tpu.dimension_semantics<arbitrary>], iteration_bounds = array<i64: 10>, scalar_prefetch = 0 : i64, scratch_operands = 0 : i64, tpu.core_type = #tpu.core_type<tc>, window_params = [{transform_indices = @transform_0, window_bounds = array<i64: 2, 1000, 64>}, {transform_indices = @transform_1, window_bounds = array<i64: 1000, 16>}, {transform_indices = @transform_2, window_bounds = array<i64: 1000, 128>}, {pipeline_mode = #tpu.pipeline_mode<synchronous>, transform_indices = @transform_3, window_bounds = array<i64: 1, 128>}, {pipeline_mode = #tpu.pipeline_mode<synchronous>, transform_indices = @transform_4, window_bounds = array<i64: 1, 64>}, {pipeline_mode = #tpu.pipeline_mode<synchronous>, transform_indices = @transform_5, window_bounds = array<i64: 128, 64>}, {pipeline_mode = #tpu.pipeline_mode<synchronous>, transform_indices = @transform_6, window_bounds = array<i64: 128, 64>}, {transform_indices = @transform_7, window_bounds = array<i64: 2, 1000, 32>}, {transform_indices = @transform_8, window_bounds = array<i64: 1000, 64>}, {transform_indices = @transform_9, window_bounds = array<i64: 1000, 16>}]} {
    %get3A = arith.constant 0 : index
    %get3A_0 = arith.constant 0 : index
    %get3A_1 = vector.load %arg2[%get3A, %get3A_0] : memref<1000x16xf32, #tpu.memory_space<vmem>>, vector<1000x1xf32>
    %max3A = arith.constant 1.000000e+00 : f32
    %max3A_2 = vector.broadcast %max3A : f32 to vector<1000x1xf32>
    %max3A_3 = arith.maximumf %get3A_1, %max3A_2 : vector<1000x1xf32>
    %div3A = arith.constant 1.000000e+00 : f32
    %div3A_4 = vector.broadcast %div3A : f32 to vector<1000x1xf32>
    %div3A_5 = arith.divf %div3A_4, %max3A_3 : vector<1000x1xf32>
    %get3A_6 = arith.constant 0 : index
    %get3A_7 = arith.constant 0 : index
    %get3A_8 = arith.constant 0 : index
    %get3A_9 = vector.load %arg1[%get3A_6, %get3A_7, %get3A_8] : memref<2x1000x64xf32, #tpu.memory_space<vmem>>, vector<1x1000x64xf32>
    %get3A_10 = vector.shape_cast %get3A_9 : vector<1x1000x64xf32> to vector<1000x64xf32>
    %get3A_11 = arith.constant 1 : index
    %get3A_12 = arith.constant 0 : index
    %get3A_13 = arith.constant 0 : index
    %get3A_14 = vector.load %arg1[%get3A_11, %get3A_12, %get3A_13] : memref<2x1000x64xf32, #tpu.memory_space<vmem>>, vector<1x1000x64xf32>
    %get3A_15 = vector.shape_cast %get3A_14 : vector<1x1000x64xf32> to vector<1000x64xf32>
    %concatenate3A = tpu.concatenate %get3A_10, %get3A_15 in 1 : vector<1000x64xf32>, vector<1000x64xf32> -> vector<1000x128xf32>
    %mul3A = vector.broadcast %div3A_5 : vector<1000x1xf32> to vector<1000x128xf32>
    %mul3A_16 = arith.mulf %concatenate3A, %mul3A : vector<1000x128xf32>
    %get3A_17 = arith.constant 0 : index
    %get3A_18 = arith.constant 0 : index
    %get3A_19 = vector.load %arg3[%get3A_17, %get3A_18] : memref<1000x128xf32, #tpu.memory_space<vmem>>, vector<1000x128xf32>
    %add3A = arith.addf %mul3A_16, %get3A_19 : vector<1000x128xf32>
    %get3A_20 = arith.constant 0 : index
    %get3A_21 = arith.constant 0 : index
    %get3A_22 = vector.load %arg4[%get3A_20, %get3A_21] : memref<1x128xf32, #tpu.memory_space<vmem>>, vector<1x128xf32>
    %add3A_23 = vector.broadcast %get3A_22 : vector<1x128xf32> to vector<1000x128xf32>
    %add3A_24 = arith.addf %add3A, %add3A_23 : vector<1000x128xf32>
    %max3A_25 = arith.constant 0.000000e+00 : f32
    %max3A_26 = vector.broadcast %max3A_25 : f32 to vector<1000x128xf32>
    %max3A_27 = arith.maximumf %add3A_24, %max3A_26 : vector<1000x128xf32>
    %get3A_28 = arith.constant 0 : index
    %get3A_29 = arith.constant 0 : index
    %get3A_30 = vector.load %arg6[%get3A_28, %get3A_29] : memref<128x64xf32, #tpu.memory_space<vmem>>, vector<128x64xf32>
    %dot_general3A = arith.constant dense<0.000000e+00> : vector<1000x64xf32>
    %dot_general3A_31 = tpu.matmul %max3A_27, %get3A_30, %dot_general3A {dimension_numbers = #tpu.dot_dimension_numbers<[1], [0], [0], [1], [0, 0, 1, 1], [], []>, transpose_lhs_hint = false} : vector<1000x128xf32>, vector<128x64xf32>, vector<1000x64xf32> -> vector<1000x64xf32>
    %slice3A = vector.extract_strided_slice %dot_general3A_31 {offsets = [0, 0], sizes = [1000, 32], strides = [1, 1]} : vector<1000x64xf32> to vector<1000x32xf32>
    %swap3A = arith.constant 0 : index
    %swap3A_32 = arith.constant 0 : index
    %swap3A_33 = arith.constant 0 : index
    %swap3A_34 = vector.load %arg8[%swap3A, %swap3A_32, %swap3A_33] : memref<2x1000x32xf32, #tpu.memory_space<vmem>>, vector<1x1000x32xf32>
    %swap3A_35 = vector.shape_cast %swap3A_34 : vector<1x1000x32xf32> to vector<1000x32xf32>
    %swap3A_36 = vector.shape_cast %slice3A : vector<1000x32xf32> to vector<1x1000x32xf32>
    tpu.vector_store %arg8[%swap3A, %swap3A_32, %swap3A_33], %swap3A_36 {strides = array<i32>} : memref<2x1000x32xf32, #tpu.memory_space<vmem>>, vector<1x1000x32xf32>,
    %slice3A_37 = vector.extract_strided_slice %dot_general3A_31 {offsets = [0, 32], sizes = [1000, 32], strides = [1, 1]} : vector<1000x64xf32> to vector<1000x32xf32>
    %swap3A_38 = arith.constant 1 : index
    %swap3A_39 = arith.constant 0 : index
    %swap3A_40 = arith.constant 0 : index
    %swap3A_41 = vector.load %arg8[%swap3A_38, %swap3A_39, %swap3A_40] : memref<2x1000x32xf32, #tpu.memory_space<vmem>>, vector<1x1000x32xf32>
    %swap3A_42 = vector.shape_cast %swap3A_41 : vector<1x1000x32xf32> to vector<1000x32xf32>
    %swap3A_43 = vector.shape_cast %slice3A_37 : vector<1000x32xf32> to vector<1x1000x32xf32>
    tpu.vector_store %arg8[%swap3A_38, %swap3A_39, %swap3A_40], %swap3A_43 {strides = array<i32>} : memref<2x1000x32xf32, #tpu.memory_space<vmem>>, vector<1x1000x32xf32>,
    %get3A_44 = arith.constant 0 : index
    %get3A_45 = arith.constant 0 : index
    %get3A_46 = vector.load %arg7[%get3A_44, %get3A_45] : memref<128x64xf32, #tpu.memory_space<vmem>>, vector<128x64xf32>
    %dot_general3A_47 = arith.constant dense<0.000000e+00> : vector<1000x64xf32>
    %dot_general3A_48 = tpu.matmul %max3A_27, %get3A_46, %dot_general3A_47 {dimension_numbers = #tpu.dot_dimension_numbers<[1], [0], [0], [1], [0, 0, 1, 1], [], []>, transpose_lhs_hint = false} : vector<1000x128xf32>, vector<128x64xf32>, vector<1000x64xf32> -> vector<1000x64xf32>
    %get3A_49 = arith.constant 0 : index
    %get3A_50 = arith.constant 0 : index
    %get3A_51 = vector.load %arg5[%get3A_49, %get3A_50] : memref<1x64xf32, #tpu.memory_space<vmem>>, vector<1x64xf32>
    %add3A_52 = vector.broadcast %get3A_51 : vector<1x64xf32> to vector<1000x64xf32>
    %add3A_53 = arith.addf %dot_general3A_48, %add3A_52 : vector<1000x64xf32>
    %swap3A_54 = arith.constant 0 : index
    %swap3A_55 = arith.constant 0 : index
    %swap3A_56 = vector.load %arg9[%swap3A_54, %swap3A_55] : memref<1000x64xf32, #tpu.memory_space<vmem>>, vector<1000x64xf32>
    tpu.vector_store %arg9[%swap3A_54, %swap3A_55], %add3A_53 {strides = array<i32>} : memref<1000x64xf32, #tpu.memory_space<vmem>>, vector<1000x64xf32>,
    %broadcast_in_dim3A = vector.shape_cast %div3A_5 : vector<1000x1xf32> to vector<1000x1xf32>
    %broadcast_in_dim3A_57 = vector.broadcast %broadcast_in_dim3A : vector<1000x1xf32> to vector<1000x16xf32>
    %swap3A_58 = arith.constant 0 : index
    %swap3A_59 = arith.constant 0 : index
    %swap3A_60 = vector.load %arg10[%swap3A_58, %swap3A_59] : memref<1000x16xf32, #tpu.memory_space<vmem>>, vector<1000x16xf32>
    tpu.vector_store %arg10[%swap3A_58, %swap3A_59], %broadcast_in_dim3A_57 {strides = array<i32>} : memref<1000x16xf32, #tpu.memory_space<vmem>>, vector<1000x16xf32>,
    return
  }
  func.func @transform_0(%arg0: i32) -> (i32, i32, i32) {
    %c0_i32 = arith.constant 0 : i32
    %c0_i32_0 = arith.constant 0 : i32
    %c0_i32_1 = arith.constant 0 : i32
    return %c0_i32, %arg0, %c0_i32_0 : i32, i32, i32
  }
  func.func @transform_1(%arg0: i32) -> (i32, i32) {
    %c0_i32 = arith.constant 0 : i32
    %c0_i32_0 = arith.constant 0 : i32
    return %arg0, %c0_i32 : i32, i32
  }
  func.func @transform_2(%arg0: i32) -> (i32, i32) {
    %c0_i32 = arith.constant 0 : i32
    %c0_i32_0 = arith.constant 0 : i32
    return %arg0, %c0_i32 : i32, i32
  }
  func.func @transform_3(%arg0: i32) -> (i32, i32) {
    %c0_i32 = arith.constant 0 : i32
    %c0_i32_0 = arith.constant 0 : i32
    %c0_i32_1 = arith.constant 0 : i32
    return %c0_i32, %c0_i32_0 : i32, i32
  }
  func.func @transform_4(%arg0: i32) -> (i32, i32) {
    %c0_i32 = arith.constant 0 : i32
    %c0_i32_0 = arith.constant 0 : i32
    %c0_i32_1 = arith.constant 0 : i32
    return %c0_i32, %c0_i32_0 : i32, i32
  }
  func.func @transform_5(%arg0: i32) -> (i32, i32) {
    %c0_i32 = arith.constant 0 : i32
    %c0_i32_0 = arith.constant 0 : i32
    %c0_i32_1 = arith.constant 0 : i32
    return %c0_i32, %c0_i32_0 : i32, i32
  }
  func.func @transform_6(%arg0: i32) -> (i32, i32) {
    %c0_i32 = arith.constant 0 : i32
    %c0_i32_0 = arith.constant 0 : i32
    %c0_i32_1 = arith.constant 0 : i32
    return %c0_i32, %c0_i32_0 : i32, i32
  }
  func.func @transform_7(%arg0: i32) -> (i32, i32, i32) {
    %c0_i32 = arith.constant 0 : i32
    %c0_i32_0 = arith.constant 0 : i32
    %c0_i32_1 = arith.constant 0 : i32
    return %c0_i32, %arg0, %c0_i32_0 : i32, i32, i32
  }
  func.func @transform_8(%arg0: i32) -> (i32, i32) {
    %c0_i32 = arith.constant 0 : i32
    %c0_i32_0 = arith.constant 0 : i32
    return %arg0, %c0_i32 : i32, i32
  }
  func.func @transform_9(%arg0: i32) -> (i32, i32) {
    %c0_i32 = arith.constant 0 : i32
    %c0_i32_0 = arith.constant 0 : i32
    return %arg0, %c0_i32 : i32, i32
  }
}

</mosaic_0001>

<sc_bundles>
// kernel: kernel.6.cloned.1.call-start
scs
__scs_entry_jumppad:
0x0: {  	(pc) =	sbr.rel $0x88, $3  }
0x1: {  	(tag) =	ssettag $0x0;
	lr =	simm.s32 $0x1  }
0x2: {  	[smem:$0x3F99] =	sst lr;
	_ =	strace $0xD0000000  }
0x3: {  	_ = 	snop  }
0x4: {  	_ = 	snop  }
0x5: {  	_ = 	snop  }
0x6: {  	_ = 	snop  }
0x7: {  	_ = 	snop  }
__scs_overlays_trampoline_lowered:
0x8: {  	[smem:$0x3FA8] =	sst s0  }
0x9: {  	[smem:$0x3FA9] =	sst s1  }
0xa: {  	[smem:$0x3FAA] =	sst s2  }
0xb: {  	[smem:$0x3FAB] =	sst s3  }
0xc: {  	[smem:$0x3FAC] =	sst s4  }
0xd: {  	[smem:$0x3FAD] =	sst s5  }
0xe: {  	[smem:$0x3FAE] =	sst s6  }
0xf: {  	[smem:$0x3FAF] =	sst s7  }
0x10: {  	[smem:$0x3FB0] =	sst s8  }
0x11: {  	[smem:$0x3FB1] =	sst s9;
	s0 =	simm.s32 @!p0 $0x0  }
0x12: {  	s1 =	sld [smem:$0x3F97];
	s0 =	simm.s32 @p0 $0x1  }
0x13: {  	[smem:$0x3FB2] =	sst s0;
	s0 =	simm.s32 @!p1 $0x0  }
0x14: {  	s2 =	sld [smem:$0x3F96];
	s0 =	simm.s32 @p1 $0x1  }
0x15: {  	[smem:$0x3FB3] =	sst s0;
	s0 =	simm.s32 @!p2 $0x0  }
0x16: {  	s3 =	sld [smem:$0x3FDB];
	s0 =	simm.s32 @p2 $0x1  }
0x17: {  	s4 =	simm.s32 $0x1BF5;
	[smem:$0x3FB5] =	sst s0  }
0x18: {  	s0 =	sld [smem:$0x3F98];
	_ =	swait.ge [sflag:s4], $0x0  }
0x19: {  	s7 =	sld [smem:$0x3F99]  }
0x1a: {  	s8 =	sadd.s32 $0xFFFFE003, lr  }
0x1b: {  	s9 =	sadd.s32 $0xFFFFFEF7, lr;
	s5 =	simm.s32 $0xFFFFFFFF;
	p2 =	slt.u32 s8, $0xFFFFF086  }
0x1c: {  	p1 =	slt.u32 s9, $0xF7A;
	s5 =	simm.s32 @!p2 $0x0  }
0x1d: {  	s5 =	simm.s32 @p1 $0x1;
	p0 =	seq.s32 s7, s2  }
0x1e: {  	s7 =	smul.u32 @!p0 $0xF7A, s2;
	p2 =	seq.s32 @!p0 s5, $0x0  }
0x1f: {  	s9 =	smul.u32 $0xF7A, s1;
	s8 =	simm.s32 @!p0 $0x1BF5;
	p2 =	por !p2, p0  }
0x20: {  	[sflag:s8] =	ssyncset.s32 @!p0 $0xFFFFF086;
	s6 =	sadd.s32 @!p0 s3, s7;
	s7 =	simm.s32 @!p0 $0x108  }
0x21: {  	s3 =	sadd.s32 s3, s9;
	s6 =	sadd.s32 @!p0 $0x88, s6;
	s7 =	simm.s32 @p2 $0x1082  }
0x22: {  	[simem:s7], [sflag:s8] =	dma.local @!p0 [hbm:s6], $0xF7A  }
0x23: {  	s9 =	sor.u32 $0xD0000000, s2;
	s6 =	simm.s32 $0x108;
	_ =	swait.ge @!p0 [sflag:s8], $0x0  }
0x24: {  	s3 =	sadd.s32 $0x88, s3;
	s6 =	simm.s32 @!p1 $0x1082;
	[sflag:s4] =	ssyncset.s32 $0xFFFFF086  }
0x25: {  	[simem:s6], [sflag:s4] =	dma.local [hbm:s3], $0xF7A  }
0x26: {  	[smem:$0x3F99] =	sst s1;
	(tag) =	ssettag s2;
	_ =	strace s9  }
0x27: {  	s1 =	sld [smem:$0x3FA9]  }
0x28: {  	s2 =	sld [smem:$0x3FAA]  }
0x29: {  	s4 =	sld [smem:$0x3FAC]  }
0x2a: {  	p0 =	seq.s32 s5, $0x0;
	s5 =	sld [smem:$0x3FAD]  }
0x2b: {  	s6 =	sld [smem:$0x3FAE]  }
0x2c: {  	s7 =	sld [smem:$0x3FAF]  }
0x2d: {  	s3 =	simm.s32 $0x108;
	s8 =	sld [smem:$0x3FB0]  }
0x2e: {  	s3 =	simm.s32 @!p0 $0x1082;
	s9 =	sld [smem:$0x3FB1]  }
0x2f: {  	lr =	sadd.s32 s0, s3;
	s0 =	sld [smem:$0x3FA8]  }
0x30: {  	s3 =	sld [smem:$0x3FAB]  }
0x31: {  	[smem:$0x3FB4] =	sst s10  }
0x32: {  	s10 =	sld [smem:$0x3FB2];
	_ =	sdelay $0x3  }
0x33: {  	p0 =	seq.s32 s10, $0x1;
	s10 =	sld [smem:$0x3FB4];
	_ =	sdelay $0x3  }
0x34: {  	[smem:$0x3FB4] =	sst s10  }
0x35: {  	s10 =	sld [smem:$0x3FB3];
	_ =	sdelay $0x3  }
0x36: {  	p1 =	seq.s32 s10, $0x1;
	s10 =	sld [smem:$0x3FB4];
	_ =	sdelay $0x3  }
0x37: {  	[smem:$0x3FB4] =	sst s10  }
0x38: {  	s10 =	sld [smem:$0x3FB5]  }
0x39: {  	_ = 	snop;
	(pc) =	sbr.ind lr, $3  }
0x3a: {  	_ = 	snop  }
0x3b: {  	_ = 	snop  }
0x3c: {  	p2 =	seq.s32 s10, $0x1;
	s10 =	sld [smem:$0x3FB4]  }
0x3d: {  	_ =	shalt  }
0x3e: {  	_ =	shalt  }
0x3f: {  	_ =	shalt  }
0x40: {  	_ =	shalt  }
0x41: {  	_ =	shalt  }
0x42: {  	_ =	shalt  }
0x43: {  	_ =	shalt  }
0x44: {  	_ =	shalt  }
0x45: {  	_ =	shalt  }
0x46: {  	_ =	shalt  }
0x47: {  	_ =	shalt  }
0x48: {  	_ =	shalt  }
0x49: {  	_ =	shalt  }
0x4a: {  	_ =	shalt  }
0x4b: {  	_ =	shalt  }
0x4c: {  	_ =	shalt  }
0x4d: {  	_ =	shalt  }
0x4e: {  	_ =	shalt  }
0x4f: {  	_ =	shalt  }
0x50: {  	_ =	shalt  }
0x51: {  	_ =	shalt  }
0x52: {  	_ =	shalt  }
0x53: {  	_ =	shalt  }
0x54: {  	_ =	shalt  }
0x55: {  	_ =	shalt  }
0x56: {  	_ =	shalt  }
0x57: {  	_ =	shalt  }
0x58: {  	_ =	shalt  }
0x59: {  	_ =	shalt  }
0x5a: {  	_ =	shalt  }
0x5b: {  	_ =	shalt  }
0x5c: {  	_ =	shalt  }
0x5d: {  	_ =	shalt  }
0x5e: {  	_ =	shalt  }
0x5f: {  	_ =	shalt  }
0x60: {  	_ =	shalt  }
0x61: {  	_ =	shalt  }
0x62: {  	_ =	shalt  }
0x63: {  	_ =	shalt  }
0x64: {  	_ =	shalt  }
0x65: {  	_ =	shalt  }
0x66: {  	_ =	shalt  }
0x67: {  	_ =	shalt  }
0x68: {  	_ =	shalt  }
0x69: {  	_ =	shalt  }
0x6a: {  	_ =	shalt  }
0x6b: {  	_ =	shalt  }
0x6c: {  	_ =	shalt  }
0x6d: {  	_ =	shalt  }
0x6e: {  	_ =	shalt  }
0x6f: {  	_ =	shalt  }
0x70: {  	_ =	shalt  }
0x71: {  	_ =	shalt  }
0x72: {  	_ =	shalt  }
0x73: {  	_ =	shalt  }
0x74: {  	_ =	shalt  }
0x75: {  	_ =	shalt  }
0x76: {  	_ =	shalt  }
0x77: {  	_ =	shalt  }
0x78: {  	_ =	shalt  }
0x79: {  	_ =	shalt  }
0x7a: {  	_ =	shalt  }
0x7b: {  	_ =	shalt  }
0x7c: {  	_ =	shalt  }
0x7d: {  	_ =	shalt  }
0x7e: {  	_ =	shalt  }
0x7f: {  	_ =	shalt  }
0x80: {  	_ =	shalt  }
0x81: {  	_ =	shalt  }
0x82: {  	_ =	shalt  }
0x83: {  	_ =	shalt  }
0x84: {  	_ =	shalt  }
0x85: {  	_ =	shalt  }
0x86: {  	_ =	shalt  }
0x87: {  	_ =	shalt  }
.Lfunc_end0:
.L_simem_size_0:
called_computation_lowered:
.L_overlay_start_0:
0x88: {  	s2 =	sld [smem:$0x3FD9]  }
0x89: {  	s3 =	sld [smem:$0x3FFE];
	_ =	sdelay $0x1  }
0x8a: {  	s1 =	srdreg.scid  }
0x8b: {  	s0 =	sand.u32 $0x1, s1  }
0x8c: {  	s17 =	sshll.u32 s0, $0xA;
	s2 =	sadd.s32 s3, s2  }
0x8d: {  	s2 =	sadd.s32 s2, s17  }
0x8e: {  	[smem:$0x3FC0] =	sst s2  }
0x8f: {  	_ = 	snop  }
0x90: {  	s2 =	sld [smem:$0x3FD0];
	(tm) =	ssettm $0x1  }
0x91: {  	s18 =	sld [smem:$0x3FFB];
	_ =	sdelay $0x3  }
0x92: {  	_ =	strace s18  }
0x93: {  	s3 =	sld [smem:$0x3FFC];
	_ =	sdelay $0x3  }
0x94: {  	_ =	strace s3  }
0x95: {  	s3 =	sld [smem:$0x3FFD];
	_ =	sdelay $0x3  }
0x96: {  	_ =	strace s3  }
0x97: {  	_ =	strace $0x8FFFFFFF  }
0x98: {  	s19 =	sld [smem:$0x3FDB];
	_ =	sdelay $0x1  }
0x99: {  	s4 =	simm.s32 $_scs_section_size  }
0x9a: {  	s5 =	simm.s32 $_size__tile_overlayer_lowered;
	s6 =	simm.s32 $_tile_overlayer_lowered  }
0x9b: {  	s22 =	simm.s32 $0x1BFF;
	s21 =	sshll.u32 s6, $0x1;
	s3 =	sadd.s32 s4, s19  }
0x9c: {  	s7 =	simm.s32 $0x0;
	s20 =	sshll.u32 s5, $0x1;
	s5 =	sadd.s32 s21, s3  }
0x9d: {  	[timem:s7], [sflag:s22] =	dma.local [hbm:s5], s20  }
0x9e: {  	_ =	swait.ge [sflag:s22], s20  }
0x9f: {  	s4 =	ssub.s32 $0x0, s20;
	[sflag:s22] =	ssyncset.done $0x0  }
0xa0: {  	[sflag:s22] =	ssyncadd.s32 s4;
	_ =	sdelay $0x1  }
0xa1: {  	s23 =	simm.s32 $0x1B8B  }
0xa2: {  	_ =	swait.ge [sflag:s23], $0x1  }
0xa3: {  	[sflag:s23] =	ssyncset.done $0x0  }
0xa4: {  	s25 =	simm.s32 $0x1B8E;
	s24 =	sld [smem:$0x3FFE];
	[sflag:s23] =	ssyncadd.s32 $0xFFFFFFFF  }
0xa5: {  	s26 =	simm.s32 $execute0_lowered;
	[smem:$0x3FD2] =	sst s25  }
0xa6: {  	s5 =	sshll.u32 s26, $0x1;
	_ =	strace $0x80000046;
	[dreg:$0x1] =	wrdreg $0xFFFFFFFF  }
0xa7: {  	s28 =	simm.s32 $_size_execute0_lowered;
	s3 =	sadd.s32 s3, s5;
	[dreg:$0x0] =	wrdreg $0x0  }
0xa8: {  	s5 =	sshll.u32 s28, $0x1;
	[dreg:$0x2] =	wrdreg s3  }
0xa9: {  	[dreg:$0x3] =	wrdreg s5  }
0xaa: {  	[dreg:$0x4] =	wrdreg $0xC0  }
0xab: {  	_ =	task [dreg:s7], $0x5FFFF  }
0xac: {  	[dreg:$0x1] =	wrdreg $0xFFFFFFFF  }
0xad: {  	[dreg:$0x0] =	wrdreg $0x60  }
0xae: {  	[dreg:$0x2] =	wrdreg s24  }
0xaf: {  	[dreg:$0x3] =	wrdreg s2  }
0xb0: {  	[dreg:$0x4] =	wrdreg $0x90000  }
0xb1: {  	[dreg:$0x5] =	wrdreg $0x138000  }
0xb2: {  	[dreg:$0x6] =	wrdreg $0x9  }
0xb3: {  	_ =	task.clear_ibuf [dreg:s7], $0x7FFFF;
	_ =	strace $0x90000046  }
0xb4: {  	s29 =	simm.s32 $0x9;
	_ =	strace $0x80000048  }
0xb5: {  	_ =	swait.ge [sflag:s29], $0x1  }
0xb6: {  	[sflag:s29] =	ssyncadd.s32 $0xFFFFFFFF  }
0xb7: {  	_ =	strace $0x90000048  }
0xb8: {  	_ =	sfence  }
0xb9: {  	s30 =	sld [smem:$0x0];
	_ =	sdelay $0x2  }
0xba: {  	s31 =	sshll.u32 s1, $0xD;
	s1 =	sshrl.u32 s1, $0x2  }
0xbb: {  	s3 =	sand.u32 $0x4000, s31;
	s1 =	sadd.s32 s1, s30  }
0xbc: {  	s0 =	sor.u32 s3, s0;
	s1 =	sshll.u32 s1, $0x11  }
0xbd: {  	s0 =	sor.u32 s1, s0  }
0xbe: {  	s0 =	sadd.s32 $0x8F2B, s0  }
0xbf: {  	[sflag:s0] =	ssyncadd.remote.s32 $0x1  }
0xc0: {  	_ =	sfence.sel $0xFFFF  }
0xc1: {  	[dreg:$0x0] =	wrdreg $0xFFFFFFFF;
	(pc) =	sbr.abs _section_cstart, $3  }
0xc2: {  	[dreg:$0x1] =	wrdreg $0xFFFFFFFF  }
0xc3: {  	_ =	task.clear_ibuf [dreg:s7], $0x2FFFF;
	_ =	strace $0x9FFFFFFF  }
0xc4: {  	(tm) =	ssettm $0x7FFFFFFF  }
0xc5: {  	_ =	shalt  }
tec
execute0_lowered:
.L_overlay_start_1:
0x0: {  	(tag) =	ssettag $0x1  }
0x1: {  	s0 =	rddreg [dreg:$0x0]  }
0x2: {  	s1 =	rddreg [dreg:$0x1];
	s3 =	srdreg.scid  }
0x3: {  	s16 =	stileid.u32;
	s2 =	rddreg [dreg:$0x2];
	s4 =	simm.s32 $0x0  }
0x4: {  	s29 =	simm.s32 $0x80;
	s30 =	simm.s32 $0x5000;
	s31 =	simm.s32 $0x7000  }
0x5: {  	s8 =	sand.u32 $0x1, s3;
	s9 =	smul.u32 $0x2800, s16;
	s3 =	rddreg [dreg:$0x3]  }
0x6: {  	s28 =	simm.s32 $0x0;
	[smem:$0x7FF] =	sst s4;
	s12 =	smul.u32 $0xA000, s16  }
0x7: {  	s7 =	sadd.s32 $0x37E00, s0;
	s14 =	sadd.s32 $0x38000, s0;
	s16 =	smul.u32 $0x280, s16  }
0x8: {  	s5 =	smul.u32 $0x28000, s8;
	_ =	strace $0x80000047;
	[dreg:$0x5] =	wrdreg s14  }
0x9: {  	s15 =	ssub.s32 $0x2, s8;
	p0 =	sne.s32 s8, $0x0;
	p1 =	seq.s32 s8, $0x0  }
0xa: {  	s11 =	sshrl.u32 s9, $0x3;
	s20 =	sshrl.u32 s12, $0x3;
	s21 =	sshrl.u32 s15, $0x1  }
0xb: {  	s23 =	sadd.s32 s12, s2;
	s24 =	sadd.s32 $0x80, s16;
	s25 =	sadd.s32 $0x100, s16  }
0xc: {  	s18 =	sadd.s32 $0x180, s16;
	s16 =	sadd.s32 $0x200, s16;
	s12 =	sshrl.u32 s12, $0x2  }
0xd: {  	s6 =	sadd.s32 s9, s5;
	s5 =	sadd.s32 $0x1800, s0;
	s13 =	sadd.s32 s11, s0  }
0xe: {  	s14 =	ssub.s32 s15, s21;
	[dreg:$0x8] =	wrdreg s23;
	s26 =	sshll.u32 s24, $0x6  }
0xf: {  	s17 =	sshll.u32 s25, $0x6;
	s19 =	sshll.u32 s18, $0x6;
	s1 =	sadd.s32 s1, s11  }
0x10: {  	s11 =	sshll.u32 s16, $0x6;
	s16 =	sshll.u32 s16, $0x4;
	s6 =	sshrl.u32 s6, $0x3  }
0x11: {  	s22 =	sadd.s32 $0x32A00, s13;
	s15 =	sadd.s32 s26, s2;
	s17 =	sadd.s32 s17, s2  }
0x12: {  	s19 =	sadd.s32 s19, s2;
	[dreg:$0x9] =	wrdreg s1;
	s1 =	sadd.s32 s11, s2  }
0x13: {  	s11 =	sadd.s32 s12, s3;
	s13 =	sshll.u32 s25, $0x4;
	s16 =	sadd.s32 s16, s3  }
0x14: {  	s23 =	smax.u32 s14, $0x1;
	s14 =	simm.s32 $0x5;
	s10 =	sadd.s32 s6, s0  }
0x15: {  	s6 =	sadd.s32 $0x37A00, s0;
	s0 =	sadd.s32 s20, s0;
	[dreg:$0x7] =	wrdreg s22  }
0x16: {  	s20 =	sshll.u32 s18, $0x4;
	[dreg:$0xc] =	wrdreg s23;
	s25 =	sshrl.u32 s17, $0x3  }
0x17: {  	s12 =	sadd.s32 s13, s3;
	s26 =	sshrl.u32 s19, $0x3;
	[dreg:$0xe] =	wrdreg s25  }
0x18: {  	s22 =	sadd.s32 s9, s3;
	s1 =	sshrl.u32 s1, $0x3;
	[dreg:$0xf] =	wrdreg s26  }
0x19: {  	s10 =	sadd.s32 $0x28A00, s10;
	s13 =	sadd.s32 s20, s3;
	[dreg:$0x10] =	wrdreg s1  }
0x1a: {  	s21 =	sadd.s32 $0x4C200, s0;
	s0 =	sadd.s32 $0x38200, s0;
	[dreg:$0x6] =	wrdreg s10  }
0x1b: {  	s1 =	sshrl.u32 @!p0 s11, $0x3;
	s26 =	simm.s32 $0x6;
	[dreg:$0xa] =	wrdreg s21  }
0x1c: {  	s10 =	sshll.u32 s24, $0x4;
	[dreg:$0xb] =	wrdreg s0;
	s24 =	sshrl.u32 s15, $0x3  }
.Ltmp0:
0x1d: {  	[dreg:$0x11] =	wrdreg s1;
	s23 =	sshrl.u32 @!p0 s13, $0x3;
	(pc) =	sbr.rel .LBB2_1-.Ltmp0, $4  }
0x1e: {  	s0 =	sshrl.u32 s22, $0x3;
	s10 =	sadd.s32 s10, s3;
	[dreg:$0xd] =	wrdreg s24  }
0x1f: {  	s24 =	sshrl.u32 @!p0 s16, $0x3;
	[dreg:$0x14] =	wrdreg s0;
	s1 =	sshrl.u32 @!p0 s10, $0x3  }
0x20: {  	s0 =	simm.s32 $0x3;
	[dreg:$0x12] =	wrdreg s1;
	s1 =	sshrl.u32 @!p0 s12, $0x3  }
0x21: {  	s12 =	simm.s32 $0x4;
	[dreg:$0x13] =	wrdreg s1;
	s1 =	simm.s32 $0x1  }
.LBB2_7:
0x22: {  	[bflag:$0x0] =	sbarrier.arrive $0xFFFF  }
0x23: {  	s8 =	rddreg [dreg:$0xa]  }
0x24: {  	[hbm:s8], [sflag:s25] =	dma.local [spmem:s13], $0x1400  }
0x25: {  	_ =	swait.ge [sflag:s26], $0x1400  }
0x26: {  	[sflag:s26] =	ssyncset.done $0x0  }
0x27: {  	[sflag:s26] =	ssyncadd.s32 $0xFFFFEC00  }
.LBB2_8:
0x28: {  	s28 =	sadd.s32 $0x1, s28;
	s8 =	rddreg [dreg:$0xc]  }
0x29: {  	p2 =	sne.s32 s28, s8  }
.Ltmp1:
0x2a: {  	_ = 	snop;
	(pc) =	sbr.rel @!p2 .LBB2_9-.Ltmp1, $1  }
0x2b: {  	_ =	sdelay $0x3  }
.LBB2_1:
0x2c: {  	s8 =	rddreg [dreg:$0x6]  }
0x2d: {  	[tilespmem:s4], [sflag:$0x6] =	stream.linear.gather [hbm4b:s8+s4], $0x2800, $0x38;
	[tilespmem:$0x16000] =	vst v63  }
0x2e: {  	_ =	swait.ge [sflag:s26], $0x2800  }
0x2f: {  	[sflag:s26] =	ssyncset.done $0x0  }
0x30: {  	s9 =	simm.s32 $0x2800;
	s15 =	rddreg [dreg:$0x7];
	[sflag:s26] =	ssyncadd.s32 $0xFFFFD800  }
0x31: {  	[tilespmem:s9], [sflag:$0x6] =	stream.linear.gather [hbm4b:s15+s4], $0x2800, $0x38;
	[tilespmem:$0x16000] =	vst v63  }
0x32: {  	s16 =	stileid.u32;
	_ =	swait.ge [sflag:s26], $0x2800  }
0x33: {  	s8 =	sshll.u32 s16, $0x6;
	[sflag:s26] =	ssyncset.done $0x0;
	s17 =	rddreg [dreg:$0x8]  }
0x34: {  	s25 =	sor.u32 $0x1C06, s8;
	[sflag:s26] =	ssyncadd.s32 $0xFFFFD800;
	s13 =	sshrl.u32 s17, $0x3  }
0x35: {  	[spmem:s13], [sflag:s25] =	dma.local [hbm:s6], $0x400  }
0x36: {  	_ =	swait.ge [sflag:s26], $0x400  }
0x37: {  	[sflag:s26] =	ssyncset.done $0x0  }
0x38: {  	s18 =	rddreg [dreg:$0xd];
	[sflag:s26] =	ssyncadd.s32 $0xFFFFFC00  }
0x39: {  	[spmem:s18], [sflag:s25] =	dma.local [hbm:s6], $0x400  }
0x3a: {  	_ =	swait.ge [sflag:s26], $0x400  }
0x3b: {  	[sflag:s26] =	ssyncset.done $0x0  }
0x3c: {  	s19 =	rddreg [dreg:$0xe];
	[sflag:s26] =	ssyncadd.s32 $0xFFFFFC00  }
0x3d: {  	[spmem:s19], [sflag:s25] =	dma.local [hbm:s6], $0x400  }
0x3e: {  	_ =	swait.ge [sflag:s26], $0x400  }
0x3f: {  	[sflag:s26] =	ssyncset.done $0x0  }
0x40: {  	s20 =	rddreg [dreg:$0xf];
	[sflag:s26] =	ssyncadd.s32 $0xFFFFFC00  }
0x41: {  	[spmem:s20], [sflag:s25] =	dma.local [hbm:s6], $0x400  }
0x42: {  	_ =	swait.ge [sflag:s26], $0x400  }
0x43: {  	[sflag:s26] =	ssyncset.done $0x0  }
0x44: {  	s21 =	rddreg [dreg:$0x10];
	[sflag:s26] =	ssyncadd.s32 $0xFFFFFC00  }
0x45: {  	[spmem:s21], [sflag:s25] =	dma.local [hbm:s6], $0x400  }
0x46: {  	_ =	swait.ge [sflag:s26], $0x400  }
0x47: {  	s8 =	simm.s32 @!p0 $0x13000;
	[sflag:s26] =	ssyncset.done $0x0  }
0x48: {  	s9 =	simm.s32 @!p0 $0x0;
	s10 =	rddreg [dreg:$0x5];
	[sflag:s26] =	ssyncadd.s32 $0xFFFFFC00  }
0x49: {  	[tilespmem:s8], [sflag:$0x6] =	stream.linear.gather @!p0 [hbm4b:s10+s9], $0x800, $0x38;
	[tilespmem:$0x16000] =	vst v63  }
0x4a: {  	s9 =	simm.s32 @!p0 $0x6  }
0x4b: {  	_ =	swait.ge @!p0 [sflag:s9], $0x800  }
0x4c: {  	[sflag:s9] =	ssyncset.done @!p0 $0x0  }
0x4d: {  	s10 =	rddreg [dreg:$0x11];
	[sflag:s9] =	ssyncadd.s32 @!p0 $0xFFFFF800  }
0x4e: {  	[spmem:s10], [sflag:s25] =	dma.local @!p0 [hbm:s7], $0x100  }
0x4f: {  	_ =	swait.ge @!p0 [sflag:s9], $0x100  }
0x50: {  	[sflag:s9] =	ssyncset.done @!p0 $0x0  }
0x51: {  	s10 =	rddreg [dreg:$0x12];
	[sflag:s9] =	ssyncadd.s32 @!p0 $0xFFFFFF00  }
0x52: {  	[spmem:s10], [sflag:s25] =	dma.local @!p0 [hbm:s7], $0x100  }
0x53: {  	_ =	swait.ge @!p0 [sflag:s9], $0x100  }
0x54: {  	[sflag:s9] =	ssyncset.done @!p0 $0x0  }
0x55: {  	s10 =	rddreg [dreg:$0x13];
	[sflag:s9] =	ssyncadd.s32 @!p0 $0xFFFFFF00  }
0x56: {  	[spmem:s10], [sflag:s25] =	dma.local @!p0 [hbm:s7], $0x100  }
0x57: {  	_ =	swait.ge @!p0 [sflag:s9], $0x100  }
0x58: {  	[sflag:s9] =	ssyncset.done @!p0 $0x0  }
0x59: {  	[sflag:s9] =	ssyncadd.s32 @!p0 $0xFFFFFF00  }
0x5a: {  	[spmem:s23], [sflag:s25] =	dma.local @!p0 [hbm:s7], $0x100  }
0x5b: {  	_ =	swait.ge @!p0 [sflag:s9], $0x100  }
0x5c: {  	[sflag:s9] =	ssyncset.done @!p0 $0x0  }
0x5d: {  	[sflag:s9] =	ssyncadd.s32 @!p0 $0xFFFFFF00  }
0x5e: {  	[spmem:s24], [sflag:s25] =	dma.local @!p0 [hbm:s7], $0x100  }
0x5f: {  	_ =	swait.ge @!p0 [sflag:s9], $0x100  }
0x60: {  	[sflag:s9] =	ssyncset.done @!p0 $0x0  }
0x61: {  	[sflag:s9] =	ssyncadd.s32 @!p0 $0xFFFFFF00  }
0x62: {  	[bflag:$0x0] =	sbarrier.arrive $0xFFFF  }
0x63: {  	[tilespmem:s30], [sflag:$0x1] =	stream.indirect.gather [hbm4b:s5+s29], $0x40, s4, s29, $0xb8;
	[tilespmem:$0x16000] =	vst v63  }
0x64: {  	_ = 	snop  }
0x65: {  	[tilespmem:s31], [sflag:$0x2] =	stream.indirect.gather [hbm4b:s5+s29], $0x40, s29, s29, $0xb8;
	[tilespmem:$0x16000] =	vst v63  }
0x66: {  	_ =	swait.ge [sflag:s1], $0x2000  }
0x67: {  	[sflag:s1] =	ssyncset.done $0x0  }
0x68: {  	s17 =	simm.s32 $0x2800;
	s9 =	simm.s32 @p0 $0x2;
	[sflag:s1] =	ssyncadd.s32 $0xFFFFE000  }
0x69: {  	[spmem:s2] =	stream.indirect.scatter.add.f32 [tilespmem:s30], [sflag:$0x3], $0x40, s17, s29, $0xb8;
	[tilespmem:$0x16000] =	vst v63  }
0x6a: {  	_ =	swait.ge @p0 [sflag:s9], $0x2000  }
0x6b: {  	s11 =	simm.s32 @p0 $0x80;
	[sflag:s9] =	ssyncset.done @p0 $0x0  }
0x6c: {  	s15 =	simm.s32 @p0 $0x2880;
	s10 =	simm.s32 @p0 $0x7000;
	[sflag:s9] =	ssyncadd.s32 @p0 $0xFFFFE000  }
0x6d: {  	[spmem:s2] =	stream.indirect.scatter.add.f32 @p0 [tilespmem:s10], [sflag:$0x4], $0x40, s15, s11, $0xb8;
	[tilespmem:$0x16000] =	vst v63  }
0x6e: {  	s16 =	simm.s32 @!p0 $0x2;
	s15 =	simm.s32 @!p0 $0x80  }
0x6f: {  	[spmem:s3] =	stream.indirect.scatter.add.f32 @!p0 [tilespmem:s8], [sflag:$0x5], $0x10, s17, s15, $0xb8;
	[tilespmem:$0x16000] =	vst v63  }
0x70: {  	_ =	swait.ge @!p0 [sflag:s16], $0x2000  }
0x71: {  	[sflag:s16] =	ssyncset.done @!p0 $0x0  }
0x72: {  	s18 =	simm.s32 @!p0 $0x2880;
	s17 =	simm.s32 @!p0 $0x7000;
	[sflag:s16] =	ssyncadd.s32 @!p0 $0xFFFFE000  }
0x73: {  	[spmem:s2] =	stream.indirect.scatter.add.f32 @!p0 [tilespmem:s17], [sflag:$0x4], $0x40, s18, s15, $0xb8;
	[tilespmem:$0x16000] =	vst v63  }
0x74: {  	_ = 	snop  }
0x75: {  	[spmem:s3] =	stream.indirect.scatter.add.f32 @!p0 [tilespmem:s8], [sflag:$0x5], $0x10, s18, s15, $0xb8;
	[tilespmem:$0x16000] =	vst v63  }
0x76: {  	_ =	swait.ge [sflag:s0], $0x2000  }
0x77: {  	[sflag:s0] =	ssyncset.done $0x0  }
0x78: {  	s22 =	simm.s32 $0x100;
	[sflag:s0] =	ssyncadd.s32 $0xFFFFE000  }
0x79: {  	[tilespmem:s30], [sflag:$0x1] =	stream.indirect.gather [hbm4b:s5+s29], $0x40, s22, s29, $0xb8;
	[tilespmem:$0x16000] =	vst v63  }
0x7a: {  	_ =	swait.ge [sflag:s12], $0x2000  }
0x7b: {  	[sflag:s12] =	ssyncset.done $0x0  }
0x7c: {  	s19 =	simm.s32 $0x180;
	s18 =	simm.s32 $0x400;
	[sflag:s12] =	ssyncadd.s32 $0xFFFFE000  }
.LBB2_2:
0x7d: {  	[tilespmem:s31], [sflag:$0x2] =	stream.indirect.gather [hbm4b:s5+s29], $0x40, s19, s29, $0xb8;
	[tilespmem:$0x16000] =	vst v63  }
0x7e: {  	s19 =	smov.u32 s18;
	s18 =	sadd.s32 $0x400, s18;
	_ =	swait.ge [sflag:s1], $0x2000  }
0x7f: {  	s20 =	sshra.s32 s19, $0x2;
	p2 =	sne.s32 s18, $0x9C00;
	[sflag:s1] =	ssyncset.done $0x0  }
0x80: {  	s21 =	sadd.s32 $0x2800, s20;
	[sflag:s1] =	ssyncadd.s32 $0xFFFFE000  }
0x81: {  	[spmem:s2] =	stream.indirect.scatter.add.f32 [tilespmem:s30], [sflag:$0x3], $0x40, s21, s29, $0xb8;
	[tilespmem:$0x16000] =	vst v63  }
0x82: {  	_ =	swait.ge @p0 [sflag:s9], $0x2000  }
0x83: {  	s22 =	sshra.s32 @p0 s19, $0x2;
	[sflag:s9] =	ssyncset.done @p0 $0x0  }
0x84: {  	s22 =	sadd.s32 @p0 $0x2880, s22;
	[sflag:s9] =	ssyncadd.s32 @p0 $0xFFFFE000  }
0x85: {  	[spmem:s2] =	stream.indirect.scatter.add.f32 @p0 [tilespmem:s10], [sflag:$0x4], $0x40, s22, s11, $0xb8;
	[tilespmem:$0x16000] =	vst v63  }
0x86: {  	_ = 	snop  }
0x87: {  	[spmem:s3] =	stream.indirect.scatter.add.f32 @!p0 [tilespmem:s8], [sflag:$0x5], $0x10, s21, s15, $0xb8;
	[tilespmem:$0x16000] =	vst v63  }
0x88: {  	_ =	swait.ge @!p0 [sflag:s16], $0x2000  }
0x89: {  	s19 =	sshra.s32 @!p0 s19, $0x2;
	[sflag:s16] =	ssyncset.done @!p0 $0x0  }
0x8a: {  	s19 =	sadd.s32 @!p0 $0x2880, s19;
	[sflag:s16] =	ssyncadd.s32 @!p0 $0xFFFFE000  }
0x8b: {  	[spmem:s2] =	stream.indirect.scatter.add.f32 @!p0 [tilespmem:s17], [sflag:$0x4], $0x40, s19, s15, $0xb8;
	[tilespmem:$0x16000] =	vst v63  }
0x8c: {  	_ = 	snop  }
0x8d: {  	[spmem:s3] =	stream.indirect.scatter.add.f32 @!p0 [tilespmem:s8], [sflag:$0x5], $0x10, s19, s15, $0xb8;
	[tilespmem:$0x16000] =	vst v63  }
0x8e: {  	_ =	swait.ge [sflag:s0], $0x2000  }
0x8f: {  	[sflag:s0] =	ssyncset.done $0x0  }
.Ltmp2:
0x90: {  	s19 =	sadd.s32 $0x100, s20;
	[sflag:s0] =	ssyncadd.s32 $0xFFFFE000;
	(pc) =	sbr.rel @p2 .LBB2_2-.Ltmp2, $4  }
0x91: {  	[tilespmem:s30], [sflag:$0x1] =	stream.indirect.gather [hbm4b:s5+s29], $0x40, s19, s29, $0xb8;
	[tilespmem:$0x16000] =	vst v63  }
0x92: {  	_ =	swait.ge [sflag:s12], $0x2000  }
0x93: {  	[sflag:s12] =	ssyncset.done $0x0  }
0x94: {  	s19 =	sadd.s32 $0x180, s20;
	[sflag:s12] =	ssyncadd.s32 $0xFFFFE000  }
0x95: {  	[tilespmem:s31], [sflag:$0x2] =	stream.indirect.gather [hbm4b:s5+s29], $0x40, s19, s29, $0xb8;
	[tilespmem:$0x16000] =	vst v63  }
0x96: {  	_ =	swait.ge [sflag:s1], $0x2000  }
0x97: {  	[sflag:s1] =	ssyncset.done $0x0  }
0x98: {  	s8 =	simm.s32 $0x4F00;
	[sflag:s1] =	ssyncadd.s32 $0xFFFFE000  }
0x99: {  	[spmem:s2] =	stream.indirect.scatter.add.f32 [tilespmem:s30], [sflag:$0x3], $0x40, s8, s29, $0xb8;
	[tilespmem:$0x16000] =	vst v63  }
0x9a: {  	s9 =	simm.s32 @p1 $0x4F00;
	s10 =	simm.s32 @p1 $0x13000;
	s8 =	simm.s32 @p1 $0x80  }
0x9b: {  	[spmem:s3] =	stream.indirect.scatter.add.f32 @p1 [tilespmem:s10], [sflag:$0x5], $0x10, s9, s8, $0xb8;
	[tilespmem:$0x16000] =	vst v63  }
0x9c: {  	s9 =	simm.s32 @p1 $0x2  }
0x9d: {  	_ =	swait.ge @p1 [sflag:s9], $0x2000  }
0x9e: {  	[sflag:s9] =	ssyncset.done @p1 $0x0  }
0x9f: {  	s11 =	simm.s32 @p1 $0x7000;
	[sflag:s9] =	ssyncadd.s32 @p1 $0xFFFFE000;
	s9 =	simm.s32 @p1 $0x4F80  }
0xa0: {  	[spmem:s2] =	stream.indirect.scatter.add.f32 @p1 [tilespmem:s11], [sflag:$0x4], $0x40, s9, s8, $0xb8;
	[tilespmem:$0x16000] =	vst v63  }
0xa1: {  	_ = 	snop  }
0xa2: {  	[spmem:s3] =	stream.indirect.scatter.add.f32 @p1 [tilespmem:s10], [sflag:$0x5], $0x10, s9, s8, $0xb8;
	[tilespmem:$0x16000] =	vst v63  }
0xa3: {  	s8 =	simm.s32 @!p1 $0x2  }
0xa4: {  	_ =	swait.ge @!p1 [sflag:s8], $0x2000  }
0xa5: {  	s9 =	simm.s32 @!p1 $0x4F80;
	[sflag:s8] =	ssyncset.done @!p1 $0x0  }
0xa6: {  	s10 =	simm.s32 @!p1 $0x7000;
	[sflag:s8] =	ssyncadd.s32 @!p1 $0xFFFFE000;
	s8 =	simm.s32 @!p1 $0x80  }
0xa7: {  	[spmem:s2] =	stream.indirect.scatter.add.f32 @!p1 [tilespmem:s10], [sflag:$0x4], $0x40, s9, s8, $0xb8;
	[tilespmem:$0x16000] =	vst v63  }
0xa8: {  	_ =	swait.ge [sflag:s0], $0x2000  }
.Ltmp3:
0xa9: {  	[sflag:s0] =	ssyncset.done $0x0;
	(pc) =	sbr.rel @p0 .LBB2_7-.Ltmp3, $4  }
0xaa: {  	[sflag:s0] =	ssyncadd.s32 $0xFFFFE000  }
0xab: {  	_ =	swait.ge [sflag:s12], $0x2000  }
0xac: {  	[sflag:s12] =	ssyncset.done $0x0  }
0xad: {  	s8 =	simm.s32 $0x50;
	[sflag:s12] =	ssyncadd.s32 $0xFFFFE000  }
0xae: {  	_ =	swait.ge [sflag:s14], $0x800  }
0xaf: {  	s8 =	sadd.s32 $0xFFFFFFFF, s8;
	[sflag:s14] =	ssyncset.done $0x0  }
.LBB2_5:
0xb0: {  	p2 =	sne.s32 s8, $0x1;
	s8 =	sadd.s32 $0xFFFFFFFF, s8;
	[sflag:s14] =	ssyncadd.s32 $0xFFFFF800  }
.Ltmp4:
0xb1: {  	(pc) =	sbr.rel @p2 .LBB2_5-.Ltmp4, $3  }
0xb2: {  	_ =	sdelay $0x1  }
0xb3: {  	_ =	swait.ge [sflag:s14], $0x800  }
0xb4: {  	[sflag:s14] =	ssyncset.done $0x0  }
0xb5: {  	[sflag:s14] =	ssyncadd.s32 $0xFFFFF800  }
0xb6: {  	[bflag:$0x0] =	sbarrier.arrive $0xFFFF  }
0xb7: {  	s8 =	rddreg [dreg:$0xb]  }
0xb8: {  	[hbm:s8], [sflag:s25] =	dma.local [spmem:s13], $0x1400  }
0xb9: {  	_ =	swait.ge [sflag:s26], $0x1400  }
0xba: {  	[sflag:s26] =	ssyncset.done $0x0;
	s22 =	rddreg [dreg:$0x9]  }
.Ltmp5:
0xbb: {  	s9 =	rddreg [dreg:$0x14];
	[sflag:s26] =	ssyncadd.s32 $0xFFFFEC00;
	(pc) =	sbr.rel .LBB2_8-.Ltmp5, $4  }
0xbc: {  	[hbm:s22], [sflag:s25] =	dma.local [spmem:s9], $0x500  }
0xbd: {  	_ =	swait.ge [sflag:s26], $0x500  }
0xbe: {  	[sflag:s26] =	ssyncset.done $0x0  }
0xbf: {  	[sflag:s26] =	ssyncadd.s32 $0xFFFFFB00  }
.LBB2_9:
0xc0: {  	_ =	sfence.sel $0x180000  }
0xc1: {  	[bflag:$0x0] =	sbarrier.arrive $0xFFFF  }
0xc2: {  	_ =	strace $0x90000047  }
0xc3: {  	s0 =	stileid.u32;
	[bflag:$0x2] =	sbarrier.arrive $0xFFFF  }
0xc4: {  	p0 =	sne.s32 s0, $0x0;
	s0 =	rddreg [dreg:$0x4]  }
0xc5: {  	s0 =	sadd.s32 @!p0 $0x100000, s0  }
0xc6: {  	[sflag:s0] =	ssyncadd.tile.s32 @!p0 $0x1;
	_ =	shalt  }
.Lfunc_end2:
_tile_overlayer_lowered:
.L_overlay_start_2:
0xc7: {  	(tag) =	ssettag $0x2  }
0xc8: {  	s0 =	rddreg [dreg:$0x0];
	s2 =	stileid.u32  }
0xc9: {  	s1 =	rddreg [dreg:$0x1];
	p0 =	sne.s32 s2, $0x0  }
0xca: {  	s3 =	rddreg [dreg:$0x2];
	[bflag:$0x3] =	sbarrier.arrive $0xFFFF;
	s2 =	simm.s32 @!p0 $0x1C06  }
0xcb: {  	[timem:s3], [sflag:s2] =	dma.local @!p0 [hbm:s0], s1  }
0xcc: {  	s0 =	simm.s32 @!p0 $0x6  }
0xcd: {  	_ =	swait.ge @!p0 [sflag:s0], s1  }
0xce: {  	s1 =	ssub.s32 @!p0 $0x0, s1;
	[sflag:s0] =	ssyncset.done @!p0 $0x0  }
0xcf: {  	[sflag:s0] =	ssyncadd.s32 @!p0 s1  }
0xd0: {  	[bflag:$0x3] =	sbarrier.arrive $0xFFFF  }
0xd1: {  	_ =	shalt  }

// kernel: kernel.9.cloned.1.call-start
scs
__scs_entry_jumppad:
0x0: {  	(pc) =	sbr.rel $0x88, $3  }
0x1: {  	(tag) =	ssettag $0x0;
	lr =	simm.s32 $0x1  }
0x2: {  	[smem:$0x3F99] =	sst lr;
	_ =	strace $0xD0000000  }
0x3: {  	_ = 	snop  }
0x4: {  	_ = 	snop  }
0x5: {  	_ = 	snop  }
0x6: {  	_ = 	snop  }
0x7: {  	_ = 	snop  }
__scs_overlays_trampoline_lowered:
0x8: {  	[smem:$0x3FA8] =	sst s0  }
0x9: {  	[smem:$0x3FA9] =	sst s1  }
0xa: {  	[smem:$0x3FAA] =	sst s2  }
0xb: {  	[smem:$0x3FAB] =	sst s3  }
0xc: {  	[smem:$0x3FAC] =	sst s4  }
0xd: {  	[smem:$0x3FAD] =	sst s5  }
0xe: {  	[smem:$0x3FAE] =	sst s6  }
0xf: {  	[smem:$0x3FAF] =	sst s7  }
0x10: {  	[smem:$0x3FB0] =	sst s8  }
0x11: {  	[smem:$0x3FB1] =	sst s9;
	s0 =	simm.s32 @!p0 $0x0  }
0x12: {  	s1 =	sld [smem:$0x3F97];
	s0 =	simm.s32 @p0 $0x1  }
0x13: {  	[smem:$0x3FB2] =	sst s0;
	s0 =	simm.s32 @!p1 $0x0  }
0x14: {  	s2 =	sld [smem:$0x3F96];
	s0 =	simm.s32 @p1 $0x1  }
0x15: {  	[smem:$0x3FB3] =	sst s0;
	s0 =	simm.s32 @!p2 $0x0  }
0x16: {  	s3 =	sld [smem:$0x3FDB];
	s0 =	simm.s32 @p2 $0x1  }
0x17: {  	s4 =	simm.s32 $0x1BF5;
	[smem:$0x3FB5] =	sst s0  }
0x18: {  	s0 =	sld [smem:$0x3F98];
	_ =	swait.ge [sflag:s4], $0x0  }
0x19: {  	s7 =	sld [smem:$0x3F99]  }
0x1a: {  	s8 =	sadd.s32 $0xFFFFE003, lr  }
0x1b: {  	s9 =	sadd.s32 $0xFFFFFEF7, lr;
	s5 =	simm.s32 $0xFFFFFFFF;
	p2 =	slt.u32 s8, $0xFFFFF086  }
0x1c: {  	p1 =	slt.u32 s9, $0xF7A;
	s5 =	simm.s32 @!p2 $0x0  }
0x1d: {  	s5 =	simm.s32 @p1 $0x1;
	p0 =	seq.s32 s7, s2  }
0x1e: {  	s7 =	smul.u32 @!p0 $0xF7A, s2;
	p2 =	seq.s32 @!p0 s5, $0x0  }
0x1f: {  	s9 =	smul.u32 $0xF7A, s1;
	s8 =	simm.s32 @!p0 $0x1BF5;
	p2 =	por !p2, p0  }
0x20: {  	[sflag:s8] =	ssyncset.s32 @!p0 $0xFFFFF086;
	s6 =	sadd.s32 @!p0 s3, s7;
	s7 =	simm.s32 @!p0 $0x108  }
0x21: {  	s3 =	sadd.s32 s3, s9;
	s6 =	sadd.s32 @!p0 $0x88, s6;
	s7 =	simm.s32 @p2 $0x1082  }
0x22: {  	[simem:s7], [sflag:s8] =	dma.local @!p0 [hbm:s6], $0xF7A  }
0x23: {  	s9 =	sor.u32 $0xD0000000, s2;
	s6 =	simm.s32 $0x108;
	_ =	swait.ge @!p0 [sflag:s8], $0x0  }
0x24: {  	s3 =	sadd.s32 $0x88, s3;
	s6 =	simm.s32 @!p1 $0x1082;
	[sflag:s4] =	ssyncset.s32 $0xFFFFF086  }
0x25: {  	[simem:s6], [sflag:s4] =	dma.local [hbm:s3], $0xF7A  }
0x26: {  	[smem:$0x3F99] =	sst s1;
	(tag) =	ssettag s2;
	_ =	strace s9  }
0x27: {  	s1 =	sld [smem:$0x3FA9]  }
0x28: {  	s2 =	sld [smem:$0x3FAA]  }
0x29: {  	s4 =	sld [smem:$0x3FAC]  }
0x2a: {  	p0 =	seq.s32 s5, $0x0;
	s5 =	sld [smem:$0x3FAD]  }
0x2b: {  	s6 =	sld [smem:$0x3FAE]  }
0x2c: {  	s7 =	sld [smem:$0x3FAF]  }
0x2d: {  	s3 =	simm.s32 $0x108;
	s8 =	sld [smem:$0x3FB0]  }
0x2e: {  	s3 =	simm.s32 @!p0 $0x1082;
	s9 =	sld [smem:$0x3FB1]  }
0x2f: {  	lr =	sadd.s32 s0, s3;
	s0 =	sld [smem:$0x3FA8]  }
0x30: {  	s3 =	sld [smem:$0x3FAB]  }
0x31: {  	[smem:$0x3FB4] =	sst s10  }
0x32: {  	s10 =	sld [smem:$0x3FB2];
	_ =	sdelay $0x3  }
0x33: {  	p0 =	seq.s32 s10, $0x1;
	s10 =	sld [smem:$0x3FB4];
	_ =	sdelay $0x3  }
0x34: {  	[smem:$0x3FB4] =	sst s10  }
0x35: {  	s10 =	sld [smem:$0x3FB3];
	_ =	sdelay $0x3  }
0x36: {  	p1 =	seq.s32 s10, $0x1;
	s10 =	sld [smem:$0x3FB4];
	_ =	sdelay $0x3  }
0x37: {  	[smem:$0x3FB4] =	sst s10  }
0x38: {  	s10 =	sld [smem:$0x3FB5]  }
0x39: {  	_ = 	snop;
	(pc) =	sbr.ind lr, $3  }
0x3a: {  	_ = 	snop  }
0x3b: {  	_ = 	snop  }
0x3c: {  	p2 =	seq.s32 s10, $0x1;
	s10 =	sld [smem:$0x3FB4]  }
0x3d: {  	_ =	shalt  }
0x3e: {  	_ =	shalt  }
0x3f: {  	_ =	shalt  }
0x40: {  	_ =	shalt  }
0x41: {  	_ =	shalt  }
0x42: {  	_ =	shalt  }
0x43: {  	_ =	shalt  }
0x44: {  	_ =	shalt  }
0x45: {  	_ =	shalt  }
0x46: {  	_ =	shalt  }
0x47: {  	_ =	shalt  }
0x48: {  	_ =	shalt  }
0x49: {  	_ =	shalt  }
0x4a: {  	_ =	shalt  }
0x4b: {  	_ =	shalt  }
0x4c: {  	_ =	shalt  }
0x4d: {  	_ =	shalt  }
0x4e: {  	_ =	shalt  }
0x4f: {  	_ =	shalt  }
0x50: {  	_ =	shalt  }
0x51: {  	_ =	shalt  }
0x52: {  	_ =	shalt  }
0x53: {  	_ =	shalt  }
0x54: {  	_ =	shalt  }
0x55: {  	_ =	shalt  }
0x56: {  	_ =	shalt  }
0x57: {  	_ =	shalt  }
0x58: {  	_ =	shalt  }
0x59: {  	_ =	shalt  }
0x5a: {  	_ =	shalt  }
0x5b: {  	_ =	shalt  }
0x5c: {  	_ =	shalt  }
0x5d: {  	_ =	shalt  }
0x5e: {  	_ =	shalt  }
0x5f: {  	_ =	shalt  }
0x60: {  	_ =	shalt  }
0x61: {  	_ =	shalt  }
0x62: {  	_ =	shalt  }
0x63: {  	_ =	shalt  }
0x64: {  	_ =	shalt  }
0x65: {  	_ =	shalt  }
0x66: {  	_ =	shalt  }
0x67: {  	_ =	shalt  }
0x68: {  	_ =	shalt  }
0x69: {  	_ =	shalt  }
0x6a: {  	_ =	shalt  }
0x6b: {  	_ =	shalt  }
0x6c: {  	_ =	shalt  }
0x6d: {  	_ =	shalt  }
0x6e: {  	_ =	shalt  }
0x6f: {  	_ =	shalt  }
0x70: {  	_ =	shalt  }
0x71: {  	_ =	shalt  }
0x72: {  	_ =	shalt  }
0x73: {  	_ =	shalt  }
0x74: {  	_ =	shalt  }
0x75: {  	_ =	shalt  }
0x76: {  	_ =	shalt  }
0x77: {  	_ =	shalt  }
0x78: {  	_ =	shalt  }
0x79: {  	_ =	shalt  }
0x7a: {  	_ =	shalt  }
0x7b: {  	_ =	shalt  }
0x7c: {  	_ =	shalt  }
0x7d: {  	_ =	shalt  }
0x7e: {  	_ =	shalt  }
0x7f: {  	_ =	shalt  }
0x80: {  	_ =	shalt  }
0x81: {  	_ =	shalt  }
0x82: {  	_ =	shalt  }
0x83: {  	_ =	shalt  }
0x84: {  	_ =	shalt  }
0x85: {  	_ =	shalt  }
0x86: {  	_ =	shalt  }
0x87: {  	_ =	shalt  }
.Lfunc_end0:
.L_simem_size_0:
called_computation.1_lowered:
.L_overlay_start_0:
0x88: {  	s2 =	sld [smem:$0x3FD9]  }
0x89: {  	s3 =	sld [smem:$0x3FFE];
	_ =	sdelay $0x1  }
0x8a: {  	s1 =	srdreg.scid  }
0x8b: {  	s0 =	sand.u32 $0x1, s1  }
0x8c: {  	s17 =	sshll.u32 s0, $0xA;
	s2 =	sadd.s32 s3, s2  }
0x8d: {  	s2 =	sadd.s32 s2, s17  }
0x8e: {  	[smem:$0x3FC0] =	sst s2  }
0x8f: {  	_ = 	snop  }
0x90: {  	s2 =	sld [smem:$0x3FD0];
	(tm) =	ssettm $0x1  }
0x91: {  	s18 =	sld [smem:$0x3FFB];
	_ =	sdelay $0x3  }
0x92: {  	_ =	strace s18  }
0x93: {  	s3 =	sld [smem:$0x3FFC];
	_ =	sdelay $0x3  }
0x94: {  	_ =	strace s3  }
0x95: {  	s3 =	sld [smem:$0x3FFD];
	_ =	sdelay $0x3  }
0x96: {  	_ =	strace s3  }
0x97: {  	_ =	strace $0x8FFFFFFF  }
0x98: {  	s19 =	sld [smem:$0x3FDB];
	_ =	sdelay $0x1  }
0x99: {  	s4 =	simm.s32 $_scs_section_size  }
0x9a: {  	s5 =	simm.s32 $_size__tile_overlayer_lowered;
	s6 =	simm.s32 $_tile_overlayer_lowered  }
0x9b: {  	s22 =	simm.s32 $0x1BFF;
	s21 =	sshll.u32 s6, $0x1;
	s3 =	sadd.s32 s4, s19  }
0x9c: {  	s7 =	simm.s32 $0x0;
	s20 =	sshll.u32 s5, $0x1;
	s5 =	sadd.s32 s21, s3  }
0x9d: {  	[timem:s7], [sflag:s22] =	dma.local [hbm:s5], s20  }
0x9e: {  	_ =	swait.ge [sflag:s22], s20  }
0x9f: {  	s4 =	ssub.s32 $0x0, s20;
	[sflag:s22] =	ssyncset.done $0x0  }
0xa0: {  	[sflag:s22] =	ssyncadd.s32 s4;
	_ =	sdelay $0x1  }
0xa1: {  	s23 =	simm.s32 $0x1B8B  }
0xa2: {  	_ =	swait.ge [sflag:s23], $0x1  }
0xa3: {  	[sflag:s23] =	ssyncset.done $0x0  }
0xa4: {  	s25 =	simm.s32 $0x1B8E;
	s24 =	sld [smem:$0x3FFE];
	[sflag:s23] =	ssyncadd.s32 $0xFFFFFFFF  }
0xa5: {  	s26 =	simm.s32 $execute0_lowered;
	[smem:$0x3FD2] =	sst s25  }
0xa6: {  	s5 =	sshll.u32 s26, $0x1;
	_ =	strace $0x80000049;
	[dreg:$0x1] =	wrdreg $0xFFFFFFFF  }
0xa7: {  	s28 =	simm.s32 $_size_execute0_lowered;
	s3 =	sadd.s32 s3, s5;
	[dreg:$0x0] =	wrdreg $0x0  }
0xa8: {  	s5 =	sshll.u32 s28, $0x1;
	[dreg:$0x2] =	wrdreg s3  }
0xa9: {  	[dreg:$0x3] =	wrdreg s5  }
0xaa: {  	[dreg:$0x4] =	wrdreg $0xC0  }
0xab: {  	_ =	task [dreg:s7], $0x5FFFF  }
0xac: {  	[dreg:$0x1] =	wrdreg $0xFFFFFFFF  }
0xad: {  	[dreg:$0x0] =	wrdreg $0x60  }
0xae: {  	[dreg:$0x2] =	wrdreg s2  }
0xaf: {  	[dreg:$0x3] =	wrdreg s24  }
0xb0: {  	[dreg:$0x4] =	wrdreg $0x78000  }
0xb1: {  	[dreg:$0x5] =	wrdreg $0x9  }
0xb2: {  	_ =	task.clear_ibuf [dreg:s7], $0x6FFFF;
	_ =	strace $0x90000049  }
0xb3: {  	s29 =	simm.s32 $0x9;
	_ =	strace $0x8000004B  }
0xb4: {  	_ =	swait.ge [sflag:s29], $0x1  }
0xb5: {  	[sflag:s29] =	ssyncadd.s32 $0xFFFFFFFF  }
0xb6: {  	_ =	strace $0x9000004B  }
0xb7: {  	_ =	sfence  }
0xb8: {  	s30 =	sld [smem:$0x0];
	_ =	sdelay $0x2  }
0xb9: {  	s31 =	sshll.u32 s1, $0xD;
	s1 =	sshrl.u32 s1, $0x2  }
0xba: {  	s3 =	sand.u32 $0x4000, s31;
	s1 =	sadd.s32 s1, s30  }
0xbb: {  	s0 =	sor.u32 s3, s0;
	s1 =	sshll.u32 s1, $0x11  }
0xbc: {  	s0 =	sor.u32 s1, s0  }
0xbd: {  	s0 =	sadd.s32 $0x8F2B, s0  }
0xbe: {  	[sflag:s0] =	ssyncadd.remote.s32 $0x1  }
0xbf: {  	_ =	sfence.sel $0xFFFF  }
0xc0: {  	[dreg:$0x0] =	wrdreg $0xFFFFFFFF;
	(pc) =	sbr.abs _section_cstart, $3  }
0xc1: {  	[dreg:$0x1] =	wrdreg $0xFFFFFFFF  }
0xc2: {  	_ =	task.clear_ibuf [dreg:s7], $0x2FFFF;
	_ =	strace $0x9FFFFFFF  }
0xc3: {  	(tm) =	ssettm $0x7FFFFFFF  }
tec
execute0_lowered:
.L_overlay_start_1:
0x0: {  	(tag) =	ssettag $0x1  }
0x1: {  	s0 =	rddreg [dreg:$0x0]  }
0x2: {  	s2 =	rddreg [dreg:$0x1]  }
0x3: {  	s1 =	rddreg [dreg:$0x2];
	s3 =	simm.s32 $0x0  }
0x4: {  	s4 =	srdreg.scid;
	s20 =	stileid.u32;
	s30 =	simm.s32 $0x5  }
0x5: {  	s31 =	simm.s32 $0x5000;
	[smem:$0x7FF] =	sst s3;
	s8 =	smul.u32 $0x280, s20  }
0x6: {  	s4 =	sand.u32 $0x1, s4;
	s6 =	sadd.s32 $0x1800, s2;
	s11 =	smul.u32 $0xA000, s20  }
0x7: {  	s9 =	sadd.s32 $0x15800, s2;
	s12 =	sadd.s32 $0x37A00, s2;
	s14 =	smul.u32 $0x500, s20  }
0x8: {  	s5 =	smul.u32 $0x28000, s4;
	s7 =	ssub.s32 $0x2, s4;
	s4 =	sshll.u32 s4, $0x5  }
0x9: {  	s10 =	sshrl.u32 s7, $0x1;
	s13 =	sadd.s32 $0x100, s8;
	s11 =	sor.u32 s4, s11  }
0xa: {  	s15 =	sadd.s32 $0x180, s8;
	s14 =	sadd.s32 s9, s14;
	s7 =	ssub.s32 s7, s10  }
0xb: {  	s10 =	sadd.s32 $0x80, s8;
	s11 =	sshrl.u32 s11, $0x3;
	s8 =	sadd.s32 $0x200, s8  }
0xc: {  	[dreg:$0x5] =	wrdreg s14;
	s26 =	sshll.u32 s13, $0x6;
	s18 =	sshll.u32 s15, $0x1  }
0xd: {  	s16 =	sadd.s32 s6, s11;
	s23 =	sshll.u32 s10, $0x6;
	s11 =	sadd.s32 s12, s11  }
0xe: {  	s25 =	sshll.u32 s10, $0x1;
	s19 =	sshll.u32 s8, $0x6;
	s21 =	sshll.u32 s8, $0x1  }
0xf: {  	s22 =	sadd.s32 s9, s18;
	s29 =	smax.u32 s7, $0x1;
	[dreg:$0x4] =	wrdreg s16  }
0x10: {  	s7 =	simm.s32 $0x4;
	[dreg:$0x6] =	wrdreg s11;
	s24 =	sor.u32 s4, s23  }
0x11: {  	s14 =	sadd.s32 s9, s25;
	s16 =	sor.u32 s4, s26;
	s25 =	sshll.u32 s13, $0x1  }
0x12: {  	[dreg:$0xb] =	wrdreg s22;
	s13 =	sshll.u32 s13, $0x5;
	s11 =	sshrl.u32 s24, $0x3  }
0x13: {  	[dreg:$0x8] =	wrdreg s14;
	s24 =	sshll.u32 s15, $0x6;
	s14 =	sshll.u32 s15, $0x5  }
0x14: {  	s15 =	sshll.u32 s8, $0x5;
	s8 =	simm.s32 $0x20;
	s17 =	sadd.s32 s6, s11  }
0x15: {  	s11 =	sadd.s32 s12, s11;
	s26 =	sor.u32 s4, s24;
	s4 =	sor.u32 s4, s19  }
0x16: {  	s28 =	sadd.s32 s15, s1;
	s15 =	simm.s32 $0x80;
	[dreg:$0x7] =	wrdreg s17  }
0x17: {  	[dreg:$0x9] =	wrdreg s11;
	s17 =	sshrl.u32 s16, $0x3;
	s16 =	sadd.s32 s9, s25  }
0x18: {  	s9 =	sadd.s32 s9, s21;
	s25 =	sshrl.u32 s26, $0x3;
	[dreg:$0xa] =	wrdreg s16  }
0x19: {  	s4 =	sshrl.u32 s4, $0x3;
	s26 =	smul.u32 $0x2800, s20;
	[dreg:$0xc] =	wrdreg s9  }
0x1a: {  	s23 =	sadd.s32 s6, s17;
	s24 =	sadd.s32 s12, s17;
	s16 =	sadd.s32 s6, s25  }
0x1b: {  	s17 =	sadd.s32 s12, s25;
	s18 =	sadd.s32 s6, s4;
	s19 =	sadd.s32 s12, s4  }
0x1c: {  	s9 =	smul.u32 $0x14000, s20;
	s20 =	sadd.s32 $0x1A800, s2;
	s12 =	sshll.u32 s10, $0x5  }
0x1d: {  	s25 =	sadd.s32 s13, s1;
	s10 =	simm.s32 $0x0;
	[dreg:$0xd] =	wrdreg s23  }
0x1e: {  	[dreg:$0xe] =	wrdreg s24;
	s5 =	sadd.s32 s26, s5;
	s6 =	sshrl.u32 s26, $0x3  }
0x1f: {  	s24 =	sadd.s32 s12, s1;
	s26 =	sadd.s32 s14, s1;
	_ =	strace $0x8000004A  }
0x20: {  	s4 =	sshrl.u32 s5, $0x3;
	s5 =	sadd.s32 s6, s2;
	s11 =	sshrl.u32 s9, $0x2  }
0x21: {  	s6 =	simm.s32 $0x3;
	s9 =	simm.s32 $0x40;
	s4 =	sadd.s32 s4, s2  }
0x22: {  	s22 =	sadd.s32 $0x32A00, s5;
	s23 =	sadd.s32 s11, s1;
	s2 =	simm.s32 $0x6000  }
0x23: {  	s5 =	simm.s32 $0x2;
	s21 =	sadd.s32 $0x28A00, s4;
	s4 =	simm.s32 $0x1  }
.LBB2_1:
0x24: {  	[tilespmem:s3], [sflag:$0x5] =	stream.linear.gather [hbm4b:s21+s3], $0x2800, $0x38;
	[tilespmem:$0xC800] =	vst v63  }
0x25: {  	_ =	swait.ge [sflag:s30], $0x2800  }
0x26: {  	[sflag:s30] =	ssyncset.done $0x0  }
0x27: {  	s11 =	simm.s32 $0x2800;
	[sflag:s30] =	ssyncadd.s32 $0xFFFFD800  }
0x28: {  	[tilespmem:s11], [sflag:$0x5] =	stream.linear.gather [hbm4b:s22+s3], $0x2800, $0x38;
	[tilespmem:$0xC800] =	vst v63  }
0x29: {  	s12 =	stileid.u32;
	_ =	swait.ge [sflag:s30], $0x2800  }
0x2a: {  	s11 =	sshll.u32 s12, $0x6;
	[sflag:s30] =	ssyncset.done $0x0  }
0x2b: {  	s12 =	sshrl.u32 s23, $0x3;
	s11 =	sor.u32 $0x1C05, s11;
	[sflag:s30] =	ssyncadd.s32 $0xFFFFD800  }
0x2c: {  	[spmem:s12], [sflag:s11] =	dma.local [hbm:s20], $0x200  }
0x2d: {  	_ =	swait.ge [sflag:s30], $0x200  }
0x2e: {  	[sflag:s30] =	ssyncset.done $0x0  }
0x2f: {  	s13 =	sshrl.u32 s24, $0x3;
	[sflag:s30] =	ssyncadd.s32 $0xFFFFFE00  }
0x30: {  	[spmem:s13], [sflag:s11] =	dma.local [hbm:s20], $0x200  }
0x31: {  	_ =	swait.ge [sflag:s30], $0x200  }
0x32: {  	[sflag:s30] =	ssyncset.done $0x0  }
0x33: {  	s14 =	sshrl.u32 s25, $0x3;
	[sflag:s30] =	ssyncadd.s32 $0xFFFFFE00  }
0x34: {  	[spmem:s14], [sflag:s11] =	dma.local [hbm:s20], $0x200  }
0x35: {  	_ =	swait.ge [sflag:s30], $0x200  }
0x36: {  	[sflag:s30] =	ssyncset.done $0x0  }
0x37: {  	s13 =	sshrl.u32 s26, $0x3;
	[sflag:s30] =	ssyncadd.s32 $0xFFFFFE00  }
0x38: {  	[spmem:s13], [sflag:s11] =	dma.local [hbm:s20], $0x200  }
0x39: {  	_ =	swait.ge [sflag:s30], $0x200  }
0x3a: {  	[sflag:s30] =	ssyncset.done $0x0  }
0x3b: {  	s14 =	sshrl.u32 s28, $0x3;
	[sflag:s30] =	ssyncadd.s32 $0xFFFFFE00  }
0x3c: {  	[spmem:s14], [sflag:s11] =	dma.local [hbm:s20], $0x200  }
0x3d: {  	_ =	swait.ge [sflag:s30], $0x200  }
0x3e: {  	[sflag:s30] =	ssyncset.done $0x0  }
0x3f: {  	[sflag:s30] =	ssyncadd.s32 $0xFFFFFE00  }
0x40: {  	[bflag:$0x0] =	sbarrier.arrive $0xFFFF  }
0x41: {  	[tilespmem:s31], [sflag:$0x1] =	stream.indirect.gather [hbm4b:s0+s15], $0x20, s3, s15, $0xb8;
	[tilespmem:$0xC800] =	vst v63  }
0x42: {  	_ = 	snop  }
0x43: {  	[tilespmem:s2], [sflag:$0x2] =	stream.indirect.gather [hbm4b:s0+s15], $0x20, s15, s15, $0xb8;
	[tilespmem:$0xC800] =	vst v63  }
0x44: {  	_ =	swait.ge [sflag:s4], $0x1000  }
0x45: {  	[sflag:s4] =	ssyncset.done $0x0  }
0x46: {  	s12 =	simm.s32 $0x2800;
	[sflag:s4] =	ssyncadd.s32 $0xFFFFF000  }
0x47: {  	[spmem:s1] =	stream.indirect.scatter.add.f32 [tilespmem:s31], [sflag:$0x3], $0x20, s12, s15, $0xb8;
	[tilespmem:$0xC800] =	vst v63  }
0x48: {  	_ =	swait.ge [sflag:s5], $0x1000  }
0x49: {  	[sflag:s5] =	ssyncset.done $0x0  }
0x4a: {  	s13 =	simm.s32 $0x2880;
	[sflag:s5] =	ssyncadd.s32 $0xFFFFF000  }
0x4b: {  	[spmem:s1] =	stream.indirect.scatter.add.f32 [tilespmem:s2], [sflag:$0x4], $0x20, s13, s15, $0xb8;
	[tilespmem:$0xC800] =	vst v63  }
0x4c: {  	_ =	swait.ge [sflag:s6], $0x1000  }
0x4d: {  	[sflag:s6] =	ssyncset.done $0x0  }
0x4e: {  	s14 =	simm.s32 $0x100;
	[sflag:s6] =	ssyncadd.s32 $0xFFFFF000  }
0x4f: {  	[tilespmem:s31], [sflag:$0x1] =	stream.indirect.gather [hbm4b:s0+s15], $0x20, s14, s15, $0xb8;
	[tilespmem:$0xC800] =	vst v63  }
0x50: {  	_ =	swait.ge [sflag:s7], $0x1000  }
0x51: {  	[sflag:s7] =	ssyncset.done $0x0  }
0x52: {  	s11 =	simm.s32 $0x400;
	s12 =	simm.s32 $0x180;
	[sflag:s7] =	ssyncadd.s32 $0xFFFFF000  }
.LBB2_2:
0x53: {  	[tilespmem:s2], [sflag:$0x2] =	stream.indirect.gather [hbm4b:s0+s15], $0x20, s12, s15, $0xb8;
	[tilespmem:$0xC800] =	vst v63  }
0x54: {  	s12 =	smov.u32 s11  }
0x55: {  	p0 =	sne.s32 s11, $0x9800;
	s11 =	sadd.s32 $0x400, s11;
	_ =	swait.ge [sflag:s4], $0x1000  }
0x56: {  	s12 =	sshra.s32 s12, $0x2;
	[sflag:s4] =	ssyncset.done $0x0  }
0x57: {  	s13 =	sadd.s32 $0x2800, s12;
	[sflag:s4] =	ssyncadd.s32 $0xFFFFF000  }
0x58: {  	[spmem:s1] =	stream.indirect.scatter.add.f32 [tilespmem:s31], [sflag:$0x3], $0x20, s13, s15, $0xb8;
	[tilespmem:$0xC800] =	vst v63  }
0x59: {  	_ =	swait.ge [sflag:s5], $0x1000  }
0x5a: {  	[sflag:s5] =	ssyncset.done $0x0  }
0x5b: {  	s13 =	sadd.s32 $0x2880, s12;
	[sflag:s5] =	ssyncadd.s32 $0xFFFFF000  }
0x5c: {  	[spmem:s1] =	stream.indirect.scatter.add.f32 [tilespmem:s2], [sflag:$0x4], $0x20, s13, s15, $0xb8;
	[tilespmem:$0xC800] =	vst v63  }
0x5d: {  	_ =	swait.ge [sflag:s6], $0x1000  }
0x5e: {  	[sflag:s6] =	ssyncset.done $0x0  }
.Ltmp0:
0x5f: {  	s13 =	sadd.s32 $0x100, s12;
	[sflag:s6] =	ssyncadd.s32 $0xFFFFF000;
	(pc) =	sbr.rel @p0 .LBB2_2-.Ltmp0, $4  }
0x60: {  	[tilespmem:s31], [sflag:$0x1] =	stream.indirect.gather [hbm4b:s0+s15], $0x20, s13, s15, $0xb8;
	[tilespmem:$0xC800] =	vst v63  }
0x61: {  	_ =	swait.ge [sflag:s7], $0x1000  }
0x62: {  	[sflag:s7] =	ssyncset.done $0x0  }
0x63: {  	s12 =	sadd.s32 $0x180, s12;
	[sflag:s7] =	ssyncadd.s32 $0xFFFFF000  }
0x64: {  	[tilespmem:s2], [sflag:$0x2] =	stream.indirect.gather [hbm4b:s0+s15], $0x20, s12, s15, $0xb8;
	[tilespmem:$0xC800] =	vst v63  }
0x65: {  	_ =	swait.ge [sflag:s4], $0x1000  }
0x66: {  	[sflag:s4] =	ssyncset.done $0x0  }
0x67: {  	s11 =	simm.s32 $0x4F00;
	[sflag:s4] =	ssyncadd.s32 $0xFFFFF000  }
0x68: {  	[spmem:s1] =	stream.indirect.scatter.add.f32 [tilespmem:s31], [sflag:$0x3], $0x20, s11, s15, $0xb8;
	[tilespmem:$0xC800] =	vst v63  }
0x69: {  	_ =	swait.ge [sflag:s5], $0x1000  }
0x6a: {  	[sflag:s5] =	ssyncset.done $0x0  }
0x6b: {  	s12 =	simm.s32 $0x4F80;
	[sflag:s5] =	ssyncadd.s32 $0xFFFFF000  }
0x6c: {  	[spmem:s1] =	stream.indirect.scatter.add.f32 [tilespmem:s2], [sflag:$0x4], $0x20, s12, s15, $0xb8;
	[tilespmem:$0xC800] =	vst v63  }
0x6d: {  	_ =	swait.ge [sflag:s6], $0x1000  }
0x6e: {  	[sflag:s6] =	ssyncset.done $0x0  }
0x6f: {  	[sflag:s6] =	ssyncadd.s32 $0xFFFFF000  }
0x70: {  	_ =	swait.ge [sflag:s7], $0x1000  }
0x71: {  	[sflag:s7] =	ssyncset.done $0x0  }
0x72: {  	[sflag:s7] =	ssyncadd.s32 $0xFFFFF000  }
0x73: {  	[bflag:$0x0] =	sbarrier.arrive $0xFFFF  }
0x74: {  	[tilespmem:s31], [sflag:$0x5] =	stream.linear.gather [spmem:s23], $0x1000, $0x38;
	[tilespmem:$0xC800] =	vst v63  }
0x75: {  	_ =	swait.ge [sflag:s30], $0x1000  }
0x76: {  	[sflag:s30] =	ssyncset.done $0x0  }
0x77: {  	s13 =	rddreg [dreg:$0x4];
	[sflag:s30] =	ssyncadd.s32 $0xFFFFF000  }
0x78: {  	[tilespmem:s2], [sflag:$0x5] =	stream.strided.gather [hbm4b:s13+s8], $0x1000, s9, s8, $0x38;
	[tilespmem:$0xC800] =	vst v63  }
0x79: {  	_ =	swait.ge [sflag:s30], $0x1000  }
0x7a: {  	s14 =	simm.s32 $0x0;
	[sflag:s30] =	ssyncset.done $0x0  }
0x7b: {  	s12 =	simm.s32 $0x7000;
	s13 =	rddreg [dreg:$0x5];
	[sflag:s30] =	ssyncadd.s32 $0xFFFFF000  }
0x7c: {  	[tilespmem:s12], [sflag:$0x5] =	stream.linear.gather [hbm4b:s13+s14], $0x800, $0x38;
	[tilespmem:$0xC800] =	vst v63  }
0x7d: {  	_ =	swait.ge [sflag:s30], $0x800  }
0x7e: {  	[sflag:s30] =	ssyncset.done $0x0  }
0x7f: {  	s11 =	simm.s32 $0x0;
	[sflag:s30] =	ssyncadd.s32 $0xFFFFF800  }
0x80: {  	v0 =	vld [tilespmem:s11+$0x5000]  }
0x81: {  	s13 =	simm.s32 $0x80;
	v1 =	vld.msk [tilespmem:s12+$0x0 ss:$0x0], $0xffff  }
.LBB2_4:
0x82: {  	p0 =	sne.s32 s13, $0x3F80;
	v2 =	vld [tilespmem:s11+$0x5010]  }
0x83: {  	v3 =	vld [tilespmem:s11+$0x6010]  }
0x84: {  	v4 =	vld [tilespmem:s11+$0x6000];
	_ =	sdelay $0x2  }
0x85: {  	v0 =	vmul.f32 v1, v0;
	v1 =	vmul.f32 v2, v1;
	_ =	sdelay $0x1  }
.Ltmp1:
0x86: {  	v0 =	vadd.f32 v4, v0;
	v1 =	vadd.f32 v3, v1;
	(pc) =	sbr.rel @p0 .LBB2_4-.Ltmp1, $4  }
0x87: {  	_ = 	snop  }
0x88: {  	s14 =	sshra.s32 s13, $0x2;
	[tilespmem:s11+$0x6000] =	vst v0  }
0x89: {  	s12 =	sadd.s32 $0x10, s12;
	v0 =	vld [tilespmem:s14+$0x5000];
	[tilespmem:s11+$0x6010] =	vst v1;
	s11 =	smov.u32 s14  }
0x8a: {  	s13 =	sadd.s32 $0x80, s13;
	v1 =	vld.msk [tilespmem:s12+$0x0 ss:$0x0], $0xffff  }
0x8b: {  	v2 =	vld [tilespmem:s11+$0x5010]  }
0x8c: {  	v3 =	vld [tilespmem:s11+$0x6000]  }
0x8d: {  	v4 =	vld [tilespmem:s11+$0x6010];
	_ =	sdelay $0x1  }
0x8e: {  	v0 =	vmul.f32 v1, v0  }
0x8f: {  	v1 =	vmul.f32 v2, v1  }
0x90: {  	v0 =	vadd.f32 v3, v0  }
0x91: {  	v1 =	vadd.f32 v4, v1  }
0x92: {  	[tilespmem:s11+$0x6000] =	vst v0  }
0x93: {  	s12 =	rddreg [dreg:$0x6];
	[tilespmem:s11+$0x6010] =	vst v1  }
0x94: {  	[hbm4b:s12+s8] =	stream.strided.scatter [tilespmem:s2], [sflag:$0x5], $0x1000, s9, s8, $0x38;
	[tilespmem:$0xC800] =	vst v63  }
0x95: {  	_ =	swait.ge [sflag:s30], $0x1000  }
0x96: {  	[sflag:s30] =	ssyncset.done $0x0  }
0x97: {  	[sflag:s30] =	ssyncadd.s32 $0xFFFFF000  }
0x98: {  	[tilespmem:s31], [sflag:$0x5] =	stream.linear.gather [spmem:s24], $0x1000, $0x38;
	[tilespmem:$0xC800] =	vst v63  }
0x99: {  	_ =	swait.ge [sflag:s30], $0x1000  }
0x9a: {  	[sflag:s30] =	ssyncset.done $0x0  }
0x9b: {  	s13 =	rddreg [dreg:$0x7];
	[sflag:s30] =	ssyncadd.s32 $0xFFFFF000  }
0x9c: {  	[tilespmem:s2], [sflag:$0x5] =	stream.strided.gather [hbm4b:s13+s8], $0x1000, s9, s8, $0x38;
	[tilespmem:$0xC800] =	vst v63  }
0x9d: {  	_ =	swait.ge [sflag:s30], $0x1000  }
0x9e: {  	s14 =	simm.s32 $0x0;
	[sflag:s30] =	ssyncset.done $0x0  }
0x9f: {  	s12 =	simm.s32 $0x7000;
	s13 =	rddreg [dreg:$0x8];
	[sflag:s30] =	ssyncadd.s32 $0xFFFFF000  }
0xa0: {  	[tilespmem:s12], [sflag:$0x5] =	stream.linear.gather [hbm4b:s13+s14], $0x800, $0x38;
	[tilespmem:$0xC800] =	vst v63  }
0xa1: {  	_ =	swait.ge [sflag:s30], $0x800  }
0xa2: {  	[sflag:s30] =	ssyncset.done $0x0  }
0xa3: {  	s11 =	simm.s32 $0x0;
	[sflag:s30] =	ssyncadd.s32 $0xFFFFF800  }
0xa4: {  	v0 =	vld [tilespmem:s11+$0x5000]  }
0xa5: {  	s13 =	simm.s32 $0x80;
	v1 =	vld.msk [tilespmem:s12+$0x0 ss:$0x0], $0xffff  }
.LBB2_6:
0xa6: {  	p0 =	sne.s32 s13, $0x3F80;
	v2 =	vld [tilespmem:s11+$0x5010]  }
0xa7: {  	v3 =	vld [tilespmem:s11+$0x6010]  }
0xa8: {  	v4 =	vld [tilespmem:s11+$0x6000];
	_ =	sdelay $0x2  }
0xa9: {  	v0 =	vmul.f32 v1, v0;
	v1 =	vmul.f32 v2, v1;
	_ =	sdelay $0x1  }
.Ltmp2:
0xaa: {  	v0 =	vadd.f32 v4, v0;
	v1 =	vadd.f32 v3, v1;
	(pc) =	sbr.rel @p0 .LBB2_6-.Ltmp2, $4  }
0xab: {  	_ = 	snop  }
0xac: {  	s14 =	sshra.s32 s13, $0x2;
	[tilespmem:s11+$0x6000] =	vst v0  }
0xad: {  	s12 =	sadd.s32 $0x10, s12;
	v0 =	vld [tilespmem:s14+$0x5000];
	[tilespmem:s11+$0x6010] =	vst v1;
	s11 =	smov.u32 s14  }
0xae: {  	s13 =	sadd.s32 $0x80, s13;
	v1 =	vld.msk [tilespmem:s12+$0x0 ss:$0x0], $0xffff  }
0xaf: {  	v2 =	vld [tilespmem:s11+$0x5010]  }
0xb0: {  	v3 =	vld [tilespmem:s11+$0x6000]  }
0xb1: {  	v4 =	vld [tilespmem:s11+$0x6010];
	_ =	sdelay $0x1  }
0xb2: {  	v0 =	vmul.f32 v1, v0  }
0xb3: {  	v1 =	vmul.f32 v2, v1  }
0xb4: {  	v0 =	vadd.f32 v3, v0  }
0xb5: {  	v1 =	vadd.f32 v4, v1  }
0xb6: {  	[tilespmem:s11+$0x6000] =	vst v0  }
0xb7: {  	s12 =	rddreg [dreg:$0x9];
	[tilespmem:s11+$0x6010] =	vst v1  }
0xb8: {  	[hbm4b:s12+s8] =	stream.strided.scatter [tilespmem:s2], [sflag:$0x5], $0x1000, s9, s8, $0x38;
	[tilespmem:$0xC800] =	vst v63  }
0xb9: {  	_ =	swait.ge [sflag:s30], $0x1000  }
0xba: {  	[sflag:s30] =	ssyncset.done $0x0  }
0xbb: {  	[sflag:s30] =	ssyncadd.s32 $0xFFFFF000  }
0xbc: {  	[tilespmem:s31], [sflag:$0x5] =	stream.linear.gather [spmem:s25], $0x1000, $0x38;
	[tilespmem:$0xC800] =	vst v63  }
0xbd: {  	_ =	swait.ge [sflag:s30], $0x1000  }
0xbe: {  	[sflag:s30] =	ssyncset.done $0x0  }
0xbf: {  	s13 =	rddreg [dreg:$0xd];
	[sflag:s30] =	ssyncadd.s32 $0xFFFFF000  }
0xc0: {  	[tilespmem:s2], [sflag:$0x5] =	stream.strided.gather [hbm4b:s13+s8], $0x1000, s9, s8, $0x38;
	[tilespmem:$0xC800] =	vst v63  }
0xc1: {  	_ =	swait.ge [sflag:s30], $0x1000  }
0xc2: {  	s14 =	simm.s32 $0x0;
	[sflag:s30] =	ssyncset.done $0x0  }
0xc3: {  	s12 =	simm.s32 $0x7000;
	s13 =	rddreg [dreg:$0xa];
	[sflag:s30] =	ssyncadd.s32 $0xFFFFF000  }
0xc4: {  	[tilespmem:s12], [sflag:$0x5] =	stream.linear.gather [hbm4b:s13+s14], $0x800, $0x38;
	[tilespmem:$0xC800] =	vst v63  }
0xc5: {  	_ =	swait.ge [sflag:s30], $0x800  }
0xc6: {  	[sflag:s30] =	ssyncset.done $0x0  }
0xc7: {  	s11 =	simm.s32 $0x0;
	[sflag:s30] =	ssyncadd.s32 $0xFFFFF800  }
0xc8: {  	v0 =	vld [tilespmem:s11+$0x5000]  }
0xc9: {  	s13 =	simm.s32 $0x80;
	v1 =	vld.msk [tilespmem:s12+$0x0 ss:$0x0], $0xffff  }
.LBB2_8:
0xca: {  	p0 =	sne.s32 s13, $0x3F80;
	v2 =	vld [tilespmem:s11+$0x5010]  }
0xcb: {  	v3 =	vld [tilespmem:s11+$0x6010]  }
0xcc: {  	v4 =	vld [tilespmem:s11+$0x6000];
	_ =	sdelay $0x2  }
0xcd: {  	v0 =	vmul.f32 v1, v0;
	v1 =	vmul.f32 v2, v1;
	_ =	sdelay $0x1  }
.Ltmp3:
0xce: {  	v0 =	vadd.f32 v4, v0;
	v1 =	vadd.f32 v3, v1;
	(pc) =	sbr.rel @p0 .LBB2_8-.Ltmp3, $4  }
0xcf: {  	_ = 	snop  }
0xd0: {  	s14 =	sshra.s32 s13, $0x2;
	[tilespmem:s11+$0x6000] =	vst v0  }
0xd1: {  	s12 =	sadd.s32 $0x10, s12;
	v0 =	vld [tilespmem:s14+$0x5000];
	[tilespmem:s11+$0x6010] =	vst v1;
	s11 =	smov.u32 s14  }
0xd2: {  	s13 =	sadd.s32 $0x80, s13;
	v1 =	vld.msk [tilespmem:s12+$0x0 ss:$0x0], $0xffff  }
0xd3: {  	v2 =	vld [tilespmem:s11+$0x5010]  }
0xd4: {  	v3 =	vld [tilespmem:s11+$0x6000]  }
0xd5: {  	v4 =	vld [tilespmem:s11+$0x6010];
	_ =	sdelay $0x1  }
0xd6: {  	v0 =	vmul.f32 v1, v0  }
0xd7: {  	v1 =	vmul.f32 v2, v1  }
0xd8: {  	v0 =	vadd.f32 v3, v0  }
0xd9: {  	v1 =	vadd.f32 v4, v1  }
0xda: {  	[tilespmem:s11+$0x6000] =	vst v0  }
0xdb: {  	s13 =	rddreg [dreg:$0xe];
	[tilespmem:s11+$0x6010] =	vst v1  }
0xdc: {  	[hbm4b:s13+s8] =	stream.strided.scatter [tilespmem:s2], [sflag:$0x5], $0x1000, s9, s8, $0x38;
	[tilespmem:$0xC800] =	vst v63  }
0xdd: {  	_ =	swait.ge [sflag:s30], $0x1000  }
0xde: {  	[sflag:s30] =	ssyncset.done $0x0  }
0xdf: {  	[sflag:s30] =	ssyncadd.s32 $0xFFFFF000  }
0xe0: {  	[tilespmem:s31], [sflag:$0x5] =	stream.linear.gather [spmem:s26], $0x1000, $0x38;
	[tilespmem:$0xC800] =	vst v63  }
0xe1: {  	_ =	swait.ge [sflag:s30], $0x1000  }
0xe2: {  	[sflag:s30] =	ssyncset.done $0x0  }
0xe3: {  	[sflag:s30] =	ssyncadd.s32 $0xFFFFF000  }
0xe4: {  	[tilespmem:s2], [sflag:$0x5] =	stream.strided.gather [hbm4b:s16+s8], $0x1000, s9, s8, $0x38;
	[tilespmem:$0xC800] =	vst v63  }
0xe5: {  	_ =	swait.ge [sflag:s30], $0x1000  }
0xe6: {  	s14 =	simm.s32 $0x0;
	[sflag:s30] =	ssyncset.done $0x0  }
0xe7: {  	s12 =	simm.s32 $0x7000;
	s13 =	rddreg [dreg:$0xb];
	[sflag:s30] =	ssyncadd.s32 $0xFFFFF000  }
0xe8: {  	[tilespmem:s12], [sflag:$0x5] =	stream.linear.gather [hbm4b:s13+s14], $0x800, $0x38;
	[tilespmem:$0xC800] =	vst v63  }
0xe9: {  	_ =	swait.ge [sflag:s30], $0x800  }
0xea: {  	[sflag:s30] =	ssyncset.done $0x0  }
0xeb: {  	s11 =	simm.s32 $0x0;
	[sflag:s30] =	ssyncadd.s32 $0xFFFFF800  }
0xec: {  	v0 =	vld [tilespmem:s11+$0x5000]  }
0xed: {  	s13 =	simm.s32 $0x80;
	v1 =	vld.msk [tilespmem:s12+$0x0 ss:$0x0], $0xffff  }
.LBB2_10:
0xee: {  	p0 =	sne.s32 s13, $0x3F80;
	v2 =	vld [tilespmem:s11+$0x5010]  }
0xef: {  	v3 =	vld [tilespmem:s11+$0x6010]  }
0xf0: {  	v4 =	vld [tilespmem:s11+$0x6000];
	_ =	sdelay $0x2  }
0xf1: {  	v0 =	vmul.f32 v1, v0;
	v1 =	vmul.f32 v2, v1;
	_ =	sdelay $0x1  }
.Ltmp4:
0xf2: {  	v0 =	vadd.f32 v4, v0;
	v1 =	vadd.f32 v3, v1;
	(pc) =	sbr.rel @p0 .LBB2_10-.Ltmp4, $4  }
0xf3: {  	_ = 	snop  }
0xf4: {  	s14 =	sshra.s32 s13, $0x2;
	[tilespmem:s11+$0x6000] =	vst v0  }
0xf5: {  	s12 =	sadd.s32 $0x10, s12;
	v0 =	vld [tilespmem:s14+$0x5000];
	[tilespmem:s11+$0x6010] =	vst v1;
	s11 =	smov.u32 s14  }
0xf6: {  	s13 =	sadd.s32 $0x80, s13;
	v1 =	vld.msk [tilespmem:s12+$0x0 ss:$0x0], $0xffff  }
0xf7: {  	v2 =	vld [tilespmem:s11+$0x5010]  }
0xf8: {  	v3 =	vld [tilespmem:s11+$0x6000]  }
0xf9: {  	v4 =	vld [tilespmem:s11+$0x6010];
	_ =	sdelay $0x1  }
0xfa: {  	v0 =	vmul.f32 v1, v0  }
0xfb: {  	v1 =	vmul.f32 v2, v1  }
0xfc: {  	v0 =	vadd.f32 v3, v0  }
0xfd: {  	v1 =	vadd.f32 v4, v1  }
0xfe: {  	[tilespmem:s11+$0x6000] =	vst v0  }
0xff: {  	[tilespmem:s11+$0x6010] =	vst v1  }
0x100: {  	[hbm4b:s17+s8] =	stream.strided.scatter [tilespmem:s2], [sflag:$0x5], $0x1000, s9, s8, $0x38;
	[tilespmem:$0xC800] =	vst v63  }
0x101: {  	_ =	swait.ge [sflag:s30], $0x1000  }
0x102: {  	[sflag:s30] =	ssyncset.done $0x0  }
0x103: {  	[sflag:s30] =	ssyncadd.s32 $0xFFFFF000  }
0x104: {  	[tilespmem:s31], [sflag:$0x5] =	stream.linear.gather [spmem:s28], $0x1000, $0x38;
	[tilespmem:$0xC800] =	vst v63  }
0x105: {  	_ =	swait.ge [sflag:s30], $0x1000  }
0x106: {  	[sflag:s30] =	ssyncset.done $0x0  }
0x107: {  	[sflag:s30] =	ssyncadd.s32 $0xFFFFF000  }
0x108: {  	[tilespmem:s2], [sflag:$0x5] =	stream.strided.gather [hbm4b:s18+s8], $0x1000, s9, s8, $0x38;
	[tilespmem:$0xC800] =	vst v63  }
0x109: {  	_ =	swait.ge [sflag:s30], $0x1000  }
0x10a: {  	s14 =	simm.s32 $0x0;
	[sflag:s30] =	ssyncset.done $0x0  }
0x10b: {  	s12 =	simm.s32 $0x7000;
	s13 =	rddreg [dreg:$0xc];
	[sflag:s30] =	ssyncadd.s32 $0xFFFFF000  }
0x10c: {  	[tilespmem:s12], [sflag:$0x5] =	stream.linear.gather [hbm4b:s13+s14], $0x800, $0x38;
	[tilespmem:$0xC800] =	vst v63  }
0x10d: {  	_ =	swait.ge [sflag:s30], $0x800  }
0x10e: {  	[sflag:s30] =	ssyncset.done $0x0  }
0x10f: {  	s11 =	simm.s32 $0x0;
	[sflag:s30] =	ssyncadd.s32 $0xFFFFF800  }
0x110: {  	v0 =	vld [tilespmem:s11+$0x5000]  }
0x111: {  	s13 =	simm.s32 $0x80;
	v1 =	vld.msk [tilespmem:s12+$0x0 ss:$0x0], $0xffff  }
.LBB2_12:
0x112: {  	p0 =	sne.s32 s13, $0x3F80;
	v2 =	vld [tilespmem:s11+$0x5010]  }
0x113: {  	v3 =	vld [tilespmem:s11+$0x6010]  }
0x114: {  	v4 =	vld [tilespmem:s11+$0x6000];
	_ =	sdelay $0x2  }
0x115: {  	v0 =	vmul.f32 v1, v0;
	v1 =	vmul.f32 v2, v1;
	_ =	sdelay $0x1  }
.Ltmp5:
0x116: {  	v0 =	vadd.f32 v4, v0;
	v1 =	vadd.f32 v3, v1;
	(pc) =	sbr.rel @p0 .LBB2_12-.Ltmp5, $4  }
0x117: {  	_ = 	snop  }
0x118: {  	s14 =	sshra.s32 s13, $0x2;
	[tilespmem:s11+$0x6000] =	vst v0  }
0x119: {  	s12 =	sadd.s32 $0x10, s12;
	v0 =	vld [tilespmem:s14+$0x5000];
	[tilespmem:s11+$0x6010] =	vst v1;
	s11 =	smov.u32 s14  }
0x11a: {  	s13 =	sadd.s32 $0x80, s13;
	v1 =	vld.msk [tilespmem:s12+$0x0 ss:$0x0], $0xffff  }
0x11b: {  	v2 =	vld [tilespmem:s11+$0x5010]  }
0x11c: {  	v3 =	vld [tilespmem:s11+$0x6000]  }
0x11d: {  	v4 =	vld [tilespmem:s11+$0x6010];
	_ =	sdelay $0x1  }
0x11e: {  	v0 =	vmul.f32 v1, v0  }
0x11f: {  	v63 =	vmul.f32 v2, v1  }
0x120: {  	v0 =	vadd.f32 v3, v0  }
0x121: {  	s10 =	sadd.s32 $0x1, s10;
	v1 =	vadd.f32 v4, v63  }
0x122: {  	p0 =	sne.s32 s10, s29;
	[tilespmem:s11+$0x6000] =	vst v0  }
.Ltmp6:
0x123: {  	[tilespmem:s11+$0x6010] =	vst v1;
	(pc) =	sbr.rel @p0 .LBB2_1-.Ltmp6, $4  }
0x124: {  	[hbm4b:s19+s8] =	stream.strided.scatter [tilespmem:s2], [sflag:$0x5], $0x1000, s9, s8, $0x38;
	[tilespmem:$0xC800] =	vst v63  }
0x125: {  	_ =	swait.ge [sflag:s30], $0x1000  }
0x126: {  	[sflag:s30] =	ssyncset.done $0x0  }
0x127: {  	[sflag:s30] =	ssyncadd.s32 $0xFFFFF000  }
0x128: {  	_ =	sfence.sel $0x180000  }
0x129: {  	[bflag:$0x0] =	sbarrier.arrive $0xFFFF  }
0x12a: {  	_ =	strace $0x9000004A  }
0x12b: {  	s0 =	stileid.u32;
	[bflag:$0x2] =	sbarrier.arrive $0xFFFF  }
0x12c: {  	p0 =	sne.s32 s0, $0x0;
	s0 =	rddreg [dreg:$0x3]  }
0x12d: {  	s0 =	sadd.s32 @!p0 $0x100000, s0  }
0x12e: {  	[sflag:s0] =	ssyncadd.tile.s32 @!p0 $0x1;
	_ =	shalt  }
.Lfunc_end2:
_tile_overlayer_lowered:
.L_overlay_start_2:
0x12f: {  	(tag) =	ssettag $0x2  }
0x130: {  	s0 =	rddreg [dreg:$0x0];
	s2 =	stileid.u32  }
0x131: {  	s1 =	rddreg [dreg:$0x1];
	p0 =	sne.s32 s2, $0x0  }
0x132: {  	s3 =	rddreg [dreg:$0x2];
	[bflag:$0x3] =	sbarrier.arrive $0xFFFF;
	s2 =	simm.s32 @!p0 $0x1C05  }
0x133: {  	[timem:s3], [sflag:s2] =	dma.local @!p0 [hbm:s0], s1  }
0x134: {  	s0 =	simm.s32 @!p0 $0x5  }
0x135: {  	_ =	swait.ge @!p0 [sflag:s0], s1  }
0x136: {  	s1 =	ssub.s32 @!p0 $0x0, s1;
	[sflag:s0] =	ssyncset.done @!p0 $0x0  }
0x137: {  	[sflag:s0] =	ssyncadd.s32 @!p0 s1  }
0x138: {  	[bflag:$0x3] =	sbarrier.arrive $0xFFFF  }
0x139: {  	_ =	shalt  }

</sc_bundles>
